<compile_context>
chip_gen: v7x
topology: tpu7x:2x2x1
jax: 0.10.2.dev20260603
libtpu: 0.0.44.dev20260713+nightly
codegen_flags: <defaults>
</compile_context>

<pallas_src>
import functools

import jax
import jax.numpy as jnp
from jax import lax
from jax.experimental import pallas as pl
from jax.experimental.pallas import tpu as pltpu
from jax.experimental.pallas import tpu_sc as plsc

B = 16384
D = 32
NR = 1000000
NW = 32
BPW = B // NW
PK = BPW // 4
CHB = 32
NCHK = BPW // CHB


@functools.cache
def _build_sc_gather():
    mesh = plsc.VectorSubcoreMesh(core_axis_name="c", subcore_axis_name="s")

    @functools.partial(
        pl.kernel,
        mesh=mesh,
        out_type=(
            jax.ShapeDtypeStruct((B // 4, 128), jnp.float32),
            jax.ShapeDtypeStruct((B // 4, 128), jnp.float32),
            jax.ShapeDtypeStruct((B // 4, 128), jnp.float32),
        ),
        scratch_types=(
            pltpu.VMEM((BPW,), jnp.int32),
            pltpu.VMEM((BPW,), jnp.int32),
            pltpu.VMEM((PK, 128), jnp.float32),
            pltpu.VMEM((PK, 128), jnp.float32),
            pltpu.VMEM((PK, 128), jnp.float32),
            pltpu.VMEM((PK, 128), jnp.float32),
            pltpu.SemaphoreType.DMA,
        ),
    )
    def _sc_gather(uidx_hbm, iidx_hbm,
                   umf_hbm, imf_hbm, umlp_hbm, imlp_hbm,
                   mf_out, umlp_out, imlp_out,
                   uidx_v, iidx_v, pk_a, pk_b, pk_c, pk_d,
                   sem):
        wid = lax.axis_index("s") * 2 + lax.axis_index("c")
        pbase = wid * PK

        pltpu.sync_copy(uidx_hbm.at[wid], uidx_v)
        pltpu.sync_copy(iidx_hbm.at[wid], iidx_v)

        def fire_into(tbl, idx_v, pk):
            def body(g, carry):
                vec = idx_v[pl.ds(g * 16, 16)]
                for k in range(16):
                    r = vec[k]
                    q = g * 4 + k // 4
                    lane = (k % 4) * D
                    pltpu.async_copy(tbl.at[r], pk.at[q, pl.ds(lane, D)],
                                     sem)
                return carry
            lax.fori_loop(0, BPW // 16, body, 0)

        fire_into(umf_hbm, uidx_v, pk_a)
        fire_into(imf_hbm, iidx_v, pk_b)
        fire_into(umlp_hbm, uidx_v, pk_c)
        fire_into(imlp_hbm, iidx_v, pk_d)

        for _ in range(4):
            pltpu.make_async_copy(
                mf_out.at[pl.ds(0, PK)], pk_a, sem).wait()

        def prod(i, carry):
            for h in range(8):
                s = pl.ds(h * 16, 16)
                pk_a[i, s] = pk_a[i, s] * pk_b[i, s]
            return carry
        lax.fori_loop(0, PK, prod, 0)

        pltpu.sync_copy(pk_a, mf_out.at[pl.ds(pbase, PK)])
        pltpu.sync_copy(pk_c, umlp_out.at[pl.ds(pbase, PK)])
        pltpu.sync_copy(pk_d, imlp_out.at[pl.ds(pbase, PK)])

    return _sc_gather


BT = 1024


def _dense_body(mf_ref, umlp_ref, imlp_ref, b1u_ref, b1i_ref, b1_ref,
                b2w_ref, b2_ref, b3w_ref, b3_ref, bpmf_ref, bph_ref, bp_ref,
                out_ref):
    u = umlp_ref[...]
    it = imlp_ref[...]
    h = u @ b1u_ref[...] + it @ b1i_ref[...] + b1_ref[...]
    h = jnp.maximum(h, 0.0)
    h = jnp.maximum(h @ b2w_ref[...] + b2_ref[...], 0.0)
    h = h @ b3w_ref[...] + b3_ref[...]
    out_ref[...] = (mf_ref[...] @ bpmf_ref[...] + h @ bph_ref[...]
                    + bp_ref[...])


def _dense(mf, umlp, imlp, b1u, b1i, b1t, b2w, b2t, b3w, b3t, bpmf, bph, bp1):
    grid = ((B // 4) // BT,)
    row_spec = pl.BlockSpec((BT, 128), lambda i: (i, 0))
    full = lambda shape: pl.BlockSpec(shape, lambda i: (0,) * len(shape))
    return pl.pallas_call(
        _dense_body,
        grid=grid,
        in_specs=[
            row_spec, row_spec, row_spec,
            full((128, 256)), full((128, 256)), full((1, 256)),
            full((256, 128)), full((1, 128)),
            full((128, 64)), full((1, 64)),
            full((128, 4)), full((64, 4)), full((1, 1)),
        ],
        out_specs=pl.BlockSpec((BT, 4), lambda i: (i, 0)),
        out_shape=jax.ShapeDtypeStruct((B // 4, 4), jnp.float32),
    )(mf, umlp, imlp, b1u, b1i, b1t, b2w, b2t, b3w, b3t, bpmf, bph, bp1)


def kernel(user_indices, item_indices, embed_user_mf, embed_item_mf,
           embed_user_mlp, embed_item_mlp, W1, b1, W2, b2, W3, b3, Wp, bp):
    ui = user_indices.astype(jnp.int32).reshape(NW, BPW)
    ii = item_indices.astype(jnp.int32).reshape(NW, BPW)
    mfp, umlp_p, imlp_p = _build_sc_gather()(
        ui, ii, embed_user_mf, embed_item_mf, embed_user_mlp, embed_item_mlp)

    eye4 = jnp.eye(4, dtype=jnp.float32)
    b1u = jnp.kron(eye4, W1[:D])
    b1i = jnp.kron(eye4, W1[D:])
    b2w = jnp.kron(eye4, W2)
    b3w = jnp.kron(eye4, W3)
    bpmf = jnp.kron(eye4, Wp[:D])
    bph = jnp.kron(eye4, Wp[D:])
    out4 = _dense(
        mfp, umlp_p, imlp_p,
        b1u, b1i, jnp.tile(b1, 4).reshape(1, 256),
        b2w, jnp.tile(b2, 4).reshape(1, 128),
        b3w, jnp.tile(b3, 4).reshape(1, 64),
        bpmf, bph, bp.reshape(1, 1))
    return out4.reshape(B)

# --- scband reference (transcript-rebuilt; emitter-appended) ---
"""Pipeline reference for scband-kzone-neu-mf-18717467476094 (READ-ONLY COPY).

The authoritative reference and input builder live on the scoring server;
editing this copy changes nothing except your own understanding.
"""

import jax, jax.numpy as jnp
import numpy as np

B = 16384
NU = 1000000
NI = 1000000
MF = 32
MLP = 32


def setup_inputs(seed: int = 0) -> dict:
    key = jax.random.key(seed)
    ks = jax.random.split(key, 14)
    inp = {}
    inp["user_indices"] = jax.random.randint(ks[0], (B,), 0, NU, dtype=jnp.int64) if jax.config.jax_enable_x64 else jax.random.randint(ks[0], (B,), 0, NU)
    inp["item_indices"] = jax.random.randint(ks[1], (B,), 0, NI)
    s = 0.02
    inp["embed_user_mf"] = jax.random.normal(ks[2], (NU, MF), dtype=jnp.float32) * s
    inp["embed_item_mf"] = jax.random.normal(ks[3], (NI, MF), dtype=jnp.float32) * s
    inp["embed_user_mlp"] = jax.random.normal(ks[4], (NU, MLP), dtype=jnp.float32) * s
    inp["embed_item_mlp"] = jax.random.normal(ks[5], (NI, MLP), dtype=jnp.float32) * s
    inp["W1"] = jax.random.normal(ks[6], (2 * MLP, 64), dtype=jnp.float32) * 0.05
    inp["b1"] = jnp.zeros((64,), dtype=jnp.float32)
    inp["W2"] = jax.random.normal(ks[7], (64, 32), dtype=jnp.float32) * 0.05
    inp["b2"] = jnp.zeros((32,), dtype=jnp.float32)
    inp["W3"] = jax.random.normal(ks[8], (32, 16), dtype=jnp.float32) * 0.05
    inp["b3"] = jnp.zeros((16,), dtype=jnp.float32)
    inp["Wp"] = jax.random.normal(ks[9], (MF + 16, 1), dtype=jnp.float32) * 0.05
    inp["bp"] = jnp.zeros((1,), dtype=jnp.float32)
    return inp


def reference(user_indices, item_indices, embed_user_mf, embed_item_mf, embed_user_mlp, embed_item_mlp, W1, b1, W2, b2, W3, b3, Wp, bp):
    # GMF branch: gather + elementwise product
    user_mf = jnp.take(embed_user_mf, user_indices, axis=0)
    item_mf = jnp.take(embed_item_mf, item_indices, axis=0)
    mf_vector = user_mf * item_mf
    # MLP branch: gather + concat + small MLP (dropout is identity in eval mode)
    user_mlp = jnp.take(embed_user_mlp, user_indices, axis=0)
    item_mlp = jnp.take(embed_item_mlp, item_indices, axis=0)
    mlp_vector = jnp.concatenate([user_mlp, item_mlp], axis=-1)
    h = jax.nn.relu(mlp_vector @ W1 + b1)
    h = jax.nn.relu(h @ W2 + b2)
    h = h @ W3 + b3
    combined = jnp.concatenate([mf_vector, h], axis=-1)
    out = combined @ Wp + bp
    return jnp.squeeze(out)

if __name__ == "__main__":
    import jax
    _d = setup_inputs()
    print(jax.jit(kernel)(*tuple(_d.values())))

</pallas_src>

<mosaic_0001>
#map = affine_map<(d0, d1) -> (0, 0)>
module attributes {stable_mosaic.version = 14 : i64} {
  func.func @_sc_gather(%arg0: i32, %arg1: i32, %arg2: memref<32x512xi32, #tpu.memory_space<hbm>>, %arg3: memref<32x512xi32, #tpu.memory_space<hbm>>, %arg4: memref<1000000x32xf32, #tpu.memory_space<hbm>>, %arg5: memref<1000000x32xf32, #tpu.memory_space<hbm>>, %arg6: memref<1000000x32xf32, #tpu.memory_space<hbm>>, %arg7: memref<1000000x32xf32, #tpu.memory_space<hbm>>, %arg8: memref<4096x128xf32, #tpu.memory_space<hbm>>, %arg9: memref<4096x128xf32, #tpu.memory_space<hbm>>, %arg10: memref<4096x128xf32, #tpu.memory_space<hbm>>, %arg11: memref<512xi32, #tpu.memory_space<vmem>>, %arg12: memref<512xi32, #tpu.memory_space<vmem>>, %arg13: memref<128x128xf32, #tpu.memory_space<vmem>>, %arg14: memref<128x128xf32, #tpu.memory_space<vmem>>, %arg15: memref<128x128xf32, #tpu.memory_space<vmem>>, %arg16: memref<128x128xf32, #tpu.memory_space<vmem>>, %arg17: memref<!tpu.dma_semaphore, #tpu.memory_space<semaphore_mem>>) attributes {dimension_semantics = [#tpu.dimension_semantics<core_parallel>, #tpu.dimension_semantics<subcore_parallel>], iteration_bounds = array<i64: 2, 16>, scalar_prefetch = 0 : i64, scratch_operands = 7 : i64, tpu.core_type = #tpu.core_type<sc_vector_subcore>, window_params = [{transform_indices = #map}, {transform_indices = #map}, {transform_indices = #map}, {transform_indices = #map}, {transform_indices = #map}, {transform_indices = #map}, {transform_indices = #map}, {transform_indices = #map}, {transform_indices = #map}]} {
    %mul3A = arith.constant 2 : i32
    %mul3A_0 = arith.muli %arg1, %mul3A : i32
    %add3A = arith.addi %mul3A_0, %arg0 : i32
    %mul3A_1 = arith.constant 128 : i32
    %mul3A_2 = arith.muli %add3A, %mul3A_1 : i32
    "tpu.region"() ({
      %run_scoped3A = tpu.sem_alloc : memref<!tpu.dma_semaphore, #tpu.memory_space<semaphore_mem>>
      %dma_start3A = arith.constant 0 : i32
      %dma_start3A_55 = tpu.memref_slice %arg2[%add3A, %dma_start3A] : memref<32x512xi32, #tpu.memory_space<hbm>> -> memref<1x512xi32, #tpu.memory_space<hbm>>
      %dma_start3A_56 = tpu.memref_squeeze %dma_start3A_55 : memref<1x512xi32, #tpu.memory_space<hbm>> -> memref<512xi32, #tpu.memory_space<hbm>>
      %dma_start3A_57 = arith.constant 0 : i32
      %dma_start3A_58 = tpu.memref_slice %arg2[%add3A, %dma_start3A_57] : memref<32x512xi32, #tpu.memory_space<hbm>> -> memref<1x512xi32, #tpu.memory_space<hbm>>
      %dma_start3A_59 = tpu.memref_squeeze %dma_start3A_58 : memref<1x512xi32, #tpu.memory_space<hbm>> -> memref<512xi32, #tpu.memory_space<hbm>>
      tpu.enqueue_dma source(%dma_start3A_59 : memref<512xi32, #tpu.memory_space<hbm>>) target(%arg11 : memref<512xi32, #tpu.memory_space<vmem>>) target_semaphore(%run_scoped3A : memref<!tpu.dma_semaphore, #tpu.memory_space<semaphore_mem>>)
      %dma_wait3A_60 = arith.constant 0 : i32
      %dma_wait3A_61 = tpu.memref_slice %arg2[%add3A, %dma_wait3A_60] : memref<32x512xi32, #tpu.memory_space<hbm>> -> memref<1x512xi32, #tpu.memory_space<hbm>>
      %dma_wait3A_62 = tpu.memref_squeeze %dma_wait3A_61 : memref<1x512xi32, #tpu.memory_space<hbm>> -> memref<512xi32, #tpu.memory_space<hbm>>
      %dma_wait3A_63 = arith.constant 0 : i32
      %dma_wait3A_64 = tpu.memref_slice %arg2[%add3A, %dma_wait3A_63] : memref<32x512xi32, #tpu.memory_space<hbm>> -> memref<1x512xi32, #tpu.memory_space<hbm>>
      %dma_wait3A_65 = tpu.memref_squeeze %dma_wait3A_64 : memref<1x512xi32, #tpu.memory_space<hbm>> -> memref<512xi32, #tpu.memory_space<hbm>>
      tpu.wait_dma2 semaphore(%run_scoped3A : memref<!tpu.dma_semaphore, #tpu.memory_space<semaphore_mem>>) src(%dma_wait3A_65 : memref<512xi32, #tpu.memory_space<hbm>>) dst(%arg11 : memref<512xi32, #tpu.memory_space<vmem>>)
      tpu.yield
    }) : () -> ()
    "tpu.region"() ({
      %run_scoped3A = tpu.sem_alloc : memref<!tpu.dma_semaphore, #tpu.memory_space<semaphore_mem>>
      %dma_start3A = arith.constant 0 : i32
      %dma_start3A_55 = tpu.memref_slice %arg3[%add3A, %dma_start3A] : memref<32x512xi32, #tpu.memory_space<hbm>> -> memref<1x512xi32, #tpu.memory_space<hbm>>
      %dma_start3A_56 = tpu.memref_squeeze %dma_start3A_55 : memref<1x512xi32, #tpu.memory_space<hbm>> -> memref<512xi32, #tpu.memory_space<hbm>>
      %dma_start3A_57 = arith.constant 0 : i32
      %dma_start3A_58 = tpu.memref_slice %arg3[%add3A, %dma_start3A_57] : memref<32x512xi32, #tpu.memory_space<hbm>> -> memref<1x512xi32, #tpu.memory_space<hbm>>
      %dma_start3A_59 = tpu.memref_squeeze %dma_start3A_58 : memref<1x512xi32, #tpu.memory_space<hbm>> -> memref<512xi32, #tpu.memory_space<hbm>>
      tpu.enqueue_dma source(%dma_start3A_59 : memref<512xi32, #tpu.memory_space<hbm>>) target(%arg12 : memref<512xi32, #tpu.memory_space<vmem>>) target_semaphore(%run_scoped3A : memref<!tpu.dma_semaphore, #tpu.memory_space<semaphore_mem>>)
      %dma_wait3A_60 = arith.constant 0 : i32
      %dma_wait3A_61 = tpu.memref_slice %arg3[%add3A, %dma_wait3A_60] : memref<32x512xi32, #tpu.memory_space<hbm>> -> memref<1x512xi32, #tpu.memory_space<hbm>>
      %dma_wait3A_62 = tpu.memref_squeeze %dma_wait3A_61 : memref<1x512xi32, #tpu.memory_space<hbm>> -> memref<512xi32, #tpu.memory_space<hbm>>
      %dma_wait3A_63 = arith.constant 0 : i32
      %dma_wait3A_64 = tpu.memref_slice %arg3[%add3A, %dma_wait3A_63] : memref<32x512xi32, #tpu.memory_space<hbm>> -> memref<1x512xi32, #tpu.memory_space<hbm>>
      %dma_wait3A_65 = tpu.memref_squeeze %dma_wait3A_64 : memref<1x512xi32, #tpu.memory_space<hbm>> -> memref<512xi32, #tpu.memory_space<hbm>>
      tpu.wait_dma2 semaphore(%run_scoped3A : memref<!tpu.dma_semaphore, #tpu.memory_space<semaphore_mem>>) src(%dma_wait3A_65 : memref<512xi32, #tpu.memory_space<hbm>>) dst(%arg12 : memref<512xi32, #tpu.memory_space<vmem>>)
      tpu.yield
    }) : () -> ()
    %scan3A = arith.constant 0 : i32
    %scan3A_3 = arith.constant 0 : i32
    %scan3A_4 = arith.constant 32 : i32
    %scan3A_5 = arith.addi %scan3A_3, %scan3A_4 : i32
    %scan3A_6 = arith.constant 1 : i32
    scf.for %scan3A_55 = %scan3A_3 to %scan3A_5 step %scan3A_6  : i32 {
      %mul3A_56 = arith.constant 16 : i32
      %mul3A_57 = arith.muli %scan3A_55, %mul3A_56 : i32
      %get3A = arith.index_cast %mul3A_57 : i32 to index
      %get3A_58 = tpu.vector_load %arg11[%get3A] {strides = array<i32>} : memref<512xi32, #tpu.memory_space<vmem>>, vector<16xi32>,
      %get3A_59 = vector.shape_cast %get3A_58 : vector<16xi32> to vector<16xi32>
      %slice3A = vector.extract_strided_slice %get3A_59 {offsets = [0], sizes = [1], strides = [1]} : vector<16xi32> to vector<1xi32>
      %squeeze3A = vector.extract %slice3A[0] : i32 from vector<1xi32>
      %mul3A_60 = arith.constant 4 : i32
      %mul3A_61 = arith.muli %scan3A_55, %mul3A_60 : i32
      %add3A_62 = arith.constant 0 : i32
      %add3A_63 = arith.addi %mul3A_61, %add3A_62 : i32
      %dma_start3A = arith.constant 0 : i32
      %dma_start3A_64 = tpu.memref_slice %arg13[%add3A_63, %dma_start3A] : memref<128x128xf32, #tpu.memory_space<vmem>> -> memref<1x32xf32, #tpu.memory_space<vmem>>
      %dma_start3A_65 = tpu.memref_squeeze %dma_start3A_64 : memref<1x32xf32, #tpu.memory_space<vmem>> -> memref<32xf32, #tpu.memory_space<vmem>>
      %dma_start3A_66 = arith.constant 0 : i32
      %dma_start3A_67 = tpu.memref_slice %arg4[%squeeze3A, %dma_start3A_66] : memref<1000000x32xf32, #tpu.memory_space<hbm>> -> memref<1x32xf32, #tpu.memory_space<hbm>>
      %dma_start3A_68 = tpu.memref_squeeze %dma_start3A_67 : memref<1x32xf32, #tpu.memory_space<hbm>> -> memref<32xf32, #tpu.memory_space<hbm>>
      %dma_start3A_69 = arith.constant 0 : i32
      %dma_start3A_70 = tpu.memref_slice %arg13[%add3A_63, %dma_start3A_69] : memref<128x128xf32, #tpu.memory_space<vmem>> -> memref<1x32xf32, #tpu.memory_space<vmem>>
      %dma_start3A_71 = tpu.memref_squeeze %dma_start3A_70 : memref<1x32xf32, #tpu.memory_space<vmem>> -> memref<32xf32, #tpu.memory_space<vmem>>
      %dma_start3A_72 = arith.constant 0 : i32
      %dma_start3A_73 = tpu.memref_slice %arg4[%squeeze3A, %dma_start3A_72] : memref<1000000x32xf32, #tpu.memory_space<hbm>> -> memref<1x32xf32, #tpu.memory_space<hbm>>
      %dma_start3A_74 = tpu.memref_squeeze %dma_start3A_73 : memref<1x32xf32, #tpu.memory_space<hbm>> -> memref<32xf32, #tpu.memory_space<hbm>>
      tpu.enqueue_dma source(%dma_start3A_74 : memref<32xf32, #tpu.memory_space<hbm>>) target(%dma_start3A_71 : memref<32xf32, #tpu.memory_space<vmem>>) target_semaphore(%arg17 : memref<!tpu.dma_semaphore, #tpu.memory_space<semaphore_mem>>)
      %slice3A_75 = vector.extract_strided_slice %get3A_59 {offsets = [1], sizes = [1], strides = [1]} : vector<16xi32> to vector<1xi32>
      %squeeze3A_76 = vector.extract %slice3A_75[0] : i32 from vector<1xi32>
      %mul3A_77 = arith.constant 4 : i32
      %mul3A_78 = arith.muli %scan3A_55, %mul3A_77 : i32
      %add3A_79 = arith.constant 0 : i32
      %add3A_80 = arith.addi %mul3A_78, %add3A_79 : i32
      %dma_start3A_81 = arith.constant 32 : i32
      %dma_start3A_82 = tpu.memref_slice %arg13[%add3A_80, %dma_start3A_81] : memref<128x128xf32, #tpu.memory_space<vmem>> -> memref<1x32xf32, #tpu.memory_space<vmem>>
      %dma_start3A_83 = tpu.memref_squeeze %dma_start3A_82 : memref<1x32xf32, #tpu.memory_space<vmem>> -> memref<32xf32, #tpu.memory_space<vmem>>
      %dma_start3A_84 = arith.constant 0 : i32
      %dma_start3A_85 = tpu.memref_slice %arg4[%squeeze3A_76, %dma_start3A_84] : memref<1000000x32xf32, #tpu.memory_space<hbm>> -> memref<1x32xf32, #tpu.memory_space<hbm>>
      %dma_start3A_86 = tpu.memref_squeeze %dma_start3A_85 : memref<1x32xf32, #tpu.memory_space<hbm>> -> memref<32xf32, #tpu.memory_space<hbm>>
      %dma_start3A_87 = arith.constant 32 : i32
      %dma_start3A_88 = tpu.memref_slice %arg13[%add3A_80, %dma_start3A_87] : memref<128x128xf32, #tpu.memory_space<vmem>> -> memref<1x32xf32, #tpu.memory_space<vmem>>
      %dma_start3A_89 = tpu.memref_squeeze %dma_start3A_88 : memref<1x32xf32, #tpu.memory_space<vmem>> -> memref<32xf32, #tpu.memory_space<vmem>>
      %dma_start3A_90 = arith.constant 0 : i32
      %dma_start3A_91 = tpu.memref_slice %arg4[%squeeze3A_76, %dma_start3A_90] : memref<1000000x32xf32, #tpu.memory_space<hbm>> -> memref<1x32xf32, #tpu.memory_space<hbm>>
      %dma_start3A_92 = tpu.memref_squeeze %dma_start3A_91 : memref<1x32xf32, #tpu.memory_space<hbm>> -> memref<32xf32, #tpu.memory_space<hbm>>
      tpu.enqueue_dma source(%dma_start3A_92 : memref<32xf32, #tpu.memory_space<hbm>>) target(%dma_start3A_89 : memref<32xf32, #tpu.memory_space<vmem>>) target_semaphore(%arg17 : memref<!tpu.dma_semaphore, #tpu.memory_space<semaphore_mem>>)
      %slice3A_93 = vector.extract_strided_slice %get3A_59 {offsets = [2], sizes = [1], strides = [1]} : vector<16xi32> to vector<1xi32>
      %squeeze3A_94 = vector.extract %slice3A_93[0] : i32 from vector<1xi32>
      %mul3A_95 = arith.constant 4 : i32
      %mul3A_96 = arith.muli %scan3A_55, %mul3A_95 : i32
      %add3A_97 = arith.constant 0 : i32
      %add3A_98 = arith.addi %mul3A_96, %add3A_97 : i32
      %dma_start3A_99 = arith.constant 64 : i32
      %dma_start3A_100 = tpu.memref_slice %arg13[%add3A_98, %dma_start3A_99] : memref<128x128xf32, #tpu.memory_space<vmem>> -> memref<1x32xf32, #tpu.memory_space<vmem>>
      %dma_start3A_101 = tpu.memref_squeeze %dma_start3A_100 : memref<1x32xf32, #tpu.memory_space<vmem>> -> memref<32xf32, #tpu.memory_space<vmem>>
      %dma_start3A_102 = arith.constant 0 : i32
      %dma_start3A_103 = tpu.memref_slice %arg4[%squeeze3A_94, %dma_start3A_102] : memref<1000000x32xf32, #tpu.memory_space<hbm>> -> memref<1x32xf32, #tpu.memory_space<hbm>>
      %dma_start3A_104 = tpu.memref_squeeze %dma_start3A_103 : memref<1x32xf32, #tpu.memory_space<hbm>> -> memref<32xf32, #tpu.memory_space<hbm>>
      %dma_start3A_105 = arith.constant 64 : i32
      %dma_start3A_106 = tpu.memref_slice %arg13[%add3A_98, %dma_start3A_105] : memref<128x128xf32, #tpu.memory_space<vmem>> -> memref<1x32xf32, #tpu.memory_space<vmem>>
      %dma_start3A_107 = tpu.memref_squeeze %dma_start3A_106 : memref<1x32xf32, #tpu.memory_space<vmem>> -> memref<32xf32, #tpu.memory_space<vmem>>
      %dma_start3A_108 = arith.constant 0 : i32
      %dma_start3A_109 = tpu.memref_slice %arg4[%squeeze3A_94, %dma_start3A_108] : memref<1000000x32xf32, #tpu.memory_space<hbm>> -> memref<1x32xf32, #tpu.memory_space<hbm>>
      %dma_start3A_110 = tpu.memref_squeeze %dma_start3A_109 : memref<1x32xf32, #tpu.memory_space<hbm>> -> memref<32xf32, #tpu.memory_space<hbm>>
      tpu.enqueue_dma source(%dma_start3A_110 : memref<32xf32, #tpu.memory_space<hbm>>) target(%dma_start3A_107 : memref<32xf32, #tpu.memory_space<vmem>>) target_semaphore(%arg17 : memref<!tpu.dma_semaphore, #tpu.memory_space<semaphore_mem>>)
      %slice3A_111 = vector.extract_strided_slice %get3A_59 {offsets = [3], sizes = [1], strides = [1]} : vector<16xi32> to vector<1xi32>
      %squeeze3A_112 = vector.extract %slice3A_111[0] : i32 from vector<1xi32>
      %mul3A_113 = arith.constant 4 : i32
      %mul3A_114 = arith.muli %scan3A_55, %mul3A_113 : i32
      %add3A_115 = arith.constant 0 : i32
      %add3A_116 = arith.addi %mul3A_114, %add3A_115 : i32
      %dma_start3A_117 = arith.constant 96 : i32
      %dma_start3A_118 = tpu.memref_slice %arg13[%add3A_116, %dma_start3A_117] : memref<128x128xf32, #tpu.memory_space<vmem>> -> memref<1x32xf32, #tpu.memory_space<vmem>>
      %dma_start3A_119 = tpu.memref_squeeze %dma_start3A_118 : memref<1x32xf32, #tpu.memory_space<vmem>> -> memref<32xf32, #tpu.memory_space<vmem>>
      %dma_start3A_120 = arith.constant 0 : i32
      %dma_start3A_121 = tpu.memref_slice %arg4[%squeeze3A_112, %dma_start3A_120] : memref<1000000x32xf32, #tpu.memory_space<hbm>> -> memref<1x32xf32, #tpu.memory_space<hbm>>
      %dma_start3A_122 = tpu.memref_squeeze %dma_start3A_121 : memref<1x32xf32, #tpu.memory_space<hbm>> -> memref<32xf32, #tpu.memory_space<hbm>>
      %dma_start3A_123 = arith.constant 96 : i32
      %dma_start3A_124 = tpu.memref_slice %arg13[%add3A_116, %dma_start3A_123] : memref<128x128xf32, #tpu.memory_space<vmem>> -> memref<1x32xf32, #tpu.memory_space<vmem>>
      %dma_start3A_125 = tpu.memref_squeeze %dma_start3A_124 : memref<1x32xf32, #tpu.memory_space<vmem>> -> memref<32xf32, #tpu.memory_space<vmem>>
      %dma_start3A_126 = arith.constant 0 : i32
      %dma_start3A_127 = tpu.memref_slice %arg4[%squeeze3A_112, %dma_start3A_126] : memref<1000000x32xf32, #tpu.memory_space<hbm>> -> memref<1x32xf32, #tpu.memory_space<hbm>>
      %dma_start3A_128 = tpu.memref_squeeze %dma_start3A_127 : memref<1x32xf32, #tpu.memory_space<hbm>> -> memref<32xf32, #tpu.memory_space<hbm>>
      tpu.enqueue_dma source(%dma_start3A_128 : memref<32xf32, #tpu.memory_space<hbm>>) target(%dma_start3A_125 : memref<32xf32, #tpu.memory_space<vmem>>) target_semaphore(%arg17 : memref<!tpu.dma_semaphore, #tpu.memory_space<semaphore_mem>>)
      %slice3A_129 = vector.extract_strided_slice %get3A_59 {offsets = [4], sizes = [1], strides = [1]} : vector<16xi32> to vector<1xi32>
      %squeeze3A_130 = vector.extract %slice3A_129[0] : i32 from vector<1xi32>
      %mul3A_131 = arith.constant 4 : i32
      %mul3A_132 = arith.muli %scan3A_55, %mul3A_131 : i32
      %add3A_133 = arith.constant 1 : i32
      %add3A_134 = arith.addi %mul3A_132, %add3A_133 : i32
      %dma_start3A_135 = arith.constant 0 : i32
      %dma_start3A_136 = tpu.memref_slice %arg13[%add3A_134, %dma_start3A_135] : memref<128x128xf32, #tpu.memory_space<vmem>> -> memref<1x32xf32, #tpu.memory_space<vmem>>
      %dma_start3A_137 = tpu.memref_squeeze %dma_start3A_136 : memref<1x32xf32, #tpu.memory_space<vmem>> -> memref<32xf32, #tpu.memory_space<vmem>>
      %dma_start3A_138 = arith.constant 0 : i32
      %dma_start3A_139 = tpu.memref_slice %arg4[%squeeze3A_130, %dma_start3A_138] : memref<1000000x32xf32, #tpu.memory_space<hbm>> -> memref<1x32xf32, #tpu.memory_space<hbm>>
      %dma_start3A_140 = tpu.memref_squeeze %dma_start3A_139 : memref<1x32xf32, #tpu.memory_space<hbm>> -> memref<32xf32, #tpu.memory_space<hbm>>
      %dma_start3A_141 = arith.constant 0 : i32
      %dma_start3A_142 = tpu.memref_slice %arg13[%add3A_134, %dma_start3A_141] : memref<128x128xf32, #tpu.memory_space<vmem>> -> memref<1x32xf32, #tpu.memory_space<vmem>>
      %dma_start3A_143 = tpu.memref_squeeze %dma_start3A_142 : memref<1x32xf32, #tpu.memory_space<vmem>> -> memref<32xf32, #tpu.memory_space<vmem>>
      %dma_start3A_144 = arith.constant 0 : i32
      %dma_start3A_145 = tpu.memref_slice %arg4[%squeeze3A_130, %dma_start3A_144] : memref<1000000x32xf32, #tpu.memory_space<hbm>> -> memref<1x32xf32, #tpu.memory_space<hbm>>
      %dma_start3A_146 = tpu.memref_squeeze %dma_start3A_145 : memref<1x32xf32, #tpu.memory_space<hbm>> -> memref<32xf32, #tpu.memory_space<hbm>>
      tpu.enqueue_dma source(%dma_start3A_146 : memref<32xf32, #tpu.memory_space<hbm>>) target(%dma_start3A_143 : memref<32xf32, #tpu.memory_space<vmem>>) target_semaphore(%arg17 : memref<!tpu.dma_semaphore, #tpu.memory_space<semaphore_mem>>)
      %slice3A_147 = vector.extract_strided_slice %get3A_59 {offsets = [5], sizes = [1], strides = [1]} : vector<16xi32> to vector<1xi32>
      %squeeze3A_148 = vector.extract %slice3A_147[0] : i32 from vector<1xi32>
      %mul3A_149 = arith.constant 4 : i32
      %mul3A_150 = arith.muli %scan3A_55, %mul3A_149 : i32
      %add3A_151 = arith.constant 1 : i32
      %add3A_152 = arith.addi %mul3A_150, %add3A_151 : i32
      %dma_start3A_153 = arith.constant 32 : i32
      %dma_start3A_154 = tpu.memref_slice %arg13[%add3A_152, %dma_start3A_153] : memref<128x128xf32, #tpu.memory_space<vmem>> -> memref<1x32xf32, #tpu.memory_space<vmem>>
      %dma_start3A_155 = tpu.memref_squeeze %dma_start3A_154 : memref<1x32xf32, #tpu.memory_space<vmem>> -> memref<32xf32, #tpu.memory_space<vmem>>
      %dma_start3A_156 = arith.constant 0 : i32
      %dma_start3A_157 = tpu.memref_slice %arg4[%squeeze3A_148, %dma_start3A_156] : memref<1000000x32xf32, #tpu.memory_space<hbm>> -> memref<1x32xf32, #tpu.memory_space<hbm>>
      %dma_start3A_158 = tpu.memref_squeeze %dma_start3A_157 : memref<1x32xf32, #tpu.memory_space<hbm>> -> memref<32xf32, #tpu.memory_space<hbm>>
      %dma_start3A_159 = arith.constant 32 : i32
      %dma_start3A_160 = tpu.memref_slice %arg13[%add3A_152, %dma_start3A_159] : memref<128x128xf32, #tpu.memory_space<vmem>> -> memref<1x32xf32, #tpu.memory_space<vmem>>
      %dma_start3A_161 = tpu.memref_squeeze %dma_start3A_160 : memref<1x32xf32, #tpu.memory_space<vmem>> -> memref<32xf32, #tpu.memory_space<vmem>>
      %dma_start3A_162 = arith.constant 0 : i32
      %dma_start3A_163 = tpu.memref_slice %arg4[%squeeze3A_148, %dma_start3A_162] : memref<1000000x32xf32, #tpu.memory_space<hbm>> -> memref<1x32xf32, #tpu.memory_space<hbm>>
      %dma_start3A_164 = tpu.memref_squeeze %dma_start3A_163 : memref<1x32xf32, #tpu.memory_space<hbm>> -> memref<32xf32, #tpu.memory_space<hbm>>
      tpu.enqueue_dma source(%dma_start3A_164 : memref<32xf32, #tpu.memory_space<hbm>>) target(%dma_start3A_161 : memref<32xf32, #tpu.memory_space<vmem>>) target_semaphore(%arg17 : memref<!tpu.dma_semaphore, #tpu.memory_space<semaphore_mem>>)
      %slice3A_165 = vector.extract_strided_slice %get3A_59 {offsets = [6], sizes = [1], strides = [1]} : vector<16xi32> to vector<1xi32>
      %squeeze3A_166 = vector.extract %slice3A_165[0] : i32 from vector<1xi32>
      %mul3A_167 = arith.constant 4 : i32
      %mul3A_168 = arith.muli %scan3A_55, %mul3A_167 : i32
      %add3A_169 = arith.constant 1 : i32
      %add3A_170 = arith.addi %mul3A_168, %add3A_169 : i32
      %dma_start3A_171 = arith.constant 64 : i32
      %dma_start3A_172 = tpu.memref_slice %arg13[%add3A_170, %dma_start3A_171] : memref<128x128xf32, #tpu.memory_space<vmem>> -> memref<1x32xf32, #tpu.memory_space<vmem>>
      %dma_start3A_173 = tpu.memref_squeeze %dma_start3A_172 : memref<1x32xf32, #tpu.memory_space<vmem>> -> memref<32xf32, #tpu.memory_space<vmem>>
      %dma_start3A_174 = arith.constant 0 : i32
      %dma_start3A_175 = tpu.memref_slice %arg4[%squeeze3A_166, %dma_start3A_174] : memref<1000000x32xf32, #tpu.memory_space<hbm>> -> memref<1x32xf32, #tpu.memory_space<hbm>>
      %dma_start3A_176 = tpu.memref_squeeze %dma_start3A_175 : memref<1x32xf32, #tpu.memory_space<hbm>> -> memref<32xf32, #tpu.memory_space<hbm>>
      %dma_start3A_177 = arith.constant 64 : i32
      %dma_start3A_178 = tpu.memref_slice %arg13[%add3A_170, %dma_start3A_177] : memref<128x128xf32, #tpu.memory_space<vmem>> -> memref<1x32xf32, #tpu.memory_space<vmem>>
      %dma_start3A_179 = tpu.memref_squeeze %dma_start3A_178 : memref<1x32xf32, #tpu.memory_space<vmem>> -> memref<32xf32, #tpu.memory_space<vmem>>
      %dma_start3A_180 = arith.constant 0 : i32
      %dma_start3A_181 = tpu.memref_slice %arg4[%squeeze3A_166, %dma_start3A_180] : memref<1000000x32xf32, #tpu.memory_space<hbm>> -> memref<1x32xf32, #tpu.memory_space<hbm>>
      %dma_start3A_182 = tpu.memref_squeeze %dma_start3A_181 : memref<1x32xf32, #tpu.memory_space<hbm>> -> memref<32xf32, #tpu.memory_space<hbm>>
      tpu.enqueue_dma source(%dma_start3A_182 : memref<32xf32, #tpu.memory_space<hbm>>) target(%dma_start3A_179 : memref<32xf32, #tpu.memory_space<vmem>>) target_semaphore(%arg17 : memref<!tpu.dma_semaphore, #tpu.memory_space<semaphore_mem>>)
      %slice3A_183 = vector.extract_strided_slice %get3A_59 {offsets = [7], sizes = [1], strides = [1]} : vector<16xi32> to vector<1xi32>
      %squeeze3A_184 = vector.extract %slice3A_183[0] : i32 from vector<1xi32>
      %mul3A_185 = arith.constant 4 : i32
      %mul3A_186 = arith.muli %scan3A_55, %mul3A_185 : i32
      %add3A_187 = arith.constant 1 : i32
      %add3A_188 = arith.addi %mul3A_186, %add3A_187 : i32
      %dma_start3A_189 = arith.constant 96 : i32
      %dma_start3A_190 = tpu.memref_slice %arg13[%add3A_188, %dma_start3A_189] : memref<128x128xf32, #tpu.memory_space<vmem>> -> memref<1x32xf32, #tpu.memory_space<vmem>>
      %dma_start3A_191 = tpu.memref_squeeze %dma_start3A_190 : memref<1x32xf32, #tpu.memory_space<vmem>> -> memref<32xf32, #tpu.memory_space<vmem>>
      %dma_start3A_192 = arith.constant 0 : i32
      %dma_start3A_193 = tpu.memref_slice %arg4[%squeeze3A_184, %dma_start3A_192] : memref<1000000x32xf32, #tpu.memory_space<hbm>> -> memref<1x32xf32, #tpu.memory_space<hbm>>
      %dma_start3A_194 = tpu.memref_squeeze %dma_start3A_193 : memref<1x32xf32, #tpu.memory_space<hbm>> -> memref<32xf32, #tpu.memory_space<hbm>>
      %dma_start3A_195 = arith.constant 96 : i32
      %dma_start3A_196 = tpu.memref_slice %arg13[%add3A_188, %dma_start3A_195] : memref<128x128xf32, #tpu.memory_space<vmem>> -> memref<1x32xf32, #tpu.memory_space<vmem>>
      %dma_start3A_197 = tpu.memref_squeeze %dma_start3A_196 : memref<1x32xf32, #tpu.memory_space<vmem>> -> memref<32xf32, #tpu.memory_space<vmem>>
      %dma_start3A_198 = arith.constant 0 : i32
      %dma_start3A_199 = tpu.memref_slice %arg4[%squeeze3A_184, %dma_start3A_198] : memref<1000000x32xf32, #tpu.memory_space<hbm>> -> memref<1x32xf32, #tpu.memory_space<hbm>>
      %dma_start3A_200 = tpu.memref_squeeze %dma_start3A_199 : memref<1x32xf32, #tpu.memory_space<hbm>> -> memref<32xf32, #tpu.memory_space<hbm>>
      tpu.enqueue_dma source(%dma_start3A_200 : memref<32xf32, #tpu.memory_space<hbm>>) target(%dma_start3A_197 : memref<32xf32, #tpu.memory_space<vmem>>) target_semaphore(%arg17 : memref<!tpu.dma_semaphore, #tpu.memory_space<semaphore_mem>>)
      %slice3A_201 = vector.extract_strided_slice %get3A_59 {offsets = [8], sizes = [1], strides = [1]} : vector<16xi32> to vector<1xi32>
      %squeeze3A_202 = vector.extract %slice3A_201[0] : i32 from vector<1xi32>
      %mul3A_203 = arith.constant 4 : i32
      %mul3A_204 = arith.muli %scan3A_55, %mul3A_203 : i32
      %add3A_205 = arith.constant 2 : i32
      %add3A_206 = arith.addi %mul3A_204, %add3A_205 : i32
      %dma_start3A_207 = arith.constant 0 : i32
      %dma_start3A_208 = tpu.memref_slice %arg13[%add3A_206, %dma_start3A_207] : memref<128x128xf32, #tpu.memory_space<vmem>> -> memref<1x32xf32, #tpu.memory_space<vmem>>
      %dma_start3A_209 = tpu.memref_squeeze %dma_start3A_208 : memref<1x32xf32, #tpu.memory_space<vmem>> -> memref<32xf32, #tpu.memory_space<vmem>>
      %dma_start3A_210 = arith.constant 0 : i32
      %dma_start3A_211 = tpu.memref_slice %arg4[%squeeze3A_202, %dma_start3A_210] : memref<1000000x32xf32, #tpu.memory_space<hbm>> -> memref<1x32xf32, #tpu.memory_space<hbm>>
      %dma_start3A_212 = tpu.memref_squeeze %dma_start3A_211 : memref<1x32xf32, #tpu.memory_space<hbm>> -> memref<32xf32, #tpu.memory_space<hbm>>
      %dma_start3A_213 = arith.constant 0 : i32
      %dma_start3A_214 = tpu.memref_slice %arg13[%add3A_206, %dma_start3A_213] : memref<128x128xf32, #tpu.memory_space<vmem>> -> memref<1x32xf32, #tpu.memory_space<vmem>>
      %dma_start3A_215 = tpu.memref_squeeze %dma_start3A_214 : memref<1x32xf32, #tpu.memory_space<vmem>> -> memref<32xf32, #tpu.memory_space<vmem>>
      %dma_start3A_216 = arith.constant 0 : i32
      %dma_start3A_217 = tpu.memref_slice %arg4[%squeeze3A_202, %dma_start3A_216] : memref<1000000x32xf32, #tpu.memory_space<hbm>> -> memref<1x32xf32, #tpu.memory_space<hbm>>
      %dma_start3A_218 = tpu.memref_squeeze %dma_start3A_217 : memref<1x32xf32, #tpu.memory_space<hbm>> -> memref<32xf32, #tpu.memory_space<hbm>>
      tpu.enqueue_dma source(%dma_start3A_218 : memref<32xf32, #tpu.memory_space<hbm>>) target(%dma_start3A_215 : memref<32xf32, #tpu.memory_space<vmem>>) target_semaphore(%arg17 : memref<!tpu.dma_semaphore, #tpu.memory_space<semaphore_mem>>)
      %slice3A_219 = vector.extract_strided_slice %get3A_59 {offsets = [9], sizes = [1], strides = [1]} : vector<16xi32> to vector<1xi32>
      %squeeze3A_220 = vector.extract %slice3A_219[0] : i32 from vector<1xi32>
      %mul3A_221 = arith.constant 4 : i32
      %mul3A_222 = arith.muli %scan3A_55, %mul3A_221 : i32
      %add3A_223 = arith.constant 2 : i32
      %add3A_224 = arith.addi %mul3A_222, %add3A_223 : i32
      %dma_start3A_225 = arith.constant 32 : i32
      %dma_start3A_226 = tpu.memref_slice %arg13[%add3A_224, %dma_start3A_225] : memref<128x128xf32, #tpu.memory_space<vmem>> -> memref<1x32xf32, #tpu.memory_space<vmem>>
      %dma_start3A_227 = tpu.memref_squeeze %dma_start3A_226 : memref<1x32xf32, #tpu.memory_space<vmem>> -> memref<32xf32, #tpu.memory_space<vmem>>
      %dma_start3A_228 = arith.constant 0 : i32
      %dma_start3A_229 = tpu.memref_slice %arg4[%squeeze3A_220, %dma_start3A_228] : memref<1000000x32xf32, #tpu.memory_space<hbm>> -> memref<1x32xf32, #tpu.memory_space<hbm>>
      %dma_start3A_230 = tpu.memref_squeeze %dma_start3A_229 : memref<1x32xf32, #tpu.memory_space<hbm>> -> memref<32xf32, #tpu.memory_space<hbm>>
      %dma_start3A_231 = arith.constant 32 : i32
      %dma_start3A_232 = tpu.memref_slice %arg13[%add3A_224, %dma_start3A_231] : memref<128x128xf32, #tpu.memory_space<vmem>> -> memref<1x32xf32, #tpu.memory_space<vmem>>
      %dma_start3A_233 = tpu.memref_squeeze %dma_start3A_232 : memref<1x32xf32, #tpu.memory_space<vmem>> -> memref<32xf32, #tpu.memory_space<vmem>>
      %dma_start3A_234 = arith.constant 0 : i32
      %dma_start3A_235 = tpu.memref_slice %arg4[%squeeze3A_220, %dma_start3A_234] : memref<1000000x32xf32, #tpu.memory_space<hbm>> -> memref<1x32xf32, #tpu.memory_space<hbm>>
      %dma_start3A_236 = tpu.memref_squeeze %dma_start3A_235 : memref<1x32xf32, #tpu.memory_space<hbm>> -> memref<32xf32, #tpu.memory_space<hbm>>
      tpu.enqueue_dma source(%dma_start3A_236 : memref<32xf32, #tpu.memory_space<hbm>>) target(%dma_start3A_233 : memref<32xf32, #tpu.memory_space<vmem>>) target_semaphore(%arg17 : memref<!tpu.dma_semaphore, #tpu.memory_space<semaphore_mem>>)
      %slice3A_237 = vector.extract_strided_slice %get3A_59 {offsets = [10], sizes = [1], strides = [1]} : vector<16xi32> to vector<1xi32>
      %squeeze3A_238 = vector.extract %slice3A_237[0] : i32 from vector<1xi32>
      %mul3A_239 = arith.constant 4 : i32
      %mul3A_240 = arith.muli %scan3A_55, %mul3A_239 : i32
      %add3A_241 = arith.constant 2 : i32
      %add3A_242 = arith.addi %mul3A_240, %add3A_241 : i32
      %dma_start3A_243 = arith.constant 64 : i32
      %dma_start3A_244 = tpu.memref_slice %arg13[%add3A_242, %dma_start3A_243] : memref<128x128xf32, #tpu.memory_space<vmem>> -> memref<1x32xf32, #tpu.memory_space<vmem>>
      %dma_start3A_245 = tpu.memref_squeeze %dma_start3A_244 : memref<1x32xf32, #tpu.memory_space<vmem>> -> memref<32xf32, #tpu.memory_space<vmem>>
      %dma_start3A_246 = arith.constant 0 : i32
      %dma_start3A_247 = tpu.memref_slice %arg4[%squeeze3A_238, %dma_start3A_246] : memref<1000000x32xf32, #tpu.memory_space<hbm>> -> memref<1x32xf32, #tpu.memory_space<hbm>>
      %dma_start3A_248 = tpu.memref_squeeze %dma_start3A_247 : memref<1x32xf32, #tpu.memory_space<hbm>> -> memref<32xf32, #tpu.memory_space<hbm>>
      %dma_start3A_249 = arith.constant 64 : i32
      %dma_start3A_250 = tpu.memref_slice %arg13[%add3A_242, %dma_start3A_249] : memref<128x128xf32, #tpu.memory_space<vmem>> -> memref<1x32xf32, #tpu.memory_space<vmem>>
      %dma_start3A_251 = tpu.memref_squeeze %dma_start3A_250 : memref<1x32xf32, #tpu.memory_space<vmem>> -> memref<32xf32, #tpu.memory_space<vmem>>
      %dma_start3A_252 = arith.constant 0 : i32
      %dma_start3A_253 = tpu.memref_slice %arg4[%squeeze3A_238, %dma_start3A_252] : memref<1000000x32xf32, #tpu.memory_space<hbm>> -> memref<1x32xf32, #tpu.memory_space<hbm>>
      %dma_start3A_254 = tpu.memref_squeeze %dma_start3A_253 : memref<1x32xf32, #tpu.memory_space<hbm>> -> memref<32xf32, #tpu.memory_space<hbm>>
      tpu.enqueue_dma source(%dma_start3A_254 : memref<32xf32, #tpu.memory_space<hbm>>) target(%dma_start3A_251 : memref<32xf32, #tpu.memory_space<vmem>>) target_semaphore(%arg17 : memref<!tpu.dma_semaphore, #tpu.memory_space<semaphore_mem>>)
      %slice3A_255 = vector.extract_strided_slice %get3A_59 {offsets = [11], sizes = [1], strides = [1]} : vector<16xi32> to vector<1xi32>
      %squeeze3A_256 = vector.extract %slice3A_255[0] : i32 from vector<1xi32>
      %mul3A_257 = arith.constant 4 : i32
      %mul3A_258 = arith.muli %scan3A_55, %mul3A_257 : i32
      %add3A_259 = arith.constant 2 : i32
      %add3A_260 = arith.addi %mul3A_258, %add3A_259 : i32
      %dma_start3A_261 = arith.constant 96 : i32
      %dma_start3A_262 = tpu.memref_slice %arg13[%add3A_260, %dma_start3A_261] : memref<128x128xf32, #tpu.memory_space<vmem>> -> memref<1x32xf32, #tpu.memory_space<vmem>>
      %dma_start3A_263 = tpu.memref_squeeze %dma_start3A_262 : memref<1x32xf32, #tpu.memory_space<vmem>> -> memref<32xf32, #tpu.memory_space<vmem>>
      %dma_start3A_264 = arith.constant 0 : i32
      %dma_start3A_265 = tpu.memref_slice %arg4[%squeeze3A_256, %dma_start3A_264] : memref<1000000x32xf32, #tpu.memory_space<hbm>> -> memref<1x32xf32, #tpu.memory_space<hbm>>
      %dma_start3A_266 = tpu.memref_squeeze %dma_start3A_265 : memref<1x32xf32, #tpu.memory_space<hbm>> -> memref<32xf32, #tpu.memory_space<hbm>>
      %dma_start3A_267 = arith.constant 96 : i32
      %dma_start3A_268 = tpu.memref_slice %arg13[%add3A_260, %dma_start3A_267] : memref<128x128xf32, #tpu.memory_space<vmem>> -> memref<1x32xf32, #tpu.memory_space<vmem>>
      %dma_start3A_269 = tpu.memref_squeeze %dma_start3A_268 : memref<1x32xf32, #tpu.memory_space<vmem>> -> memref<32xf32, #tpu.memory_space<vmem>>
      %dma_start3A_270 = arith.constant 0 : i32
      %dma_start3A_271 = tpu.memref_slice %arg4[%squeeze3A_256, %dma_start3A_270] : memref<1000000x32xf32, #tpu.memory_space<hbm>> -> memref<1x32xf32, #tpu.memory_space<hbm>>
      %dma_start3A_272 = tpu.memref_squeeze %dma_start3A_271 : memref<1x32xf32, #tpu.memory_space<hbm>> -> memref<32xf32, #tpu.memory_space<hbm>>
      tpu.enqueue_dma source(%dma_start3A_272 : memref<32xf32, #tpu.memory_space<hbm>>) target(%dma_start3A_269 : memref<32xf32, #tpu.memory_space<vmem>>) target_semaphore(%arg17 : memref<!tpu.dma_semaphore, #tpu.memory_space<semaphore_mem>>)
      %slice3A_273 = vector.extract_strided_slice %get3A_59 {offsets = [12], sizes = [1], strides = [1]} : vector<16xi32> to vector<1xi32>
      %squeeze3A_274 = vector.extract %slice3A_273[0] : i32 from vector<1xi32>
      %mul3A_275 = arith.constant 4 : i32
      %mul3A_276 = arith.muli %scan3A_55, %mul3A_275 : i32
      %add3A_277 = arith.constant 3 : i32
      %add3A_278 = arith.addi %mul3A_276, %add3A_277 : i32
      %dma_start3A_279 = arith.constant 0 : i32
      %dma_start3A_280 = tpu.memref_slice %arg13[%add3A_278, %dma_start3A_279] : memref<128x128xf32, #tpu.memory_space<vmem>> -> memref<1x32xf32, #tpu.memory_space<vmem>>
      %dma_start3A_281 = tpu.memref_squeeze %dma_start3A_280 : memref<1x32xf32, #tpu.memory_space<vmem>> -> memref<32xf32, #tpu.memory_space<vmem>>
      %dma_start3A_282 = arith.constant 0 : i32
      %dma_start3A_283 = tpu.memref_slice %arg4[%squeeze3A_274, %dma_start3A_282] : memref<1000000x32xf32, #tpu.memory_space<hbm>> -> memref<1x32xf32, #tpu.memory_space<hbm>>
      %dma_start3A_284 = tpu.memref_squeeze %dma_start3A_283 : memref<1x32xf32, #tpu.memory_space<hbm>> -> memref<32xf32, #tpu.memory_space<hbm>>
      %dma_start3A_285 = arith.constant 0 : i32
      %dma_start3A_286 = tpu.memref_slice %arg13[%add3A_278, %dma_start3A_285] : memref<128x128xf32, #tpu.memory_space<vmem>> -> memref<1x32xf32, #tpu.memory_space<vmem>>
      %dma_start3A_287 = tpu.memref_squeeze %dma_start3A_286 : memref<1x32xf32, #tpu.memory_space<vmem>> -> memref<32xf32, #tpu.memory_space<vmem>>
      %dma_start3A_288 = arith.constant 0 : i32
      %dma_start3A_289 = tpu.memref_slice %arg4[%squeeze3A_274, %dma_start3A_288] : memref<1000000x32xf32, #tpu.memory_space<hbm>> -> memref<1x32xf32, #tpu.memory_space<hbm>>
      %dma_start3A_290 = tpu.memref_squeeze %dma_start3A_289 : memref<1x32xf32, #tpu.memory_space<hbm>> -> memref<32xf32, #tpu.memory_space<hbm>>
      tpu.enqueue_dma source(%dma_start3A_290 : memref<32xf32, #tpu.memory_space<hbm>>) target(%dma_start3A_287 : memref<32xf32, #tpu.memory_space<vmem>>) target_semaphore(%arg17 : memref<!tpu.dma_semaphore, #tpu.memory_space<semaphore_mem>>)
      %slice3A_291 = vector.extract_strided_slice %get3A_59 {offsets = [13], sizes = [1], strides = [1]} : vector<16xi32> to vector<1xi32>
      %squeeze3A_292 = vector.extract %slice3A_291[0] : i32 from vector<1xi32>
      %mul3A_293 = arith.constant 4 : i32
      %mul3A_294 = arith.muli %scan3A_55, %mul3A_293 : i32
      %add3A_295 = arith.constant 3 : i32
      %add3A_296 = arith.addi %mul3A_294, %add3A_295 : i32
      %dma_start3A_297 = arith.constant 32 : i32
      %dma_start3A_298 = tpu.memref_slice %arg13[%add3A_296, %dma_start3A_297] : memref<128x128xf32, #tpu.memory_space<vmem>> -> memref<1x32xf32, #tpu.memory_space<vmem>>
      %dma_start3A_299 = tpu.memref_squeeze %dma_start3A_298 : memref<1x32xf32, #tpu.memory_space<vmem>> -> memref<32xf32, #tpu.memory_space<vmem>>
      %dma_start3A_300 = arith.constant 0 : i32
      %dma_start3A_301 = tpu.memref_slice %arg4[%squeeze3A_292, %dma_start3A_300] : memref<1000000x32xf32, #tpu.memory_space<hbm>> -> memref<1x32xf32, #tpu.memory_space<hbm>>
      %dma_start3A_302 = tpu.memref_squeeze %dma_start3A_301 : memref<1x32xf32, #tpu.memory_space<hbm>> -> memref<32xf32, #tpu.memory_space<hbm>>
      %dma_start3A_303 = arith.constant 32 : i32
      %dma_start3A_304 = tpu.memref_slice %arg13[%add3A_296, %dma_start3A_303] : memref<128x128xf32, #tpu.memory_space<vmem>> -> memref<1x32xf32, #tpu.memory_space<vmem>>
      %dma_start3A_305 = tpu.memref_squeeze %dma_start3A_304 : memref<1x32xf32, #tpu.memory_space<vmem>> -> memref<32xf32, #tpu.memory_space<vmem>>
      %dma_start3A_306 = arith.constant 0 : i32
      %dma_start3A_307 = tpu.memref_slice %arg4[%squeeze3A_292, %dma_start3A_306] : memref<1000000x32xf32, #tpu.memory_space<hbm>> -> memref<1x32xf32, #tpu.memory_space<hbm>>
      %dma_start3A_308 = tpu.memref_squeeze %dma_start3A_307 : memref<1x32xf32, #tpu.memory_space<hbm>> -> memref<32xf32, #tpu.memory_space<hbm>>
      tpu.enqueue_dma source(%dma_start3A_308 : memref<32xf32, #tpu.memory_space<hbm>>) target(%dma_start3A_305 : memref<32xf32, #tpu.memory_space<vmem>>) target_semaphore(%arg17 : memref<!tpu.dma_semaphore, #tpu.memory_space<semaphore_mem>>)
      %slice3A_309 = vector.extract_strided_slice %get3A_59 {offsets = [14], sizes = [1], strides = [1]} : vector<16xi32> to vector<1xi32>
      %squeeze3A_310 = vector.extract %slice3A_309[0] : i32 from vector<1xi32>
      %mul3A_311 = arith.constant 4 : i32
      %mul3A_312 = arith.muli %scan3A_55, %mul3A_311 : i32
      %add3A_313 = arith.constant 3 : i32
      %add3A_314 = arith.addi %mul3A_312, %add3A_313 : i32
      %dma_start3A_315 = arith.constant 64 : i32
      %dma_start3A_316 = tpu.memref_slice %arg13[%add3A_314, %dma_start3A_315] : memref<128x128xf32, #tpu.memory_space<vmem>> -> memref<1x32xf32, #tpu.memory_space<vmem>>
      %dma_start3A_317 = tpu.memref_squeeze %dma_start3A_316 : memref<1x32xf32, #tpu.memory_space<vmem>> -> memref<32xf32, #tpu.memory_space<vmem>>
      %dma_start3A_318 = arith.constant 0 : i32
      %dma_start3A_319 = tpu.memref_slice %arg4[%squeeze3A_310, %dma_start3A_318] : memref<1000000x32xf32, #tpu.memory_space<hbm>> -> memref<1x32xf32, #tpu.memory_space<hbm>>
      %dma_start3A_320 = tpu.memref_squeeze %dma_start3A_319 : memref<1x32xf32, #tpu.memory_space<hbm>> -> memref<32xf32, #tpu.memory_space<hbm>>
      %dma_start3A_321 = arith.constant 64 : i32
      %dma_start3A_322 = tpu.memref_slice %arg13[%add3A_314, %dma_start3A_321] : memref<128x128xf32, #tpu.memory_space<vmem>> -> memref<1x32xf32, #tpu.memory_space<vmem>>
      %dma_start3A_323 = tpu.memref_squeeze %dma_start3A_322 : memref<1x32xf32, #tpu.memory_space<vmem>> -> memref<32xf32, #tpu.memory_space<vmem>>
      %dma_start3A_324 = arith.constant 0 : i32
      %dma_start3A_325 = tpu.memref_slice %arg4[%squeeze3A_310, %dma_start3A_324] : memref<1000000x32xf32, #tpu.memory_space<hbm>> -> memref<1x32xf32, #tpu.memory_space<hbm>>
      %dma_start3A_326 = tpu.memref_squeeze %dma_start3A_325 : memref<1x32xf32, #tpu.memory_space<hbm>> -> memref<32xf32, #tpu.memory_space<hbm>>
      tpu.enqueue_dma source(%dma_start3A_326 : memref<32xf32, #tpu.memory_space<hbm>>) target(%dma_start3A_323 : memref<32xf32, #tpu.memory_space<vmem>>) target_semaphore(%arg17 : memref<!tpu.dma_semaphore, #tpu.memory_space<semaphore_mem>>)
      %slice3A_327 = vector.extract_strided_slice %get3A_59 {offsets = [15], sizes = [1], strides = [1]} : vector<16xi32> to vector<1xi32>
      %squeeze3A_328 = vector.extract %slice3A_327[0] : i32 from vector<1xi32>
      %mul3A_329 = arith.constant 4 : i32
      %mul3A_330 = arith.muli %scan3A_55, %mul3A_329 : i32
      %add3A_331 = arith.constant 3 : i32
      %add3A_332 = arith.addi %mul3A_330, %add3A_331 : i32
      %dma_start3A_333 = arith.constant 96 : i32
      %dma_start3A_334 = tpu.memref_slice %arg13[%add3A_332, %dma_start3A_333] : memref<128x128xf32, #tpu.memory_space<vmem>> -> memref<1x32xf32, #tpu.memory_space<vmem>>
      %dma_start3A_335 = tpu.memref_squeeze %dma_start3A_334 : memref<1x32xf32, #tpu.memory_space<vmem>> -> memref<32xf32, #tpu.memory_space<vmem>>
      %dma_start3A_336 = arith.constant 0 : i32
      %dma_start3A_337 = tpu.memref_slice %arg4[%squeeze3A_328, %dma_start3A_336] : memref<1000000x32xf32, #tpu.memory_space<hbm>> -> memref<1x32xf32, #tpu.memory_space<hbm>>
      %dma_start3A_338 = tpu.memref_squeeze %dma_start3A_337 : memref<1x32xf32, #tpu.memory_space<hbm>> -> memref<32xf32, #tpu.memory_space<hbm>>
      %dma_start3A_339 = arith.constant 96 : i32
      %dma_start3A_340 = tpu.memref_slice %arg13[%add3A_332, %dma_start3A_339] : memref<128x128xf32, #tpu.memory_space<vmem>> -> memref<1x32xf32, #tpu.memory_space<vmem>>
      %dma_start3A_341 = tpu.memref_squeeze %dma_start3A_340 : memref<1x32xf32, #tpu.memory_space<vmem>> -> memref<32xf32, #tpu.memory_space<vmem>>
      %dma_start3A_342 = arith.constant 0 : i32
      %dma_start3A_343 = tpu.memref_slice %arg4[%squeeze3A_328, %dma_start3A_342] : memref<1000000x32xf32, #tpu.memory_space<hbm>> -> memref<1x32xf32, #tpu.memory_space<hbm>>
      %dma_start3A_344 = tpu.memref_squeeze %dma_start3A_343 : memref<1x32xf32, #tpu.memory_space<hbm>> -> memref<32xf32, #tpu.memory_space<hbm>>
      tpu.enqueue_dma source(%dma_start3A_344 : memref<32xf32, #tpu.memory_space<hbm>>) target(%dma_start3A_341 : memref<32xf32, #tpu.memory_space<vmem>>) target_semaphore(%arg17 : memref<!tpu.dma_semaphore, #tpu.memory_space<semaphore_mem>>)
    }
    %scan3A_7 = arith.constant 32 : i32
    %scan3A_8 = arith.constant 0 : i32
    %scan3A_9 = arith.constant 0 : i32
    %scan3A_10 = arith.constant 32 : i32
    %scan3A_11 = arith.addi %scan3A_9, %scan3A_10 : i32
    %scan3A_12 = arith.constant 1 : i32
    scf.for %scan3A_55 = %scan3A_9 to %scan3A_11 step %scan3A_12  : i32 {
      %mul3A_56 = arith.constant 16 : i32
      %mul3A_57 = arith.muli %scan3A_55, %mul3A_56 : i32
      %get3A = arith.index_cast %mul3A_57 : i32 to index
      %get3A_58 = tpu.vector_load %arg12[%get3A] {strides = array<i32>} : memref<512xi32, #tpu.memory_space<vmem>>, vector<16xi32>,
      %get3A_59 = vector.shape_cast %get3A_58 : vector<16xi32> to vector<16xi32>
      %slice3A = vector.extract_strided_slice %get3A_59 {offsets = [0], sizes = [1], strides = [1]} : vector<16xi32> to vector<1xi32>
      %squeeze3A = vector.extract %slice3A[0] : i32 from vector<1xi32>
      %mul3A_60 = arith.constant 4 : i32
      %mul3A_61 = arith.muli %scan3A_55, %mul3A_60 : i32
      %add3A_62 = arith.constant 0 : i32
      %add3A_63 = arith.addi %mul3A_61, %add3A_62 : i32
      %dma_start3A = arith.constant 0 : i32
      %dma_start3A_64 = tpu.memref_slice %arg14[%add3A_63, %dma_start3A] : memref<128x128xf32, #tpu.memory_space<vmem>> -> memref<1x32xf32, #tpu.memory_space<vmem>>
      %dma_start3A_65 = tpu.memref_squeeze %dma_start3A_64 : memref<1x32xf32, #tpu.memory_space<vmem>> -> memref<32xf32, #tpu.memory_space<vmem>>
      %dma_start3A_66 = arith.constant 0 : i32
      %dma_start3A_67 = tpu.memref_slice %arg5[%squeeze3A, %dma_start3A_66] : memref<1000000x32xf32, #tpu.memory_space<hbm>> -> memref<1x32xf32, #tpu.memory_space<hbm>>
      %dma_start3A_68 = tpu.memref_squeeze %dma_start3A_67 : memref<1x32xf32, #tpu.memory_space<hbm>> -> memref<32xf32, #tpu.memory_space<hbm>>
      %dma_start3A_69 = arith.constant 0 : i32
      %dma_start3A_70 = tpu.memref_slice %arg14[%add3A_63, %dma_start3A_69] : memref<128x128xf32, #tpu.memory_space<vmem>> -> memref<1x32xf32, #tpu.memory_space<vmem>>
      %dma_start3A_71 = tpu.memref_squeeze %dma_start3A_70 : memref<1x32xf32, #tpu.memory_space<vmem>> -> memref<32xf32, #tpu.memory_space<vmem>>
      %dma_start3A_72 = arith.constant 0 : i32
      %dma_start3A_73 = tpu.memref_slice %arg5[%squeeze3A, %dma_start3A_72] : memref<1000000x32xf32, #tpu.memory_space<hbm>> -> memref<1x32xf32, #tpu.memory_space<hbm>>
      %dma_start3A_74 = tpu.memref_squeeze %dma_start3A_73 : memref<1x32xf32, #tpu.memory_space<hbm>> -> memref<32xf32, #tpu.memory_space<hbm>>
      tpu.enqueue_dma source(%dma_start3A_74 : memref<32xf32, #tpu.memory_space<hbm>>) target(%dma_start3A_71 : memref<32xf32, #tpu.memory_space<vmem>>) target_semaphore(%arg17 : memref<!tpu.dma_semaphore, #tpu.memory_space<semaphore_mem>>)
      %slice3A_75 = vector.extract_strided_slice %get3A_59 {offsets = [1], sizes = [1], strides = [1]} : vector<16xi32> to vector<1xi32>
      %squeeze3A_76 = vector.extract %slice3A_75[0] : i32 from vector<1xi32>
      %mul3A_77 = arith.constant 4 : i32
      %mul3A_78 = arith.muli %scan3A_55, %mul3A_77 : i32
      %add3A_79 = arith.constant 0 : i32
      %add3A_80 = arith.addi %mul3A_78, %add3A_79 : i32
      %dma_start3A_81 = arith.constant 32 : i32
      %dma_start3A_82 = tpu.memref_slice %arg14[%add3A_80, %dma_start3A_81] : memref<128x128xf32, #tpu.memory_space<vmem>> -> memref<1x32xf32, #tpu.memory_space<vmem>>
      %dma_start3A_83 = tpu.memref_squeeze %dma_start3A_82 : memref<1x32xf32, #tpu.memory_space<vmem>> -> memref<32xf32, #tpu.memory_space<vmem>>
      %dma_start3A_84 = arith.constant 0 : i32
      %dma_start3A_85 = tpu.memref_slice %arg5[%squeeze3A_76, %dma_start3A_84] : memref<1000000x32xf32, #tpu.memory_space<hbm>> -> memref<1x32xf32, #tpu.memory_space<hbm>>
      %dma_start3A_86 = tpu.memref_squeeze %dma_start3A_85 : memref<1x32xf32, #tpu.memory_space<hbm>> -> memref<32xf32, #tpu.memory_space<hbm>>
      %dma_start3A_87 = arith.constant 32 : i32
      %dma_start3A_88 = tpu.memref_slice %arg14[%add3A_80, %dma_start3A_87] : memref<128x128xf32, #tpu.memory_space<vmem>> -> memref<1x32xf32, #tpu.memory_space<vmem>>
      %dma_start3A_89 = tpu.memref_squeeze %dma_start3A_88 : memref<1x32xf32, #tpu.memory_space<vmem>> -> memref<32xf32, #tpu.memory_space<vmem>>
      %dma_start3A_90 = arith.constant 0 : i32
      %dma_start3A_91 = tpu.memref_slice %arg5[%squeeze3A_76, %dma_start3A_90] : memref<1000000x32xf32, #tpu.memory_space<hbm>> -> memref<1x32xf32, #tpu.memory_space<hbm>>
      %dma_start3A_92 = tpu.memref_squeeze %dma_start3A_91 : memref<1x32xf32, #tpu.memory_space<hbm>> -> memref<32xf32, #tpu.memory_space<hbm>>
      tpu.enqueue_dma source(%dma_start3A_92 : memref<32xf32, #tpu.memory_space<hbm>>) target(%dma_start3A_89 : memref<32xf32, #tpu.memory_space<vmem>>) target_semaphore(%arg17 : memref<!tpu.dma_semaphore, #tpu.memory_space<semaphore_mem>>)
      %slice3A_93 = vector.extract_strided_slice %get3A_59 {offsets = [2], sizes = [1], strides = [1]} : vector<16xi32> to vector<1xi32>
      %squeeze3A_94 = vector.extract %slice3A_93[0] : i32 from vector<1xi32>
      %mul3A_95 = arith.constant 4 : i32
      %mul3A_96 = arith.muli %scan3A_55, %mul3A_95 : i32
      %add3A_97 = arith.constant 0 : i32
      %add3A_98 = arith.addi %mul3A_96, %add3A_97 : i32
      %dma_start3A_99 = arith.constant 64 : i32
      %dma_start3A_100 = tpu.memref_slice %arg14[%add3A_98, %dma_start3A_99] : memref<128x128xf32, #tpu.memory_space<vmem>> -> memref<1x32xf32, #tpu.memory_space<vmem>>
      %dma_start3A_101 = tpu.memref_squeeze %dma_start3A_100 : memref<1x32xf32, #tpu.memory_space<vmem>> -> memref<32xf32, #tpu.memory_space<vmem>>
      %dma_start3A_102 = arith.constant 0 : i32
      %dma_start3A_103 = tpu.memref_slice %arg5[%squeeze3A_94, %dma_start3A_102] : memref<1000000x32xf32, #tpu.memory_space<hbm>> -> memref<1x32xf32, #tpu.memory_space<hbm>>
      %dma_start3A_104 = tpu.memref_squeeze %dma_start3A_103 : memref<1x32xf32, #tpu.memory_space<hbm>> -> memref<32xf32, #tpu.memory_space<hbm>>
      %dma_start3A_105 = arith.constant 64 : i32
      %dma_start3A_106 = tpu.memref_slice %arg14[%add3A_98, %dma_start3A_105] : memref<128x128xf32, #tpu.memory_space<vmem>> -> memref<1x32xf32, #tpu.memory_space<vmem>>
      %dma_start3A_107 = tpu.memref_squeeze %dma_start3A_106 : memref<1x32xf32, #tpu.memory_space<vmem>> -> memref<32xf32, #tpu.memory_space<vmem>>
      %dma_start3A_108 = arith.constant 0 : i32
      %dma_start3A_109 = tpu.memref_slice %arg5[%squeeze3A_94, %dma_start3A_108] : memref<1000000x32xf32, #tpu.memory_space<hbm>> -> memref<1x32xf32, #tpu.memory_space<hbm>>
      %dma_start3A_110 = tpu.memref_squeeze %dma_start3A_109 : memref<1x32xf32, #tpu.memory_space<hbm>> -> memref<32xf32, #tpu.memory_space<hbm>>
      tpu.enqueue_dma source(%dma_start3A_110 : memref<32xf32, #tpu.memory_space<hbm>>) target(%dma_start3A_107 : memref<32xf32, #tpu.memory_space<vmem>>) target_semaphore(%arg17 : memref<!tpu.dma_semaphore, #tpu.memory_space<semaphore_mem>>)
      %slice3A_111 = vector.extract_strided_slice %get3A_59 {offsets = [3], sizes = [1], strides = [1]} : vector<16xi32> to vector<1xi32>
      %squeeze3A_112 = vector.extract %slice3A_111[0] : i32 from vector<1xi32>
      %mul3A_113 = arith.constant 4 : i32
      %mul3A_114 = arith.muli %scan3A_55, %mul3A_113 : i32
      %add3A_115 = arith.constant 0 : i32
      %add3A_116 = arith.addi %mul3A_114, %add3A_115 : i32
      %dma_start3A_117 = arith.constant 96 : i32
      %dma_start3A_118 = tpu.memref_slice %arg14[%add3A_116, %dma_start3A_117] : memref<128x128xf32, #tpu.memory_space<vmem>> -> memref<1x32xf32, #tpu.memory_space<vmem>>
      %dma_start3A_119 = tpu.memref_squeeze %dma_start3A_118 : memref<1x32xf32, #tpu.memory_space<vmem>> -> memref<32xf32, #tpu.memory_space<vmem>>
      %dma_start3A_120 = arith.constant 0 : i32
      %dma_start3A_121 = tpu.memref_slice %arg5[%squeeze3A_112, %dma_start3A_120] : memref<1000000x32xf32, #tpu.memory_space<hbm>> -> memref<1x32xf32, #tpu.memory_space<hbm>>
      %dma_start3A_122 = tpu.memref_squeeze %dma_start3A_121 : memref<1x32xf32, #tpu.memory_space<hbm>> -> memref<32xf32, #tpu.memory_space<hbm>>
      %dma_start3A_123 = arith.constant 96 : i32
      %dma_start3A_124 = tpu.memref_slice %arg14[%add3A_116, %dma_start3A_123] : memref<128x128xf32, #tpu.memory_space<vmem>> -> memref<1x32xf32, #tpu.memory_space<vmem>>
      %dma_start3A_125 = tpu.memref_squeeze %dma_start3A_124 : memref<1x32xf32, #tpu.memory_space<vmem>> -> memref<32xf32, #tpu.memory_space<vmem>>
      %dma_start3A_126 = arith.constant 0 : i32
      %dma_start3A_127 = tpu.memref_slice %arg5[%squeeze3A_112, %dma_start3A_126] : memref<1000000x32xf32, #tpu.memory_space<hbm>> -> memref<1x32xf32, #tpu.memory_space<hbm>>
      %dma_start3A_128 = tpu.memref_squeeze %dma_start3A_127 : memref<1x32xf32, #tpu.memory_space<hbm>> -> memref<32xf32, #tpu.memory_space<hbm>>
      tpu.enqueue_dma source(%dma_start3A_128 : memref<32xf32, #tpu.memory_space<hbm>>) target(%dma_start3A_125 : memref<32xf32, #tpu.memory_space<vmem>>) target_semaphore(%arg17 : memref<!tpu.dma_semaphore, #tpu.memory_space<semaphore_mem>>)
      %slice3A_129 = vector.extract_strided_slice %get3A_59 {offsets = [4], sizes = [1], strides = [1]} : vector<16xi32> to vector<1xi32>
      %squeeze3A_130 = vector.extract %slice3A_129[0] : i32 from vector<1xi32>
      %mul3A_131 = arith.constant 4 : i32
      %mul3A_132 = arith.muli %scan3A_55, %mul3A_131 : i32
      %add3A_133 = arith.constant 1 : i32
      %add3A_134 = arith.addi %mul3A_132, %add3A_133 : i32
      %dma_start3A_135 = arith.constant 0 : i32
      %dma_start3A_136 = tpu.memref_slice %arg14[%add3A_134, %dma_start3A_135] : memref<128x128xf32, #tpu.memory_space<vmem>> -> memref<1x32xf32, #tpu.memory_space<vmem>>
      %dma_start3A_137 = tpu.memref_squeeze %dma_start3A_136 : memref<1x32xf32, #tpu.memory_space<vmem>> -> memref<32xf32, #tpu.memory_space<vmem>>
      %dma_start3A_138 = arith.constant 0 : i32
      %dma_start3A_139 = tpu.memref_slice %arg5[%squeeze3A_130, %dma_start3A_138] : memref<1000000x32xf32, #tpu.memory_space<hbm>> -> memref<1x32xf32, #tpu.memory_space<hbm>>
      %dma_start3A_140 = tpu.memref_squeeze %dma_start3A_139 : memref<1x32xf32, #tpu.memory_space<hbm>> -> memref<32xf32, #tpu.memory_space<hbm>>
      %dma_start3A_141 = arith.constant 0 : i32
      %dma_start3A_142 = tpu.memref_slice %arg14[%add3A_134, %dma_start3A_141] : memref<128x128xf32, #tpu.memory_space<vmem>> -> memref<1x32xf32, #tpu.memory_space<vmem>>
      %dma_start3A_143 = tpu.memref_squeeze %dma_start3A_142 : memref<1x32xf32, #tpu.memory_space<vmem>> -> memref<32xf32, #tpu.memory_space<vmem>>
      %dma_start3A_144 = arith.constant 0 : i32
      %dma_start3A_145 = tpu.memref_slice %arg5[%squeeze3A_130, %dma_start3A_144] : memref<1000000x32xf32, #tpu.memory_space<hbm>> -> memref<1x32xf32, #tpu.memory_space<hbm>>
      %dma_start3A_146 = tpu.memref_squeeze %dma_start3A_145 : memref<1x32xf32, #tpu.memory_space<hbm>> -> memref<32xf32, #tpu.memory_space<hbm>>
      tpu.enqueue_dma source(%dma_start3A_146 : memref<32xf32, #tpu.memory_space<hbm>>) target(%dma_start3A_143 : memref<32xf32, #tpu.memory_space<vmem>>) target_semaphore(%arg17 : memref<!tpu.dma_semaphore, #tpu.memory_space<semaphore_mem>>)
      %slice3A_147 = vector.extract_strided_slice %get3A_59 {offsets = [5], sizes = [1], strides = [1]} : vector<16xi32> to vector<1xi32>
      %squeeze3A_148 = vector.extract %slice3A_147[0] : i32 from vector<1xi32>
      %mul3A_149 = arith.constant 4 : i32
      %mul3A_150 = arith.muli %scan3A_55, %mul3A_149 : i32
      %add3A_151 = arith.constant 1 : i32
      %add3A_152 = arith.addi %mul3A_150, %add3A_151 : i32
      %dma_start3A_153 = arith.constant 32 : i32
      %dma_start3A_154 = tpu.memref_slice %arg14[%add3A_152, %dma_start3A_153] : memref<128x128xf32, #tpu.memory_space<vmem>> -> memref<1x32xf32, #tpu.memory_space<vmem>>
      %dma_start3A_155 = tpu.memref_squeeze %dma_start3A_154 : memref<1x32xf32, #tpu.memory_space<vmem>> -> memref<32xf32, #tpu.memory_space<vmem>>
      %dma_start3A_156 = arith.constant 0 : i32
      %dma_start3A_157 = tpu.memref_slice %arg5[%squeeze3A_148, %dma_start3A_156] : memref<1000000x32xf32, #tpu.memory_space<hbm>> -> memref<1x32xf32, #tpu.memory_space<hbm>>
      %dma_start3A_158 = tpu.memref_squeeze %dma_start3A_157 : memref<1x32xf32, #tpu.memory_space<hbm>> -> memref<32xf32, #tpu.memory_space<hbm>>
      %dma_start3A_159 = arith.constant 32 : i32
      %dma_start3A_160 = tpu.memref_slice %arg14[%add3A_152, %dma_start3A_159] : memref<128x128xf32, #tpu.memory_space<vmem>> -> memref<1x32xf32, #tpu.memory_space<vmem>>
      %dma_start3A_161 = tpu.memref_squeeze %dma_start3A_160 : memref<1x32xf32, #tpu.memory_space<vmem>> -> memref<32xf32, #tpu.memory_space<vmem>>
      %dma_start3A_162 = arith.constant 0 : i32
      %dma_start3A_163 = tpu.memref_slice %arg5[%squeeze3A_148, %dma_start3A_162] : memref<1000000x32xf32, #tpu.memory_space<hbm>> -> memref<1x32xf32, #tpu.memory_space<hbm>>
      %dma_start3A_164 = tpu.memref_squeeze %dma_start3A_163 : memref<1x32xf32, #tpu.memory_space<hbm>> -> memref<32xf32, #tpu.memory_space<hbm>>
      tpu.enqueue_dma source(%dma_start3A_164 : memref<32xf32, #tpu.memory_space<hbm>>) target(%dma_start3A_161 : memref<32xf32, #tpu.memory_space<vmem>>) target_semaphore(%arg17 : memref<!tpu.dma_semaphore, #tpu.memory_space<semaphore_mem>>)
      %slice3A_165 = vector.extract_strided_slice %get3A_59 {offsets = [6], sizes = [1], strides = [1]} : vector<16xi32> to vector<1xi32>
      %squeeze3A_166 = vector.extract %slice3A_165[0] : i32 from vector<1xi32>
      %mul3A_167 = arith.constant 4 : i32
      %mul3A_168 = arith.muli %scan3A_55, %mul3A_167 : i32
      %add3A_169 = arith.constant 1 : i32
      %add3A_170 = arith.addi %mul3A_168, %add3A_169 : i32
      %dma_start3A_171 = arith.constant 64 : i32
      %dma_start3A_172 = tpu.memref_slice %arg14[%add3A_170, %dma_start3A_171] : memref<128x128xf32, #tpu.memory_space<vmem>> -> memref<1x32xf32, #tpu.memory_space<vmem>>
      %dma_start3A_173 = tpu.memref_squeeze %dma_start3A_172 : memref<1x32xf32, #tpu.memory_space<vmem>> -> memref<32xf32, #tpu.memory_space<vmem>>
      %dma_start3A_174 = arith.constant 0 : i32
      %dma_start3A_175 = tpu.memref_slice %arg5[%squeeze3A_166, %dma_start3A_174] : memref<1000000x32xf32, #tpu.memory_space<hbm>> -> memref<1x32xf32, #tpu.memory_space<hbm>>
      %dma_start3A_176 = tpu.memref_squeeze %dma_start3A_175 : memref<1x32xf32, #tpu.memory_space<hbm>> -> memref<32xf32, #tpu.memory_space<hbm>>
      %dma_start3A_177 = arith.constant 64 : i32
      %dma_start3A_178 = tpu.memref_slice %arg14[%add3A_170, %dma_start3A_177] : memref<128x128xf32, #tpu.memory_space<vmem>> -> memref<1x32xf32, #tpu.memory_space<vmem>>
      %dma_start3A_179 = tpu.memref_squeeze %dma_start3A_178 : memref<1x32xf32, #tpu.memory_space<vmem>> -> memref<32xf32, #tpu.memory_space<vmem>>
      %dma_start3A_180 = arith.constant 0 : i32
      %dma_start3A_181 = tpu.memref_slice %arg5[%squeeze3A_166, %dma_start3A_180] : memref<1000000x32xf32, #tpu.memory_space<hbm>> -> memref<1x32xf32, #tpu.memory_space<hbm>>
      %dma_start3A_182 = tpu.memref_squeeze %dma_start3A_181 : memref<1x32xf32, #tpu.memory_space<hbm>> -> memref<32xf32, #tpu.memory_space<hbm>>
      tpu.enqueue_dma source(%dma_start3A_182 : memref<32xf32, #tpu.memory_space<hbm>>) target(%dma_start3A_179 : memref<32xf32, #tpu.memory_space<vmem>>) target_semaphore(%arg17 : memref<!tpu.dma_semaphore, #tpu.memory_space<semaphore_mem>>)
      %slice3A_183 = vector.extract_strided_slice %get3A_59 {offsets = [7], sizes = [1], strides = [1]} : vector<16xi32> to vector<1xi32>
      %squeeze3A_184 = vector.extract %slice3A_183[0] : i32 from vector<1xi32>
      %mul3A_185 = arith.constant 4 : i32
      %mul3A_186 = arith.muli %scan3A_55, %mul3A_185 : i32
      %add3A_187 = arith.constant 1 : i32
      %add3A_188 = arith.addi %mul3A_186, %add3A_187 : i32
      %dma_start3A_189 = arith.constant 96 : i32
      %dma_start3A_190 = tpu.memref_slice %arg14[%add3A_188, %dma_start3A_189] : memref<128x128xf32, #tpu.memory_space<vmem>> -> memref<1x32xf32, #tpu.memory_space<vmem>>
      %dma_start3A_191 = tpu.memref_squeeze %dma_start3A_190 : memref<1x32xf32, #tpu.memory_space<vmem>> -> memref<32xf32, #tpu.memory_space<vmem>>
      %dma_start3A_192 = arith.constant 0 : i32
      %dma_start3A_193 = tpu.memref_slice %arg5[%squeeze3A_184, %dma_start3A_192] : memref<1000000x32xf32, #tpu.memory_space<hbm>> -> memref<1x32xf32, #tpu.memory_space<hbm>>
      %dma_start3A_194 = tpu.memref_squeeze %dma_start3A_193 : memref<1x32xf32, #tpu.memory_space<hbm>> -> memref<32xf32, #tpu.memory_space<hbm>>
      %dma_start3A_195 = arith.constant 96 : i32
      %dma_start3A_196 = tpu.memref_slice %arg14[%add3A_188, %dma_start3A_195] : memref<128x128xf32, #tpu.memory_space<vmem>> -> memref<1x32xf32, #tpu.memory_space<vmem>>
      %dma_start3A_197 = tpu.memref_squeeze %dma_start3A_196 : memref<1x32xf32, #tpu.memory_space<vmem>> -> memref<32xf32, #tpu.memory_space<vmem>>
      %dma_start3A_198 = arith.constant 0 : i32
      %dma_start3A_199 = tpu.memref_slice %arg5[%squeeze3A_184, %dma_start3A_198] : memref<1000000x32xf32, #tpu.memory_space<hbm>> -> memref<1x32xf32, #tpu.memory_space<hbm>>
      %dma_start3A_200 = tpu.memref_squeeze %dma_start3A_199 : memref<1x32xf32, #tpu.memory_space<hbm>> -> memref<32xf32, #tpu.memory_space<hbm>>
      tpu.enqueue_dma source(%dma_start3A_200 : memref<32xf32, #tpu.memory_space<hbm>>) target(%dma_start3A_197 : memref<32xf32, #tpu.memory_space<vmem>>) target_semaphore(%arg17 : memref<!tpu.dma_semaphore, #tpu.memory_space<semaphore_mem>>)
      %slice3A_201 = vector.extract_strided_slice %get3A_59 {offsets = [8], sizes = [1], strides = [1]} : vector<16xi32> to vector<1xi32>
      %squeeze3A_202 = vector.extract %slice3A_201[0] : i32 from vector<1xi32>
      %mul3A_203 = arith.constant 4 : i32
      %mul3A_204 = arith.muli %scan3A_55, %mul3A_203 : i32
      %add3A_205 = arith.constant 2 : i32
      %add3A_206 = arith.addi %mul3A_204, %add3A_205 : i32
      %dma_start3A_207 = arith.constant 0 : i32
      %dma_start3A_208 = tpu.memref_slice %arg14[%add3A_206, %dma_start3A_207] : memref<128x128xf32, #tpu.memory_space<vmem>> -> memref<1x32xf32, #tpu.memory_space<vmem>>
      %dma_start3A_209 = tpu.memref_squeeze %dma_start3A_208 : memref<1x32xf32, #tpu.memory_space<vmem>> -> memref<32xf32, #tpu.memory_space<vmem>>
      %dma_start3A_210 = arith.constant 0 : i32
      %dma_start3A_211 = tpu.memref_slice %arg5[%squeeze3A_202, %dma_start3A_210] : memref<1000000x32xf32, #tpu.memory_space<hbm>> -> memref<1x32xf32, #tpu.memory_space<hbm>>
      %dma_start3A_212 = tpu.memref_squeeze %dma_start3A_211 : memref<1x32xf32, #tpu.memory_space<hbm>> -> memref<32xf32, #tpu.memory_space<hbm>>
      %dma_start3A_213 = arith.constant 0 : i32
      %dma_start3A_214 = tpu.memref_slice %arg14[%add3A_206, %dma_start3A_213] : memref<128x128xf32, #tpu.memory_space<vmem>> -> memref<1x32xf32, #tpu.memory_space<vmem>>
      %dma_start3A_215 = tpu.memref_squeeze %dma_start3A_214 : memref<1x32xf32, #tpu.memory_space<vmem>> -> memref<32xf32, #tpu.memory_space<vmem>>
      %dma_start3A_216 = arith.constant 0 : i32
      %dma_start3A_217 = tpu.memref_slice %arg5[%squeeze3A_202, %dma_start3A_216] : memref<1000000x32xf32, #tpu.memory_space<hbm>> -> memref<1x32xf32, #tpu.memory_space<hbm>>
      %dma_start3A_218 = tpu.memref_squeeze %dma_start3A_217 : memref<1x32xf32, #tpu.memory_space<hbm>> -> memref<32xf32, #tpu.memory_space<hbm>>
      tpu.enqueue_dma source(%dma_start3A_218 : memref<32xf32, #tpu.memory_space<hbm>>) target(%dma_start3A_215 : memref<32xf32, #tpu.memory_space<vmem>>) target_semaphore(%arg17 : memref<!tpu.dma_semaphore, #tpu.memory_space<semaphore_mem>>)
      %slice3A_219 = vector.extract_strided_slice %get3A_59 {offsets = [9], sizes = [1], strides = [1]} : vector<16xi32> to vector<1xi32>
      %squeeze3A_220 = vector.extract %slice3A_219[0] : i32 from vector<1xi32>
      %mul3A_221 = arith.constant 4 : i32
      %mul3A_222 = arith.muli %scan3A_55, %mul3A_221 : i32
      %add3A_223 = arith.constant 2 : i32
      %add3A_224 = arith.addi %mul3A_222, %add3A_223 : i32
      %dma_start3A_225 = arith.constant 32 : i32
      %dma_start3A_226 = tpu.memref_slice %arg14[%add3A_224, %dma_start3A_225] : memref<128x128xf32, #tpu.memory_space<vmem>> -> memref<1x32xf32, #tpu.memory_space<vmem>>
      %dma_start3A_227 = tpu.memref_squeeze %dma_start3A_226 : memref<1x32xf32, #tpu.memory_space<vmem>> -> memref<32xf32, #tpu.memory_space<vmem>>
      %dma_start3A_228 = arith.constant 0 : i32
      %dma_start3A_229 = tpu.memref_slice %arg5[%squeeze3A_220, %dma_start3A_228] : memref<1000000x32xf32, #tpu.memory_space<hbm>> -> memref<1x32xf32, #tpu.memory_space<hbm>>
      %dma_start3A_230 = tpu.memref_squeeze %dma_start3A_229 : memref<1x32xf32, #tpu.memory_space<hbm>> -> memref<32xf32, #tpu.memory_space<hbm>>
      %dma_start3A_231 = arith.constant 32 : i32
      %dma_start3A_232 = tpu.memref_slice %arg14[%add3A_224, %dma_start3A_231] : memref<128x128xf32, #tpu.memory_space<vmem>> -> memref<1x32xf32, #tpu.memory_space<vmem>>
      %dma_start3A_233 = tpu.memref_squeeze %dma_start3A_232 : memref<1x32xf32, #tpu.memory_space<vmem>> -> memref<32xf32, #tpu.memory_space<vmem>>
      %dma_start3A_234 = arith.constant 0 : i32
      %dma_start3A_235 = tpu.memref_slice %arg5[%squeeze3A_220, %dma_start3A_234] : memref<1000000x32xf32, #tpu.memory_space<hbm>> -> memref<1x32xf32, #tpu.memory_space<hbm>>
      %dma_start3A_236 = tpu.memref_squeeze %dma_start3A_235 : memref<1x32xf32, #tpu.memory_space<hbm>> -> memref<32xf32, #tpu.memory_space<hbm>>
      tpu.enqueue_dma source(%dma_start3A_236 : memref<32xf32, #tpu.memory_space<hbm>>) target(%dma_start3A_233 : memref<32xf32, #tpu.memory_space<vmem>>) target_semaphore(%arg17 : memref<!tpu.dma_semaphore, #tpu.memory_space<semaphore_mem>>)
      %slice3A_237 = vector.extract_strided_slice %get3A_59 {offsets = [10], sizes = [1], strides = [1]} : vector<16xi32> to vector<1xi32>
      %squeeze3A_238 = vector.extract %slice3A_237[0] : i32 from vector<1xi32>
      %mul3A_239 = arith.constant 4 : i32
      %mul3A_240 = arith.muli %scan3A_55, %mul3A_239 : i32
      %add3A_241 = arith.constant 2 : i32
      %add3A_242 = arith.addi %mul3A_240, %add3A_241 : i32
      %dma_start3A_243 = arith.constant 64 : i32
      %dma_start3A_244 = tpu.memref_slice %arg14[%add3A_242, %dma_start3A_243] : memref<128x128xf32, #tpu.memory_space<vmem>> -> memref<1x32xf32, #tpu.memory_space<vmem>>
      %dma_start3A_245 = tpu.memref_squeeze %dma_start3A_244 : memref<1x32xf32, #tpu.memory_space<vmem>> -> memref<32xf32, #tpu.memory_space<vmem>>
      %dma_start3A_246 = arith.constant 0 : i32
      %dma_start3A_247 = tpu.memref_slice %arg5[%squeeze3A_238, %dma_start3A_246] : memref<1000000x32xf32, #tpu.memory_space<hbm>> -> memref<1x32xf32, #tpu.memory_space<hbm>>
      %dma_start3A_248 = tpu.memref_squeeze %dma_start3A_247 : memref<1x32xf32, #tpu.memory_space<hbm>> -> memref<32xf32, #tpu.memory_space<hbm>>
      %dma_start3A_249 = arith.constant 64 : i32
      %dma_start3A_250 = tpu.memref_slice %arg14[%add3A_242, %dma_start3A_249] : memref<128x128xf32, #tpu.memory_space<vmem>> -> memref<1x32xf32, #tpu.memory_space<vmem>>
      %dma_start3A_251 = tpu.memref_squeeze %dma_start3A_250 : memref<1x32xf32, #tpu.memory_space<vmem>> -> memref<32xf32, #tpu.memory_space<vmem>>
      %dma_start3A_252 = arith.constant 0 : i32
      %dma_start3A_253 = tpu.memref_slice %arg5[%squeeze3A_238, %dma_start3A_252] : memref<1000000x32xf32, #tpu.memory_space<hbm>> -> memref<1x32xf32, #tpu.memory_space<hbm>>
      %dma_start3A_254 = tpu.memref_squeeze %dma_start3A_253 : memref<1x32xf32, #tpu.memory_space<hbm>> -> memref<32xf32, #tpu.memory_space<hbm>>
      tpu.enqueue_dma source(%dma_start3A_254 : memref<32xf32, #tpu.memory_space<hbm>>) target(%dma_start3A_251 : memref<32xf32, #tpu.memory_space<vmem>>) target_semaphore(%arg17 : memref<!tpu.dma_semaphore, #tpu.memory_space<semaphore_mem>>)
      %slice3A_255 = vector.extract_strided_slice %get3A_59 {offsets = [11], sizes = [1], strides = [1]} : vector<16xi32> to vector<1xi32>
      %squeeze3A_256 = vector.extract %slice3A_255[0] : i32 from vector<1xi32>
      %mul3A_257 = arith.constant 4 : i32
      %mul3A_258 = arith.muli %scan3A_55, %mul3A_257 : i32
      %add3A_259 = arith.constant 2 : i32
      %add3A_260 = arith.addi %mul3A_258, %add3A_259 : i32
      %dma_start3A_261 = arith.constant 96 : i32
      %dma_start3A_262 = tpu.memref_slice %arg14[%add3A_260, %dma_start3A_261] : memref<128x128xf32, #tpu.memory_space<vmem>> -> memref<1x32xf32, #tpu.memory_space<vmem>>
      %dma_start3A_263 = tpu.memref_squeeze %dma_start3A_262 : memref<1x32xf32, #tpu.memory_space<vmem>> -> memref<32xf32, #tpu.memory_space<vmem>>
      %dma_start3A_264 = arith.constant 0 : i32
      %dma_start3A_265 = tpu.memref_slice %arg5[%squeeze3A_256, %dma_start3A_264] : memref<1000000x32xf32, #tpu.memory_space<hbm>> -> memref<1x32xf32, #tpu.memory_space<hbm>>
      %dma_start3A_266 = tpu.memref_squeeze %dma_start3A_265 : memref<1x32xf32, #tpu.memory_space<hbm>> -> memref<32xf32, #tpu.memory_space<hbm>>
      %dma_start3A_267 = arith.constant 96 : i32
      %dma_start3A_268 = tpu.memref_slice %arg14[%add3A_260, %dma_start3A_267] : memref<128x128xf32, #tpu.memory_space<vmem>> -> memref<1x32xf32, #tpu.memory_space<vmem>>
      %dma_start3A_269 = tpu.memref_squeeze %dma_start3A_268 : memref<1x32xf32, #tpu.memory_space<vmem>> -> memref<32xf32, #tpu.memory_space<vmem>>
      %dma_start3A_270 = arith.constant 0 : i32
      %dma_start3A_271 = tpu.memref_slice %arg5[%squeeze3A_256, %dma_start3A_270] : memref<1000000x32xf32, #tpu.memory_space<hbm>> -> memref<1x32xf32, #tpu.memory_space<hbm>>
      %dma_start3A_272 = tpu.memref_squeeze %dma_start3A_271 : memref<1x32xf32, #tpu.memory_space<hbm>> -> memref<32xf32, #tpu.memory_space<hbm>>
      tpu.enqueue_dma source(%dma_start3A_272 : memref<32xf32, #tpu.memory_space<hbm>>) target(%dma_start3A_269 : memref<32xf32, #tpu.memory_space<vmem>>) target_semaphore(%arg17 : memref<!tpu.dma_semaphore, #tpu.memory_space<semaphore_mem>>)
      %slice3A_273 = vector.extract_strided_slice %get3A_59 {offsets = [12], sizes = [1], strides = [1]} : vector<16xi32> to vector<1xi32>
      %squeeze3A_274 = vector.extract %slice3A_273[0] : i32 from vector<1xi32>
      %mul3A_275 = arith.constant 4 : i32
      %mul3A_276 = arith.muli %scan3A_55, %mul3A_275 : i32
      %add3A_277 = arith.constant 3 : i32
      %add3A_278 = arith.addi %mul3A_276, %add3A_277 : i32
      %dma_start3A_279 = arith.constant 0 : i32
      %dma_start3A_280 = tpu.memref_slice %arg14[%add3A_278, %dma_start3A_279] : memref<128x128xf32, #tpu.memory_space<vmem>> -> memref<1x32xf32, #tpu.memory_space<vmem>>
      %dma_start3A_281 = tpu.memref_squeeze %dma_start3A_280 : memref<1x32xf32, #tpu.memory_space<vmem>> -> memref<32xf32, #tpu.memory_space<vmem>>
      %dma_start3A_282 = arith.constant 0 : i32
      %dma_start3A_283 = tpu.memref_slice %arg5[%squeeze3A_274, %dma_start3A_282] : memref<1000000x32xf32, #tpu.memory_space<hbm>> -> memref<1x32xf32, #tpu.memory_space<hbm>>
      %dma_start3A_284 = tpu.memref_squeeze %dma_start3A_283 : memref<1x32xf32, #tpu.memory_space<hbm>> -> memref<32xf32, #tpu.memory_space<hbm>>
      %dma_start3A_285 = arith.constant 0 : i32
      %dma_start3A_286 = tpu.memref_slice %arg14[%add3A_278, %dma_start3A_285] : memref<128x128xf32, #tpu.memory_space<vmem>> -> memref<1x32xf32, #tpu.memory_space<vmem>>
      %dma_start3A_287 = tpu.memref_squeeze %dma_start3A_286 : memref<1x32xf32, #tpu.memory_space<vmem>> -> memref<32xf32, #tpu.memory_space<vmem>>
      %dma_start3A_288 = arith.constant 0 : i32
      %dma_start3A_289 = tpu.memref_slice %arg5[%squeeze3A_274, %dma_start3A_288] : memref<1000000x32xf32, #tpu.memory_space<hbm>> -> memref<1x32xf32, #tpu.memory_space<hbm>>
      %dma_start3A_290 = tpu.memref_squeeze %dma_start3A_289 : memref<1x32xf32, #tpu.memory_space<hbm>> -> memref<32xf32, #tpu.memory_space<hbm>>
      tpu.enqueue_dma source(%dma_start3A_290 : memref<32xf32, #tpu.memory_space<hbm>>) target(%dma_start3A_287 : memref<32xf32, #tpu.memory_space<vmem>>) target_semaphore(%arg17 : memref<!tpu.dma_semaphore, #tpu.memory_space<semaphore_mem>>)
      %slice3A_291 = vector.extract_strided_slice %get3A_59 {offsets = [13], sizes = [1], strides = [1]} : vector<16xi32> to vector<1xi32>
      %squeeze3A_292 = vector.extract %slice3A_291[0] : i32 from vector<1xi32>
      %mul3A_293 = arith.constant 4 : i32
      %mul3A_294 = arith.muli %scan3A_55, %mul3A_293 : i32
      %add3A_295 = arith.constant 3 : i32
      %add3A_296 = arith.addi %mul3A_294, %add3A_295 : i32
      %dma_start3A_297 = arith.constant 32 : i32
      %dma_start3A_298 = tpu.memref_slice %arg14[%add3A_296, %dma_start3A_297] : memref<128x128xf32, #tpu.memory_space<vmem>> -> memref<1x32xf32, #tpu.memory_space<vmem>>
      %dma_start3A_299 = tpu.memref_squeeze %dma_start3A_298 : memref<1x32xf32, #tpu.memory_space<vmem>> -> memref<32xf32, #tpu.memory_space<vmem>>
      %dma_start3A_300 = arith.constant 0 : i32
      %dma_start3A_301 = tpu.memref_slice %arg5[%squeeze3A_292, %dma_start3A_300] : memref<1000000x32xf32, #tpu.memory_space<hbm>> -> memref<1x32xf32, #tpu.memory_space<hbm>>
      %dma_start3A_302 = tpu.memref_squeeze %dma_start3A_301 : memref<1x32xf32, #tpu.memory_space<hbm>> -> memref<32xf32, #tpu.memory_space<hbm>>
      %dma_start3A_303 = arith.constant 32 : i32
      %dma_start3A_304 = tpu.memref_slice %arg14[%add3A_296, %dma_start3A_303] : memref<128x128xf32, #tpu.memory_space<vmem>> -> memref<1x32xf32, #tpu.memory_space<vmem>>
      %dma_start3A_305 = tpu.memref_squeeze %dma_start3A_304 : memref<1x32xf32, #tpu.memory_space<vmem>> -> memref<32xf32, #tpu.memory_space<vmem>>
      %dma_start3A_306 = arith.constant 0 : i32
      %dma_start3A_307 = tpu.memref_slice %arg5[%squeeze3A_292, %dma_start3A_306] : memref<1000000x32xf32, #tpu.memory_space<hbm>> -> memref<1x32xf32, #tpu.memory_space<hbm>>
      %dma_start3A_308 = tpu.memref_squeeze %dma_start3A_307 : memref<1x32xf32, #tpu.memory_space<hbm>> -> memref<32xf32, #tpu.memory_space<hbm>>
      tpu.enqueue_dma source(%dma_start3A_308 : memref<32xf32, #tpu.memory_space<hbm>>) target(%dma_start3A_305 : memref<32xf32, #tpu.memory_space<vmem>>) target_semaphore(%arg17 : memref<!tpu.dma_semaphore, #tpu.memory_space<semaphore_mem>>)
      %slice3A_309 = vector.extract_strided_slice %get3A_59 {offsets = [14], sizes = [1], strides = [1]} : vector<16xi32> to vector<1xi32>
      %squeeze3A_310 = vector.extract %slice3A_309[0] : i32 from vector<1xi32>
      %mul3A_311 = arith.constant 4 : i32
      %mul3A_312 = arith.muli %scan3A_55, %mul3A_311 : i32
      %add3A_313 = arith.constant 3 : i32
      %add3A_314 = arith.addi %mul3A_312, %add3A_313 : i32
      %dma_start3A_315 = arith.constant 64 : i32
      %dma_start3A_316 = tpu.memref_slice %arg14[%add3A_314, %dma_start3A_315] : memref<128x128xf32, #tpu.memory_space<vmem>> -> memref<1x32xf32, #tpu.memory_space<vmem>>
      %dma_start3A_317 = tpu.memref_squeeze %dma_start3A_316 : memref<1x32xf32, #tpu.memory_space<vmem>> -> memref<32xf32, #tpu.memory_space<vmem>>
      %dma_start3A_318 = arith.constant 0 : i32
      %dma_start3A_319 = tpu.memref_slice %arg5[%squeeze3A_310, %dma_start3A_318] : memref<1000000x32xf32, #tpu.memory_space<hbm>> -> memref<1x32xf32, #tpu.memory_space<hbm>>
      %dma_start3A_320 = tpu.memref_squeeze %dma_start3A_319 : memref<1x32xf32, #tpu.memory_space<hbm>> -> memref<32xf32, #tpu.memory_space<hbm>>
      %dma_start3A_321 = arith.constant 64 : i32
      %dma_start3A_322 = tpu.memref_slice %arg14[%add3A_314, %dma_start3A_321] : memref<128x128xf32, #tpu.memory_space<vmem>> -> memref<1x32xf32, #tpu.memory_space<vmem>>
      %dma_start3A_323 = tpu.memref_squeeze %dma_start3A_322 : memref<1x32xf32, #tpu.memory_space<vmem>> -> memref<32xf32, #tpu.memory_space<vmem>>
      %dma_start3A_324 = arith.constant 0 : i32
      %dma_start3A_325 = tpu.memref_slice %arg5[%squeeze3A_310, %dma_start3A_324] : memref<1000000x32xf32, #tpu.memory_space<hbm>> -> memref<1x32xf32, #tpu.memory_space<hbm>>
      %dma_start3A_326 = tpu.memref_squeeze %dma_start3A_325 : memref<1x32xf32, #tpu.memory_space<hbm>> -> memref<32xf32, #tpu.memory_space<hbm>>
      tpu.enqueue_dma source(%dma_start3A_326 : memref<32xf32, #tpu.memory_space<hbm>>) target(%dma_start3A_323 : memref<32xf32, #tpu.memory_space<vmem>>) target_semaphore(%arg17 : memref<!tpu.dma_semaphore, #tpu.memory_space<semaphore_mem>>)
      %slice3A_327 = vector.extract_strided_slice %get3A_59 {offsets = [15], sizes = [1], strides = [1]} : vector<16xi32> to vector<1xi32>
      %squeeze3A_328 = vector.extract %slice3A_327[0] : i32 from vector<1xi32>
      %mul3A_329 = arith.constant 4 : i32
      %mul3A_330 = arith.muli %scan3A_55, %mul3A_329 : i32
      %add3A_331 = arith.constant 3 : i32
      %add3A_332 = arith.addi %mul3A_330, %add3A_331 : i32
      %dma_start3A_333 = arith.constant 96 : i32
      %dma_start3A_334 = tpu.memref_slice %arg14[%add3A_332, %dma_start3A_333] : memref<128x128xf32, #tpu.memory_space<vmem>> -> memref<1x32xf32, #tpu.memory_space<vmem>>
      %dma_start3A_335 = tpu.memref_squeeze %dma_start3A_334 : memref<1x32xf32, #tpu.memory_space<vmem>> -> memref<32xf32, #tpu.memory_space<vmem>>
      %dma_start3A_336 = arith.constant 0 : i32
      %dma_start3A_337 = tpu.memref_slice %arg5[%squeeze3A_328, %dma_start3A_336] : memref<1000000x32xf32, #tpu.memory_space<hbm>> -> memref<1x32xf32, #tpu.memory_space<hbm>>
      %dma_start3A_338 = tpu.memref_squeeze %dma_start3A_337 : memref<1x32xf32, #tpu.memory_space<hbm>> -> memref<32xf32, #tpu.memory_space<hbm>>
      %dma_start3A_339 = arith.constant 96 : i32
      %dma_start3A_340 = tpu.memref_slice %arg14[%add3A_332, %dma_start3A_339] : memref<128x128xf32, #tpu.memory_space<vmem>> -> memref<1x32xf32, #tpu.memory_space<vmem>>
      %dma_start3A_341 = tpu.memref_squeeze %dma_start3A_340 : memref<1x32xf32, #tpu.memory_space<vmem>> -> memref<32xf32, #tpu.memory_space<vmem>>
      %dma_start3A_342 = arith.constant 0 : i32
      %dma_start3A_343 = tpu.memref_slice %arg5[%squeeze3A_328, %dma_start3A_342] : memref<1000000x32xf32, #tpu.memory_space<hbm>> -> memref<1x32xf32, #tpu.memory_space<hbm>>
      %dma_start3A_344 = tpu.memref_squeeze %dma_start3A_343 : memref<1x32xf32, #tpu.memory_space<hbm>> -> memref<32xf32, #tpu.memory_space<hbm>>
      tpu.enqueue_dma source(%dma_start3A_344 : memref<32xf32, #tpu.memory_space<hbm>>) target(%dma_start3A_341 : memref<32xf32, #tpu.memory_space<vmem>>) target_semaphore(%arg17 : memref<!tpu.dma_semaphore, #tpu.memory_space<semaphore_mem>>)
    }
    %scan3A_13 = arith.constant 32 : i32
    %scan3A_14 = arith.constant 0 : i32
    %scan3A_15 = arith.constant 0 : i32
    %scan3A_16 = arith.constant 32 : i32
    %scan3A_17 = arith.addi %scan3A_15, %scan3A_16 : i32
    %scan3A_18 = arith.constant 1 : i32
    scf.for %scan3A_55 = %scan3A_15 to %scan3A_17 step %scan3A_18  : i32 {
      %mul3A_56 = arith.constant 16 : i32
      %mul3A_57 = arith.muli %scan3A_55, %mul3A_56 : i32
      %get3A = arith.index_cast %mul3A_57 : i32 to index
      %get3A_58 = tpu.vector_load %arg11[%get3A] {strides = array<i32>} : memref<512xi32, #tpu.memory_space<vmem>>, vector<16xi32>,
      %get3A_59 = vector.shape_cast %get3A_58 : vector<16xi32> to vector<16xi32>
      %slice3A = vector.extract_strided_slice %get3A_59 {offsets = [0], sizes = [1], strides = [1]} : vector<16xi32> to vector<1xi32>
      %squeeze3A = vector.extract %slice3A[0] : i32 from vector<1xi32>
      %mul3A_60 = arith.constant 4 : i32
      %mul3A_61 = arith.muli %scan3A_55, %mul3A_60 : i32
      %add3A_62 = arith.constant 0 : i32
      %add3A_63 = arith.addi %mul3A_61, %add3A_62 : i32
      %dma_start3A = arith.constant 0 : i32
      %dma_start3A_64 = tpu.memref_slice %arg15[%add3A_63, %dma_start3A] : memref<128x128xf32, #tpu.memory_space<vmem>> -> memref<1x32xf32, #tpu.memory_space<vmem>>
      %dma_start3A_65 = tpu.memref_squeeze %dma_start3A_64 : memref<1x32xf32, #tpu.memory_space<vmem>> -> memref<32xf32, #tpu.memory_space<vmem>>
      %dma_start3A_66 = arith.constant 0 : i32
      %dma_start3A_67 = tpu.memref_slice %arg6[%squeeze3A, %dma_start3A_66] : memref<1000000x32xf32, #tpu.memory_space<hbm>> -> memref<1x32xf32, #tpu.memory_space<hbm>>
      %dma_start3A_68 = tpu.memref_squeeze %dma_start3A_67 : memref<1x32xf32, #tpu.memory_space<hbm>> -> memref<32xf32, #tpu.memory_space<hbm>>
      %dma_start3A_69 = arith.constant 0 : i32
      %dma_start3A_70 = tpu.memref_slice %arg15[%add3A_63, %dma_start3A_69] : memref<128x128xf32, #tpu.memory_space<vmem>> -> memref<1x32xf32, #tpu.memory_space<vmem>>
      %dma_start3A_71 = tpu.memref_squeeze %dma_start3A_70 : memref<1x32xf32, #tpu.memory_space<vmem>> -> memref<32xf32, #tpu.memory_space<vmem>>
      %dma_start3A_72 = arith.constant 0 : i32
      %dma_start3A_73 = tpu.memref_slice %arg6[%squeeze3A, %dma_start3A_72] : memref<1000000x32xf32, #tpu.memory_space<hbm>> -> memref<1x32xf32, #tpu.memory_space<hbm>>
      %dma_start3A_74 = tpu.memref_squeeze %dma_start3A_73 : memref<1x32xf32, #tpu.memory_space<hbm>> -> memref<32xf32, #tpu.memory_space<hbm>>
      tpu.enqueue_dma source(%dma_start3A_74 : memref<32xf32, #tpu.memory_space<hbm>>) target(%dma_start3A_71 : memref<32xf32, #tpu.memory_space<vmem>>) target_semaphore(%arg17 : memref<!tpu.dma_semaphore, #tpu.memory_space<semaphore_mem>>)
      %slice3A_75 = vector.extract_strided_slice %get3A_59 {offsets = [1], sizes = [1], strides = [1]} : vector<16xi32> to vector<1xi32>
      %squeeze3A_76 = vector.extract %slice3A_75[0] : i32 from vector<1xi32>
      %mul3A_77 = arith.constant 4 : i32
      %mul3A_78 = arith.muli %scan3A_55, %mul3A_77 : i32
      %add3A_79 = arith.constant 0 : i32
      %add3A_80 = arith.addi %mul3A_78, %add3A_79 : i32
      %dma_start3A_81 = arith.constant 32 : i32
      %dma_start3A_82 = tpu.memref_slice %arg15[%add3A_80, %dma_start3A_81] : memref<128x128xf32, #tpu.memory_space<vmem>> -> memref<1x32xf32, #tpu.memory_space<vmem>>
      %dma_start3A_83 = tpu.memref_squeeze %dma_start3A_82 : memref<1x32xf32, #tpu.memory_space<vmem>> -> memref<32xf32, #tpu.memory_space<vmem>>
      %dma_start3A_84 = arith.constant 0 : i32
      %dma_start3A_85 = tpu.memref_slice %arg6[%squeeze3A_76, %dma_start3A_84] : memref<1000000x32xf32, #tpu.memory_space<hbm>> -> memref<1x32xf32, #tpu.memory_space<hbm>>
      %dma_start3A_86 = tpu.memref_squeeze %dma_start3A_85 : memref<1x32xf32, #tpu.memory_space<hbm>> -> memref<32xf32, #tpu.memory_space<hbm>>
      %dma_start3A_87 = arith.constant 32 : i32
      %dma_start3A_88 = tpu.memref_slice %arg15[%add3A_80, %dma_start3A_87] : memref<128x128xf32, #tpu.memory_space<vmem>> -> memref<1x32xf32, #tpu.memory_space<vmem>>
      %dma_start3A_89 = tpu.memref_squeeze %dma_start3A_88 : memref<1x32xf32, #tpu.memory_space<vmem>> -> memref<32xf32, #tpu.memory_space<vmem>>
      %dma_start3A_90 = arith.constant 0 : i32
      %dma_start3A_91 = tpu.memref_slice %arg6[%squeeze3A_76, %dma_start3A_90] : memref<1000000x32xf32, #tpu.memory_space<hbm>> -> memref<1x32xf32, #tpu.memory_space<hbm>>
      %dma_start3A_92 = tpu.memref_squeeze %dma_start3A_91 : memref<1x32xf32, #tpu.memory_space<hbm>> -> memref<32xf32, #tpu.memory_space<hbm>>
      tpu.enqueue_dma source(%dma_start3A_92 : memref<32xf32, #tpu.memory_space<hbm>>) target(%dma_start3A_89 : memref<32xf32, #tpu.memory_space<vmem>>) target_semaphore(%arg17 : memref<!tpu.dma_semaphore, #tpu.memory_space<semaphore_mem>>)
      %slice3A_93 = vector.extract_strided_slice %get3A_59 {offsets = [2], sizes = [1], strides = [1]} : vector<16xi32> to vector<1xi32>
      %squeeze3A_94 = vector.extract %slice3A_93[0] : i32 from vector<1xi32>
      %mul3A_95 = arith.constant 4 : i32
      %mul3A_96 = arith.muli %scan3A_55, %mul3A_95 : i32
      %add3A_97 = arith.constant 0 : i32
      %add3A_98 = arith.addi %mul3A_96, %add3A_97 : i32
      %dma_start3A_99 = arith.constant 64 : i32
      %dma_start3A_100 = tpu.memref_slice %arg15[%add3A_98, %dma_start3A_99] : memref<128x128xf32, #tpu.memory_space<vmem>> -> memref<1x32xf32, #tpu.memory_space<vmem>>
      %dma_start3A_101 = tpu.memref_squeeze %dma_start3A_100 : memref<1x32xf32, #tpu.memory_space<vmem>> -> memref<32xf32, #tpu.memory_space<vmem>>
      %dma_start3A_102 = arith.constant 0 : i32
      %dma_start3A_103 = tpu.memref_slice %arg6[%squeeze3A_94, %dma_start3A_102] : memref<1000000x32xf32, #tpu.memory_space<hbm>> -> memref<1x32xf32, #tpu.memory_space<hbm>>
      %dma_start3A_104 = tpu.memref_squeeze %dma_start3A_103 : memref<1x32xf32, #tpu.memory_space<hbm>> -> memref<32xf32, #tpu.memory_space<hbm>>
      %dma_start3A_105 = arith.constant 64 : i32
      %dma_start3A_106 = tpu.memref_slice %arg15[%add3A_98, %dma_start3A_105] : memref<128x128xf32, #tpu.memory_space<vmem>> -> memref<1x32xf32, #tpu.memory_space<vmem>>
      %dma_start3A_107 = tpu.memref_squeeze %dma_start3A_106 : memref<1x32xf32, #tpu.memory_space<vmem>> -> memref<32xf32, #tpu.memory_space<vmem>>
      %dma_start3A_108 = arith.constant 0 : i32
      %dma_start3A_109 = tpu.memref_slice %arg6[%squeeze3A_94, %dma_start3A_108] : memref<1000000x32xf32, #tpu.memory_space<hbm>> -> memref<1x32xf32, #tpu.memory_space<hbm>>
      %dma_start3A_110 = tpu.memref_squeeze %dma_start3A_109 : memref<1x32xf32, #tpu.memory_space<hbm>> -> memref<32xf32, #tpu.memory_space<hbm>>
      tpu.enqueue_dma source(%dma_start3A_110 : memref<32xf32, #tpu.memory_space<hbm>>) target(%dma_start3A_107 : memref<32xf32, #tpu.memory_space<vmem>>) target_semaphore(%arg17 : memref<!tpu.dma_semaphore, #tpu.memory_space<semaphore_mem>>)
      %slice3A_111 = vector.extract_strided_slice %get3A_59 {offsets = [3], sizes = [1], strides = [1]} : vector<16xi32> to vector<1xi32>
      %squeeze3A_112 = vector.extract %slice3A_111[0] : i32 from vector<1xi32>
      %mul3A_113 = arith.constant 4 : i32
      %mul3A_114 = arith.muli %scan3A_55, %mul3A_113 : i32
      %add3A_115 = arith.constant 0 : i32
      %add3A_116 = arith.addi %mul3A_114, %add3A_115 : i32
      %dma_start3A_117 = arith.constant 96 : i32
      %dma_start3A_118 = tpu.memref_slice %arg15[%add3A_116, %dma_start3A_117] : memref<128x128xf32, #tpu.memory_space<vmem>> -> memref<1x32xf32, #tpu.memory_space<vmem>>
      %dma_start3A_119 = tpu.memref_squeeze %dma_start3A_118 : memref<1x32xf32, #tpu.memory_space<vmem>> -> memref<32xf32, #tpu.memory_space<vmem>>
      %dma_start3A_120 = arith.constant 0 : i32
      %dma_start3A_121 = tpu.memref_slice %arg6[%squeeze3A_112, %dma_start3A_120] : memref<1000000x32xf32, #tpu.memory_space<hbm>> -> memref<1x32xf32, #tpu.memory_space<hbm>>
      %dma_start3A_122 = tpu.memref_squeeze %dma_start3A_121 : memref<1x32xf32, #tpu.memory_space<hbm>> -> memref<32xf32, #tpu.memory_space<hbm>>
      %dma_start3A_123 = arith.constant 96 : i32
      %dma_start3A_124 = tpu.memref_slice %arg15[%add3A_116, %dma_start3A_123] : memref<128x128xf32, #tpu.memory_space<vmem>> -> memref<1x32xf32, #tpu.memory_space<vmem>>
      %dma_start3A_125 = tpu.memref_squeeze %dma_start3A_124 : memref<1x32xf32, #tpu.memory_space<vmem>> -> memref<32xf32, #tpu.memory_space<vmem>>
      %dma_start3A_126 = arith.constant 0 : i32
      %dma_start3A_127 = tpu.memref_slice %arg6[%squeeze3A_112, %dma_start3A_126] : memref<1000000x32xf32, #tpu.memory_space<hbm>> -> memref<1x32xf32, #tpu.memory_space<hbm>>
      %dma_start3A_128 = tpu.memref_squeeze %dma_start3A_127 : memref<1x32xf32, #tpu.memory_space<hbm>> -> memref<32xf32, #tpu.memory_space<hbm>>
      tpu.enqueue_dma source(%dma_start3A_128 : memref<32xf32, #tpu.memory_space<hbm>>) target(%dma_start3A_125 : memref<32xf32, #tpu.memory_space<vmem>>) target_semaphore(%arg17 : memref<!tpu.dma_semaphore, #tpu.memory_space<semaphore_mem>>)
      %slice3A_129 = vector.extract_strided_slice %get3A_59 {offsets = [4], sizes = [1], strides = [1]} : vector<16xi32> to vector<1xi32>
      %squeeze3A_130 = vector.extract %slice3A_129[0] : i32 from vector<1xi32>
      %mul3A_131 = arith.constant 4 : i32
      %mul3A_132 = arith.muli %scan3A_55, %mul3A_131 : i32
      %add3A_133 = arith.constant 1 : i32
      %add3A_134 = arith.addi %mul3A_132, %add3A_133 : i32
      %dma_start3A_135 = arith.constant 0 : i32
      %dma_start3A_136 = tpu.memref_slice %arg15[%add3A_134, %dma_start3A_135] : memref<128x128xf32, #tpu.memory_space<vmem>> -> memref<1x32xf32, #tpu.memory_space<vmem>>
      %dma_start3A_137 = tpu.memref_squeeze %dma_start3A_136 : memref<1x32xf32, #tpu.memory_space<vmem>> -> memref<32xf32, #tpu.memory_space<vmem>>
      %dma_start3A_138 = arith.constant 0 : i32
      %dma_start3A_139 = tpu.memref_slice %arg6[%squeeze3A_130, %dma_start3A_138] : memref<1000000x32xf32, #tpu.memory_space<hbm>> -> memref<1x32xf32, #tpu.memory_space<hbm>>
      %dma_start3A_140 = tpu.memref_squeeze %dma_start3A_139 : memref<1x32xf32, #tpu.memory_space<hbm>> -> memref<32xf32, #tpu.memory_space<hbm>>
      %dma_start3A_141 = arith.constant 0 : i32
      %dma_start3A_142 = tpu.memref_slice %arg15[%add3A_134, %dma_start3A_141] : memref<128x128xf32, #tpu.memory_space<vmem>> -> memref<1x32xf32, #tpu.memory_space<vmem>>
      %dma_start3A_143 = tpu.memref_squeeze %dma_start3A_142 : memref<1x32xf32, #tpu.memory_space<vmem>> -> memref<32xf32, #tpu.memory_space<vmem>>
      %dma_start3A_144 = arith.constant 0 : i32
      %dma_start3A_145 = tpu.memref_slice %arg6[%squeeze3A_130, %dma_start3A_144] : memref<1000000x32xf32, #tpu.memory_space<hbm>> -> memref<1x32xf32, #tpu.memory_space<hbm>>
      %dma_start3A_146 = tpu.memref_squeeze %dma_start3A_145 : memref<1x32xf32, #tpu.memory_space<hbm>> -> memref<32xf32, #tpu.memory_space<hbm>>
      tpu.enqueue_dma source(%dma_start3A_146 : memref<32xf32, #tpu.memory_space<hbm>>) target(%dma_start3A_143 : memref<32xf32, #tpu.memory_space<vmem>>) target_semaphore(%arg17 : memref<!tpu.dma_semaphore, #tpu.memory_space<semaphore_mem>>)
      %slice3A_147 = vector.extract_strided_slice %get3A_59 {offsets = [5], sizes = [1], strides = [1]} : vector<16xi32> to vector<1xi32>
      %squeeze3A_148 = vector.extract %slice3A_147[0] : i32 from vector<1xi32>
      %mul3A_149 = arith.constant 4 : i32
      %mul3A_150 = arith.muli %scan3A_55, %mul3A_149 : i32
      %add3A_151 = arith.constant 1 : i32
      %add3A_152 = arith.addi %mul3A_150, %add3A_151 : i32
      %dma_start3A_153 = arith.constant 32 : i32
      %dma_start3A_154 = tpu.memref_slice %arg15[%add3A_152, %dma_start3A_153] : memref<128x128xf32, #tpu.memory_space<vmem>> -> memref<1x32xf32, #tpu.memory_space<vmem>>
      %dma_start3A_155 = tpu.memref_squeeze %dma_start3A_154 : memref<1x32xf32, #tpu.memory_space<vmem>> -> memref<32xf32, #tpu.memory_space<vmem>>
      %dma_start3A_156 = arith.constant 0 : i32
      %dma_start3A_157 = tpu.memref_slice %arg6[%squeeze3A_148, %dma_start3A_156] : memref<1000000x32xf32, #tpu.memory_space<hbm>> -> memref<1x32xf32, #tpu.memory_space<hbm>>
      %dma_start3A_158 = tpu.memref_squeeze %dma_start3A_157 : memref<1x32xf32, #tpu.memory_space<hbm>> -> memref<32xf32, #tpu.memory_space<hbm>>
      %dma_start3A_159 = arith.constant 32 : i32
      %dma_start3A_160 = tpu.memref_slice %arg15[%add3A_152, %dma_start3A_159] : memref<128x128xf32, #tpu.memory_space<vmem>> -> memref<1x32xf32, #tpu.memory_space<vmem>>
      %dma_start3A_161 = tpu.memref_squeeze %dma_start3A_160 : memref<1x32xf32, #tpu.memory_space<vmem>> -> memref<32xf32, #tpu.memory_space<vmem>>
      %dma_start3A_162 = arith.constant 0 : i32
      %dma_start3A_163 = tpu.memref_slice %arg6[%squeeze3A_148, %dma_start3A_162] : memref<1000000x32xf32, #tpu.memory_space<hbm>> -> memref<1x32xf32, #tpu.memory_space<hbm>>
      %dma_start3A_164 = tpu.memref_squeeze %dma_start3A_163 : memref<1x32xf32, #tpu.memory_space<hbm>> -> memref<32xf32, #tpu.memory_space<hbm>>
      tpu.enqueue_dma source(%dma_start3A_164 : memref<32xf32, #tpu.memory_space<hbm>>) target(%dma_start3A_161 : memref<32xf32, #tpu.memory_space<vmem>>) target_semaphore(%arg17 : memref<!tpu.dma_semaphore, #tpu.memory_space<semaphore_mem>>)
      %slice3A_165 = vector.extract_strided_slice %get3A_59 {offsets = [6], sizes = [1], strides = [1]} : vector<16xi32> to vector<1xi32>
      %squeeze3A_166 = vector.extract %slice3A_165[0] : i32 from vector<1xi32>
      %mul3A_167 = arith.constant 4 : i32
      %mul3A_168 = arith.muli %scan3A_55, %mul3A_167 : i32
      %add3A_169 = arith.constant 1 : i32
      %add3A_170 = arith.addi %mul3A_168, %add3A_169 : i32
      %dma_start3A_171 = arith.constant 64 : i32
      %dma_start3A_172 = tpu.memref_slice %arg15[%add3A_170, %dma_start3A_171] : memref<128x128xf32, #tpu.memory_space<vmem>> -> memref<1x32xf32, #tpu.memory_space<vmem>>
      %dma_start3A_173 = tpu.memref_squeeze %dma_start3A_172 : memref<1x32xf32, #tpu.memory_space<vmem>> -> memref<32xf32, #tpu.memory_space<vmem>>
      %dma_start3A_174 = arith.constant 0 : i32
      %dma_start3A_175 = tpu.memref_slice %arg6[%squeeze3A_166, %dma_start3A_174] : memref<1000000x32xf32, #tpu.memory_space<hbm>> -> memref<1x32xf32, #tpu.memory_space<hbm>>
      %dma_start3A_176 = tpu.memref_squeeze %dma_start3A_175 : memref<1x32xf32, #tpu.memory_space<hbm>> -> memref<32xf32, #tpu.memory_space<hbm>>
      %dma_start3A_177 = arith.constant 64 : i32
      %dma_start3A_178 = tpu.memref_slice %arg15[%add3A_170, %dma_start3A_177] : memref<128x128xf32, #tpu.memory_space<vmem>> -> memref<1x32xf32, #tpu.memory_space<vmem>>
      %dma_start3A_179 = tpu.memref_squeeze %dma_start3A_178 : memref<1x32xf32, #tpu.memory_space<vmem>> -> memref<32xf32, #tpu.memory_space<vmem>>
      %dma_start3A_180 = arith.constant 0 : i32
      %dma_start3A_181 = tpu.memref_slice %arg6[%squeeze3A_166, %dma_start3A_180] : memref<1000000x32xf32, #tpu.memory_space<hbm>> -> memref<1x32xf32, #tpu.memory_space<hbm>>
      %dma_start3A_182 = tpu.memref_squeeze %dma_start3A_181 : memref<1x32xf32, #tpu.memory_space<hbm>> -> memref<32xf32, #tpu.memory_space<hbm>>
      tpu.enqueue_dma source(%dma_start3A_182 : memref<32xf32, #tpu.memory_space<hbm>>) target(%dma_start3A_179 : memref<32xf32, #tpu.memory_space<vmem>>) target_semaphore(%arg17 : memref<!tpu.dma_semaphore, #tpu.memory_space<semaphore_mem>>)
      %slice3A_183 = vector.extract_strided_slice %get3A_59 {offsets = [7], sizes = [1], strides = [1]} : vector<16xi32> to vector<1xi32>
      %squeeze3A_184 = vector.extract %slice3A_183[0] : i32 from vector<1xi32>
      %mul3A_185 = arith.constant 4 : i32
      %mul3A_186 = arith.muli %scan3A_55, %mul3A_185 : i32
      %add3A_187 = arith.constant 1 : i32
      %add3A_188 = arith.addi %mul3A_186, %add3A_187 : i32
      %dma_start3A_189 = arith.constant 96 : i32
      %dma_start3A_190 = tpu.memref_slice %arg15[%add3A_188, %dma_start3A_189] : memref<128x128xf32, #tpu.memory_space<vmem>> -> memref<1x32xf32, #tpu.memory_space<vmem>>
      %dma_start3A_191 = tpu.memref_squeeze %dma_start3A_190 : memref<1x32xf32, #tpu.memory_space<vmem>> -> memref<32xf32, #tpu.memory_space<vmem>>
      %dma_start3A_192 = arith.constant 0 : i32
      %dma_start3A_193 = tpu.memref_slice %arg6[%squeeze3A_184, %dma_start3A_192] : memref<1000000x32xf32, #tpu.memory_space<hbm>> -> memref<1x32xf32, #tpu.memory_space<hbm>>
      %dma_start3A_194 = tpu.memref_squeeze %dma_start3A_193 : memref<1x32xf32, #tpu.memory_space<hbm>> -> memref<32xf32, #tpu.memory_space<hbm>>
      %dma_start3A_195 = arith.constant 96 : i32
      %dma_start3A_196 = tpu.memref_slice %arg15[%add3A_188, %dma_start3A_195] : memref<128x128xf32, #tpu.memory_space<vmem>> -> memref<1x32xf32, #tpu.memory_space<vmem>>
      %dma_start3A_197 = tpu.memref_squeeze %dma_start3A_196 : memref<1x32xf32, #tpu.memory_space<vmem>> -> memref<32xf32, #tpu.memory_space<vmem>>
      %dma_start3A_198 = arith.constant 0 : i32
      %dma_start3A_199 = tpu.memref_slice %arg6[%squeeze3A_184, %dma_start3A_198] : memref<1000000x32xf32, #tpu.memory_space<hbm>> -> memref<1x32xf32, #tpu.memory_space<hbm>>
      %dma_start3A_200 = tpu.memref_squeeze %dma_start3A_199 : memref<1x32xf32, #tpu.memory_space<hbm>> -> memref<32xf32, #tpu.memory_space<hbm>>
      tpu.enqueue_dma source(%dma_start3A_200 : memref<32xf32, #tpu.memory_space<hbm>>) target(%dma_start3A_197 : memref<32xf32, #tpu.memory_space<vmem>>) target_semaphore(%arg17 : memref<!tpu.dma_semaphore, #tpu.memory_space<semaphore_mem>>)
      %slice3A_201 = vector.extract_strided_slice %get3A_59 {offsets = [8], sizes = [1], strides = [1]} : vector<16xi32> to vector<1xi32>
      %squeeze3A_202 = vector.extract %slice3A_201[0] : i32 from vector<1xi32>
      %mul3A_203 = arith.constant 4 : i32
      %mul3A_204 = arith.muli %scan3A_55, %mul3A_203 : i32
      %add3A_205 = arith.constant 2 : i32
      %add3A_206 = arith.addi %mul3A_204, %add3A_205 : i32
      %dma_start3A_207 = arith.constant 0 : i32
      %dma_start3A_208 = tpu.memref_slice %arg15[%add3A_206, %dma_start3A_207] : memref<128x128xf32, #tpu.memory_space<vmem>> -> memref<1x32xf32, #tpu.memory_space<vmem>>
      %dma_start3A_209 = tpu.memref_squeeze %dma_start3A_208 : memref<1x32xf32, #tpu.memory_space<vmem>> -> memref<32xf32, #tpu.memory_space<vmem>>
      %dma_start3A_210 = arith.constant 0 : i32
      %dma_start3A_211 = tpu.memref_slice %arg6[%squeeze3A_202, %dma_start3A_210] : memref<1000000x32xf32, #tpu.memory_space<hbm>> -> memref<1x32xf32, #tpu.memory_space<hbm>>
      %dma_start3A_212 = tpu.memref_squeeze %dma_start3A_211 : memref<1x32xf32, #tpu.memory_space<hbm>> -> memref<32xf32, #tpu.memory_space<hbm>>
      %dma_start3A_213 = arith.constant 0 : i32
      %dma_start3A_214 = tpu.memref_slice %arg15[%add3A_206, %dma_start3A_213] : memref<128x128xf32, #tpu.memory_space<vmem>> -> memref<1x32xf32, #tpu.memory_space<vmem>>
      %dma_start3A_215 = tpu.memref_squeeze %dma_start3A_214 : memref<1x32xf32, #tpu.memory_space<vmem>> -> memref<32xf32, #tpu.memory_space<vmem>>
      %dma_start3A_216 = arith.constant 0 : i32
      %dma_start3A_217 = tpu.memref_slice %arg6[%squeeze3A_202, %dma_start3A_216] : memref<1000000x32xf32, #tpu.memory_space<hbm>> -> memref<1x32xf32, #tpu.memory_space<hbm>>
      %dma_start3A_218 = tpu.memref_squeeze %dma_start3A_217 : memref<1x32xf32, #tpu.memory_space<hbm>> -> memref<32xf32, #tpu.memory_space<hbm>>
      tpu.enqueue_dma source(%dma_start3A_218 : memref<32xf32, #tpu.memory_space<hbm>>) target(%dma_start3A_215 : memref<32xf32, #tpu.memory_space<vmem>>) target_semaphore(%arg17 : memref<!tpu.dma_semaphore, #tpu.memory_space<semaphore_mem>>)
      %slice3A_219 = vector.extract_strided_slice %get3A_59 {offsets = [9], sizes = [1], strides = [1]} : vector<16xi32> to vector<1xi32>
      %squeeze3A_220 = vector.extract %slice3A_219[0] : i32 from vector<1xi32>
      %mul3A_221 = arith.constant 4 : i32
      %mul3A_222 = arith.muli %scan3A_55, %mul3A_221 : i32
      %add3A_223 = arith.constant 2 : i32
      %add3A_224 = arith.addi %mul3A_222, %add3A_223 : i32
      %dma_start3A_225 = arith.constant 32 : i32
      %dma_start3A_226 = tpu.memref_slice %arg15[%add3A_224, %dma_start3A_225] : memref<128x128xf32, #tpu.memory_space<vmem>> -> memref<1x32xf32, #tpu.memory_space<vmem>>
      %dma_start3A_227 = tpu.memref_squeeze %dma_start3A_226 : memref<1x32xf32, #tpu.memory_space<vmem>> -> memref<32xf32, #tpu.memory_space<vmem>>
      %dma_start3A_228 = arith.constant 0 : i32
      %dma_start3A_229 = tpu.memref_slice %arg6[%squeeze3A_220, %dma_start3A_228] : memref<1000000x32xf32, #tpu.memory_space<hbm>> -> memref<1x32xf32, #tpu.memory_space<hbm>>
      %dma_start3A_230 = tpu.memref_squeeze %dma_start3A_229 : memref<1x32xf32, #tpu.memory_space<hbm>> -> memref<32xf32, #tpu.memory_space<hbm>>
      %dma_start3A_231 = arith.constant 32 : i32
      %dma_start3A_232 = tpu.memref_slice %arg15[%add3A_224, %dma_start3A_231] : memref<128x128xf32, #tpu.memory_space<vmem>> -> memref<1x32xf32, #tpu.memory_space<vmem>>
      %dma_start3A_233 = tpu.memref_squeeze %dma_start3A_232 : memref<1x32xf32, #tpu.memory_space<vmem>> -> memref<32xf32, #tpu.memory_space<vmem>>
      %dma_start3A_234 = arith.constant 0 : i32
      %dma_start3A_235 = tpu.memref_slice %arg6[%squeeze3A_220, %dma_start3A_234] : memref<1000000x32xf32, #tpu.memory_space<hbm>> -> memref<1x32xf32, #tpu.memory_space<hbm>>
      %dma_start3A_236 = tpu.memref_squeeze %dma_start3A_235 : memref<1x32xf32, #tpu.memory_space<hbm>> -> memref<32xf32, #tpu.memory_space<hbm>>
      tpu.enqueue_dma source(%dma_start3A_236 : memref<32xf32, #tpu.memory_space<hbm>>) target(%dma_start3A_233 : memref<32xf32, #tpu.memory_space<vmem>>) target_semaphore(%arg17 : memref<!tpu.dma_semaphore, #tpu.memory_space<semaphore_mem>>)
      %slice3A_237 = vector.extract_strided_slice %get3A_59 {offsets = [10], sizes = [1], strides = [1]} : vector<16xi32> to vector<1xi32>
      %squeeze3A_238 = vector.extract %slice3A_237[0] : i32 from vector<1xi32>
      %mul3A_239 = arith.constant 4 : i32
      %mul3A_240 = arith.muli %scan3A_55, %mul3A_239 : i32
      %add3A_241 = arith.constant 2 : i32
      %add3A_242 = arith.addi %mul3A_240, %add3A_241 : i32
      %dma_start3A_243 = arith.constant 64 : i32
      %dma_start3A_244 = tpu.memref_slice %arg15[%add3A_242, %dma_start3A_243] : memref<128x128xf32, #tpu.memory_space<vmem>> -> memref<1x32xf32, #tpu.memory_space<vmem>>
      %dma_start3A_245 = tpu.memref_squeeze %dma_start3A_244 : memref<1x32xf32, #tpu.memory_space<vmem>> -> memref<32xf32, #tpu.memory_space<vmem>>
      %dma_start3A_246 = arith.constant 0 : i32
      %dma_start3A_247 = tpu.memref_slice %arg6[%squeeze3A_238, %dma_start3A_246] : memref<1000000x32xf32, #tpu.memory_space<hbm>> -> memref<1x32xf32, #tpu.memory_space<hbm>>
      %dma_start3A_248 = tpu.memref_squeeze %dma_start3A_247 : memref<1x32xf32, #tpu.memory_space<hbm>> -> memref<32xf32, #tpu.memory_space<hbm>>
      %dma_start3A_249 = arith.constant 64 : i32
      %dma_start3A_250 = tpu.memref_slice %arg15[%add3A_242, %dma_start3A_249] : memref<128x128xf32, #tpu.memory_space<vmem>> -> memref<1x32xf32, #tpu.memory_space<vmem>>
      %dma_start3A_251 = tpu.memref_squeeze %dma_start3A_250 : memref<1x32xf32, #tpu.memory_space<vmem>> -> memref<32xf32, #tpu.memory_space<vmem>>
      %dma_start3A_252 = arith.constant 0 : i32
      %dma_start3A_253 = tpu.memref_slice %arg6[%squeeze3A_238, %dma_start3A_252] : memref<1000000x32xf32, #tpu.memory_space<hbm>> -> memref<1x32xf32, #tpu.memory_space<hbm>>
      %dma_start3A_254 = tpu.memref_squeeze %dma_start3A_253 : memref<1x32xf32, #tpu.memory_space<hbm>> -> memref<32xf32, #tpu.memory_space<hbm>>
      tpu.enqueue_dma source(%dma_start3A_254 : memref<32xf32, #tpu.memory_space<hbm>>) target(%dma_start3A_251 : memref<32xf32, #tpu.memory_space<vmem>>) target_semaphore(%arg17 : memref<!tpu.dma_semaphore, #tpu.memory_space<semaphore_mem>>)
      %slice3A_255 = vector.extract_strided_slice %get3A_59 {offsets = [11], sizes = [1], strides = [1]} : vector<16xi32> to vector<1xi32>
      %squeeze3A_256 = vector.extract %slice3A_255[0] : i32 from vector<1xi32>
      %mul3A_257 = arith.constant 4 : i32
      %mul3A_258 = arith.muli %scan3A_55, %mul3A_257 : i32
      %add3A_259 = arith.constant 2 : i32
      %add3A_260 = arith.addi %mul3A_258, %add3A_259 : i32
      %dma_start3A_261 = arith.constant 96 : i32
      %dma_start3A_262 = tpu.memref_slice %arg15[%add3A_260, %dma_start3A_261] : memref<128x128xf32, #tpu.memory_space<vmem>> -> memref<1x32xf32, #tpu.memory_space<vmem>>
      %dma_start3A_263 = tpu.memref_squeeze %dma_start3A_262 : memref<1x32xf32, #tpu.memory_space<vmem>> -> memref<32xf32, #tpu.memory_space<vmem>>
      %dma_start3A_264 = arith.constant 0 : i32
      %dma_start3A_265 = tpu.memref_slice %arg6[%squeeze3A_256, %dma_start3A_264] : memref<1000000x32xf32, #tpu.memory_space<hbm>> -> memref<1x32xf32, #tpu.memory_space<hbm>>
      %dma_start3A_266 = tpu.memref_squeeze %dma_start3A_265 : memref<1x32xf32, #tpu.memory_space<hbm>> -> memref<32xf32, #tpu.memory_space<hbm>>
      %dma_start3A_267 = arith.constant 96 : i32
      %dma_start3A_268 = tpu.memref_slice %arg15[%add3A_260, %dma_start3A_267] : memref<128x128xf32, #tpu.memory_space<vmem>> -> memref<1x32xf32, #tpu.memory_space<vmem>>
      %dma_start3A_269 = tpu.memref_squeeze %dma_start3A_268 : memref<1x32xf32, #tpu.memory_space<vmem>> -> memref<32xf32, #tpu.memory_space<vmem>>
      %dma_start3A_270 = arith.constant 0 : i32
      %dma_start3A_271 = tpu.memref_slice %arg6[%squeeze3A_256, %dma_start3A_270] : memref<1000000x32xf32, #tpu.memory_space<hbm>> -> memref<1x32xf32, #tpu.memory_space<hbm>>
      %dma_start3A_272 = tpu.memref_squeeze %dma_start3A_271 : memref<1x32xf32, #tpu.memory_space<hbm>> -> memref<32xf32, #tpu.memory_space<hbm>>
      tpu.enqueue_dma source(%dma_start3A_272 : memref<32xf32, #tpu.memory_space<hbm>>) target(%dma_start3A_269 : memref<32xf32, #tpu.memory_space<vmem>>) target_semaphore(%arg17 : memref<!tpu.dma_semaphore, #tpu.memory_space<semaphore_mem>>)
      %slice3A_273 = vector.extract_strided_slice %get3A_59 {offsets = [12], sizes = [1], strides = [1]} : vector<16xi32> to vector<1xi32>
      %squeeze3A_274 = vector.extract %slice3A_273[0] : i32 from vector<1xi32>
      %mul3A_275 = arith.constant 4 : i32
      %mul3A_276 = arith.muli %scan3A_55, %mul3A_275 : i32
      %add3A_277 = arith.constant 3 : i32
      %add3A_278 = arith.addi %mul3A_276, %add3A_277 : i32
      %dma_start3A_279 = arith.constant 0 : i32
      %dma_start3A_280 = tpu.memref_slice %arg15[%add3A_278, %dma_start3A_279] : memref<128x128xf32, #tpu.memory_space<vmem>> -> memref<1x32xf32, #tpu.memory_space<vmem>>
      %dma_start3A_281 = tpu.memref_squeeze %dma_start3A_280 : memref<1x32xf32, #tpu.memory_space<vmem>> -> memref<32xf32, #tpu.memory_space<vmem>>
      %dma_start3A_282 = arith.constant 0 : i32
      %dma_start3A_283 = tpu.memref_slice %arg6[%squeeze3A_274, %dma_start3A_282] : memref<1000000x32xf32, #tpu.memory_space<hbm>> -> memref<1x32xf32, #tpu.memory_space<hbm>>
      %dma_start3A_284 = tpu.memref_squeeze %dma_start3A_283 : memref<1x32xf32, #tpu.memory_space<hbm>> -> memref<32xf32, #tpu.memory_space<hbm>>
      %dma_start3A_285 = arith.constant 0 : i32
      %dma_start3A_286 = tpu.memref_slice %arg15[%add3A_278, %dma_start3A_285] : memref<128x128xf32, #tpu.memory_space<vmem>> -> memref<1x32xf32, #tpu.memory_space<vmem>>
      %dma_start3A_287 = tpu.memref_squeeze %dma_start3A_286 : memref<1x32xf32, #tpu.memory_space<vmem>> -> memref<32xf32, #tpu.memory_space<vmem>>
      %dma_start3A_288 = arith.constant 0 : i32
      %dma_start3A_289 = tpu.memref_slice %arg6[%squeeze3A_274, %dma_start3A_288] : memref<1000000x32xf32, #tpu.memory_space<hbm>> -> memref<1x32xf32, #tpu.memory_space<hbm>>
      %dma_start3A_290 = tpu.memref_squeeze %dma_start3A_289 : memref<1x32xf32, #tpu.memory_space<hbm>> -> memref<32xf32, #tpu.memory_space<hbm>>
      tpu.enqueue_dma source(%dma_start3A_290 : memref<32xf32, #tpu.memory_space<hbm>>) target(%dma_start3A_287 : memref<32xf32, #tpu.memory_space<vmem>>) target_semaphore(%arg17 : memref<!tpu.dma_semaphore, #tpu.memory_space<semaphore_mem>>)
      %slice3A_291 = vector.extract_strided_slice %get3A_59 {offsets = [13], sizes = [1], strides = [1]} : vector<16xi32> to vector<1xi32>
      %squeeze3A_292 = vector.extract %slice3A_291[0] : i32 from vector<1xi32>
      %mul3A_293 = arith.constant 4 : i32
      %mul3A_294 = arith.muli %scan3A_55, %mul3A_293 : i32
      %add3A_295 = arith.constant 3 : i32
      %add3A_296 = arith.addi %mul3A_294, %add3A_295 : i32
      %dma_start3A_297 = arith.constant 32 : i32
      %dma_start3A_298 = tpu.memref_slice %arg15[%add3A_296, %dma_start3A_297] : memref<128x128xf32, #tpu.memory_space<vmem>> -> memref<1x32xf32, #tpu.memory_space<vmem>>
      %dma_start3A_299 = tpu.memref_squeeze %dma_start3A_298 : memref<1x32xf32, #tpu.memory_space<vmem>> -> memref<32xf32, #tpu.memory_space<vmem>>
      %dma_start3A_300 = arith.constant 0 : i32
      %dma_start3A_301 = tpu.memref_slice %arg6[%squeeze3A_292, %dma_start3A_300] : memref<1000000x32xf32, #tpu.memory_space<hbm>> -> memref<1x32xf32, #tpu.memory_space<hbm>>
      %dma_start3A_302 = tpu.memref_squeeze %dma_start3A_301 : memref<1x32xf32, #tpu.memory_space<hbm>> -> memref<32xf32, #tpu.memory_space<hbm>>
      %dma_start3A_303 = arith.constant 32 : i32
      %dma_start3A_304 = tpu.memref_slice %arg15[%add3A_296, %dma_start3A_303] : memref<128x128xf32, #tpu.memory_space<vmem>> -> memref<1x32xf32, #tpu.memory_space<vmem>>
      %dma_start3A_305 = tpu.memref_squeeze %dma_start3A_304 : memref<1x32xf32, #tpu.memory_space<vmem>> -> memref<32xf32, #tpu.memory_space<vmem>>
      %dma_start3A_306 = arith.constant 0 : i32
      %dma_start3A_307 = tpu.memref_slice %arg6[%squeeze3A_292, %dma_start3A_306] : memref<1000000x32xf32, #tpu.memory_space<hbm>> -> memref<1x32xf32, #tpu.memory_space<hbm>>
      %dma_start3A_308 = tpu.memref_squeeze %dma_start3A_307 : memref<1x32xf32, #tpu.memory_space<hbm>> -> memref<32xf32, #tpu.memory_space<hbm>>
      tpu.enqueue_dma source(%dma_start3A_308 : memref<32xf32, #tpu.memory_space<hbm>>) target(%dma_start3A_305 : memref<32xf32, #tpu.memory_space<vmem>>) target_semaphore(%arg17 : memref<!tpu.dma_semaphore, #tpu.memory_space<semaphore_mem>>)
      %slice3A_309 = vector.extract_strided_slice %get3A_59 {offsets = [14], sizes = [1], strides = [1]} : vector<16xi32> to vector<1xi32>
      %squeeze3A_310 = vector.extract %slice3A_309[0] : i32 from vector<1xi32>
      %mul3A_311 = arith.constant 4 : i32
      %mul3A_312 = arith.muli %scan3A_55, %mul3A_311 : i32
      %add3A_313 = arith.constant 3 : i32
      %add3A_314 = arith.addi %mul3A_312, %add3A_313 : i32
      %dma_start3A_315 = arith.constant 64 : i32
      %dma_start3A_316 = tpu.memref_slice %arg15[%add3A_314, %dma_start3A_315] : memref<128x128xf32, #tpu.memory_space<vmem>> -> memref<1x32xf32, #tpu.memory_space<vmem>>
      %dma_start3A_317 = tpu.memref_squeeze %dma_start3A_316 : memref<1x32xf32, #tpu.memory_space<vmem>> -> memref<32xf32, #tpu.memory_space<vmem>>
      %dma_start3A_318 = arith.constant 0 : i32
      %dma_start3A_319 = tpu.memref_slice %arg6[%squeeze3A_310, %dma_start3A_318] : memref<1000000x32xf32, #tpu.memory_space<hbm>> -> memref<1x32xf32, #tpu.memory_space<hbm>>
      %dma_start3A_320 = tpu.memref_squeeze %dma_start3A_319 : memref<1x32xf32, #tpu.memory_space<hbm>> -> memref<32xf32, #tpu.memory_space<hbm>>
      %dma_start3A_321 = arith.constant 64 : i32
      %dma_start3A_322 = tpu.memref_slice %arg15[%add3A_314, %dma_start3A_321] : memref<128x128xf32, #tpu.memory_space<vmem>> -> memref<1x32xf32, #tpu.memory_space<vmem>>
      %dma_start3A_323 = tpu.memref_squeeze %dma_start3A_322 : memref<1x32xf32, #tpu.memory_space<vmem>> -> memref<32xf32, #tpu.memory_space<vmem>>
      %dma_start3A_324 = arith.constant 0 : i32
      %dma_start3A_325 = tpu.memref_slice %arg6[%squeeze3A_310, %dma_start3A_324] : memref<1000000x32xf32, #tpu.memory_space<hbm>> -> memref<1x32xf32, #tpu.memory_space<hbm>>
      %dma_start3A_326 = tpu.memref_squeeze %dma_start3A_325 : memref<1x32xf32, #tpu.memory_space<hbm>> -> memref<32xf32, #tpu.memory_space<hbm>>
      tpu.enqueue_dma source(%dma_start3A_326 : memref<32xf32, #tpu.memory_space<hbm>>) target(%dma_start3A_323 : memref<32xf32, #tpu.memory_space<vmem>>) target_semaphore(%arg17 : memref<!tpu.dma_semaphore, #tpu.memory_space<semaphore_mem>>)
      %slice3A_327 = vector.extract_strided_slice %get3A_59 {offsets = [15], sizes = [1], strides = [1]} : vector<16xi32> to vector<1xi32>
      %squeeze3A_328 = vector.extract %slice3A_327[0] : i32 from vector<1xi32>
      %mul3A_329 = arith.constant 4 : i32
      %mul3A_330 = arith.muli %scan3A_55, %mul3A_329 : i32
      %add3A_331 = arith.constant 3 : i32
      %add3A_332 = arith.addi %mul3A_330, %add3A_331 : i32
      %dma_start3A_333 = arith.constant 96 : i32
      %dma_start3A_334 = tpu.memref_slice %arg15[%add3A_332, %dma_start3A_333] : memref<128x128xf32, #tpu.memory_space<vmem>> -> memref<1x32xf32, #tpu.memory_space<vmem>>
      %dma_start3A_335 = tpu.memref_squeeze %dma_start3A_334 : memref<1x32xf32, #tpu.memory_space<vmem>> -> memref<32xf32, #tpu.memory_space<vmem>>
      %dma_start3A_336 = arith.constant 0 : i32
      %dma_start3A_337 = tpu.memref_slice %arg6[%squeeze3A_328, %dma_start3A_336] : memref<1000000x32xf32, #tpu.memory_space<hbm>> -> memref<1x32xf32, #tpu.memory_space<hbm>>
      %dma_start3A_338 = tpu.memref_squeeze %dma_start3A_337 : memref<1x32xf32, #tpu.memory_space<hbm>> -> memref<32xf32, #tpu.memory_space<hbm>>
      %dma_start3A_339 = arith.constant 96 : i32
      %dma_start3A_340 = tpu.memref_slice %arg15[%add3A_332, %dma_start3A_339] : memref<128x128xf32, #tpu.memory_space<vmem>> -> memref<1x32xf32, #tpu.memory_space<vmem>>
      %dma_start3A_341 = tpu.memref_squeeze %dma_start3A_340 : memref<1x32xf32, #tpu.memory_space<vmem>> -> memref<32xf32, #tpu.memory_space<vmem>>
      %dma_start3A_342 = arith.constant 0 : i32
      %dma_start3A_343 = tpu.memref_slice %arg6[%squeeze3A_328, %dma_start3A_342] : memref<1000000x32xf32, #tpu.memory_space<hbm>> -> memref<1x32xf32, #tpu.memory_space<hbm>>
      %dma_start3A_344 = tpu.memref_squeeze %dma_start3A_343 : memref<1x32xf32, #tpu.memory_space<hbm>> -> memref<32xf32, #tpu.memory_space<hbm>>
      tpu.enqueue_dma source(%dma_start3A_344 : memref<32xf32, #tpu.memory_space<hbm>>) target(%dma_start3A_341 : memref<32xf32, #tpu.memory_space<vmem>>) target_semaphore(%arg17 : memref<!tpu.dma_semaphore, #tpu.memory_space<semaphore_mem>>)
    }
    %scan3A_19 = arith.constant 32 : i32
    %scan3A_20 = arith.constant 0 : i32
    %scan3A_21 = arith.constant 0 : i32
    %scan3A_22 = arith.constant 32 : i32
    %scan3A_23 = arith.addi %scan3A_21, %scan3A_22 : i32
    %scan3A_24 = arith.constant 1 : i32
    scf.for %scan3A_55 = %scan3A_21 to %scan3A_23 step %scan3A_24  : i32 {
      %mul3A_56 = arith.constant 16 : i32
      %mul3A_57 = arith.muli %scan3A_55, %mul3A_56 : i32
      %get3A = arith.index_cast %mul3A_57 : i32 to index
      %get3A_58 = tpu.vector_load %arg12[%get3A] {strides = array<i32>} : memref<512xi32, #tpu.memory_space<vmem>>, vector<16xi32>,
      %get3A_59 = vector.shape_cast %get3A_58 : vector<16xi32> to vector<16xi32>
      %slice3A = vector.extract_strided_slice %get3A_59 {offsets = [0], sizes = [1], strides = [1]} : vector<16xi32> to vector<1xi32>
      %squeeze3A = vector.extract %slice3A[0] : i32 from vector<1xi32>
      %mul3A_60 = arith.constant 4 : i32
      %mul3A_61 = arith.muli %scan3A_55, %mul3A_60 : i32
      %add3A_62 = arith.constant 0 : i32
      %add3A_63 = arith.addi %mul3A_61, %add3A_62 : i32
      %dma_start3A = arith.constant 0 : i32
      %dma_start3A_64 = tpu.memref_slice %arg16[%add3A_63, %dma_start3A] : memref<128x128xf32, #tpu.memory_space<vmem>> -> memref<1x32xf32, #tpu.memory_space<vmem>>
      %dma_start3A_65 = tpu.memref_squeeze %dma_start3A_64 : memref<1x32xf32, #tpu.memory_space<vmem>> -> memref<32xf32, #tpu.memory_space<vmem>>
      %dma_start3A_66 = arith.constant 0 : i32
      %dma_start3A_67 = tpu.memref_slice %arg7[%squeeze3A, %dma_start3A_66] : memref<1000000x32xf32, #tpu.memory_space<hbm>> -> memref<1x32xf32, #tpu.memory_space<hbm>>
      %dma_start3A_68 = tpu.memref_squeeze %dma_start3A_67 : memref<1x32xf32, #tpu.memory_space<hbm>> -> memref<32xf32, #tpu.memory_space<hbm>>
      %dma_start3A_69 = arith.constant 0 : i32
      %dma_start3A_70 = tpu.memref_slice %arg16[%add3A_63, %dma_start3A_69] : memref<128x128xf32, #tpu.memory_space<vmem>> -> memref<1x32xf32, #tpu.memory_space<vmem>>
      %dma_start3A_71 = tpu.memref_squeeze %dma_start3A_70 : memref<1x32xf32, #tpu.memory_space<vmem>> -> memref<32xf32, #tpu.memory_space<vmem>>
      %dma_start3A_72 = arith.constant 0 : i32
      %dma_start3A_73 = tpu.memref_slice %arg7[%squeeze3A, %dma_start3A_72] : memref<1000000x32xf32, #tpu.memory_space<hbm>> -> memref<1x32xf32, #tpu.memory_space<hbm>>
      %dma_start3A_74 = tpu.memref_squeeze %dma_start3A_73 : memref<1x32xf32, #tpu.memory_space<hbm>> -> memref<32xf32, #tpu.memory_space<hbm>>
      tpu.enqueue_dma source(%dma_start3A_74 : memref<32xf32, #tpu.memory_space<hbm>>) target(%dma_start3A_71 : memref<32xf32, #tpu.memory_space<vmem>>) target_semaphore(%arg17 : memref<!tpu.dma_semaphore, #tpu.memory_space<semaphore_mem>>)
      %slice3A_75 = vector.extract_strided_slice %get3A_59 {offsets = [1], sizes = [1], strides = [1]} : vector<16xi32> to vector<1xi32>
      %squeeze3A_76 = vector.extract %slice3A_75[0] : i32 from vector<1xi32>
      %mul3A_77 = arith.constant 4 : i32
      %mul3A_78 = arith.muli %scan3A_55, %mul3A_77 : i32
      %add3A_79 = arith.constant 0 : i32
      %add3A_80 = arith.addi %mul3A_78, %add3A_79 : i32
      %dma_start3A_81 = arith.constant 32 : i32
      %dma_start3A_82 = tpu.memref_slice %arg16[%add3A_80, %dma_start3A_81] : memref<128x128xf32, #tpu.memory_space<vmem>> -> memref<1x32xf32, #tpu.memory_space<vmem>>
      %dma_start3A_83 = tpu.memref_squeeze %dma_start3A_82 : memref<1x32xf32, #tpu.memory_space<vmem>> -> memref<32xf32, #tpu.memory_space<vmem>>
      %dma_start3A_84 = arith.constant 0 : i32
      %dma_start3A_85 = tpu.memref_slice %arg7[%squeeze3A_76, %dma_start3A_84] : memref<1000000x32xf32, #tpu.memory_space<hbm>> -> memref<1x32xf32, #tpu.memory_space<hbm>>
      %dma_start3A_86 = tpu.memref_squeeze %dma_start3A_85 : memref<1x32xf32, #tpu.memory_space<hbm>> -> memref<32xf32, #tpu.memory_space<hbm>>
      %dma_start3A_87 = arith.constant 32 : i32
      %dma_start3A_88 = tpu.memref_slice %arg16[%add3A_80, %dma_start3A_87] : memref<128x128xf32, #tpu.memory_space<vmem>> -> memref<1x32xf32, #tpu.memory_space<vmem>>
      %dma_start3A_89 = tpu.memref_squeeze %dma_start3A_88 : memref<1x32xf32, #tpu.memory_space<vmem>> -> memref<32xf32, #tpu.memory_space<vmem>>
      %dma_start3A_90 = arith.constant 0 : i32
      %dma_start3A_91 = tpu.memref_slice %arg7[%squeeze3A_76, %dma_start3A_90] : memref<1000000x32xf32, #tpu.memory_space<hbm>> -> memref<1x32xf32, #tpu.memory_space<hbm>>
      %dma_start3A_92 = tpu.memref_squeeze %dma_start3A_91 : memref<1x32xf32, #tpu.memory_space<hbm>> -> memref<32xf32, #tpu.memory_space<hbm>>
      tpu.enqueue_dma source(%dma_start3A_92 : memref<32xf32, #tpu.memory_space<hbm>>) target(%dma_start3A_89 : memref<32xf32, #tpu.memory_space<vmem>>) target_semaphore(%arg17 : memref<!tpu.dma_semaphore, #tpu.memory_space<semaphore_mem>>)
      %slice3A_93 = vector.extract_strided_slice %get3A_59 {offsets = [2], sizes = [1], strides = [1]} : vector<16xi32> to vector<1xi32>
      %squeeze3A_94 = vector.extract %slice3A_93[0] : i32 from vector<1xi32>
      %mul3A_95 = arith.constant 4 : i32
      %mul3A_96 = arith.muli %scan3A_55, %mul3A_95 : i32
      %add3A_97 = arith.constant 0 : i32
      %add3A_98 = arith.addi %mul3A_96, %add3A_97 : i32
      %dma_start3A_99 = arith.constant 64 : i32
      %dma_start3A_100 = tpu.memref_slice %arg16[%add3A_98, %dma_start3A_99] : memref<128x128xf32, #tpu.memory_space<vmem>> -> memref<1x32xf32, #tpu.memory_space<vmem>>
      %dma_start3A_101 = tpu.memref_squeeze %dma_start3A_100 : memref<1x32xf32, #tpu.memory_space<vmem>> -> memref<32xf32, #tpu.memory_space<vmem>>
      %dma_start3A_102 = arith.constant 0 : i32
      %dma_start3A_103 = tpu.memref_slice %arg7[%squeeze3A_94, %dma_start3A_102] : memref<1000000x32xf32, #tpu.memory_space<hbm>> -> memref<1x32xf32, #tpu.memory_space<hbm>>
      %dma_start3A_104 = tpu.memref_squeeze %dma_start3A_103 : memref<1x32xf32, #tpu.memory_space<hbm>> -> memref<32xf32, #tpu.memory_space<hbm>>
      %dma_start3A_105 = arith.constant 64 : i32
      %dma_start3A_106 = tpu.memref_slice %arg16[%add3A_98, %dma_start3A_105] : memref<128x128xf32, #tpu.memory_space<vmem>> -> memref<1x32xf32, #tpu.memory_space<vmem>>
      %dma_start3A_107 = tpu.memref_squeeze %dma_start3A_106 : memref<1x32xf32, #tpu.memory_space<vmem>> -> memref<32xf32, #tpu.memory_space<vmem>>
      %dma_start3A_108 = arith.constant 0 : i32
      %dma_start3A_109 = tpu.memref_slice %arg7[%squeeze3A_94, %dma_start3A_108] : memref<1000000x32xf32, #tpu.memory_space<hbm>> -> memref<1x32xf32, #tpu.memory_space<hbm>>
      %dma_start3A_110 = tpu.memref_squeeze %dma_start3A_109 : memref<1x32xf32, #tpu.memory_space<hbm>> -> memref<32xf32, #tpu.memory_space<hbm>>
      tpu.enqueue_dma source(%dma_start3A_110 : memref<32xf32, #tpu.memory_space<hbm>>) target(%dma_start3A_107 : memref<32xf32, #tpu.memory_space<vmem>>) target_semaphore(%arg17 : memref<!tpu.dma_semaphore, #tpu.memory_space<semaphore_mem>>)
      %slice3A_111 = vector.extract_strided_slice %get3A_59 {offsets = [3], sizes = [1], strides = [1]} : vector<16xi32> to vector<1xi32>
      %squeeze3A_112 = vector.extract %slice3A_111[0] : i32 from vector<1xi32>
      %mul3A_113 = arith.constant 4 : i32
      %mul3A_114 = arith.muli %scan3A_55, %mul3A_113 : i32
      %add3A_115 = arith.constant 0 : i32
      %add3A_116 = arith.addi %mul3A_114, %add3A_115 : i32
      %dma_start3A_117 = arith.constant 96 : i32
      %dma_start3A_118 = tpu.memref_slice %arg16[%add3A_116, %dma_start3A_117] : memref<128x128xf32, #tpu.memory_space<vmem>> -> memref<1x32xf32, #tpu.memory_space<vmem>>
      %dma_start3A_119 = tpu.memref_squeeze %dma_start3A_118 : memref<1x32xf32, #tpu.memory_space<vmem>> -> memref<32xf32, #tpu.memory_space<vmem>>
      %dma_start3A_120 = arith.constant 0 : i32
      %dma_start3A_121 = tpu.memref_slice %arg7[%squeeze3A_112, %dma_start3A_120] : memref<1000000x32xf32, #tpu.memory_space<hbm>> -> memref<1x32xf32, #tpu.memory_space<hbm>>
      %dma_start3A_122 = tpu.memref_squeeze %dma_start3A_121 : memref<1x32xf32, #tpu.memory_space<hbm>> -> memref<32xf32, #tpu.memory_space<hbm>>
      %dma_start3A_123 = arith.constant 96 : i32
      %dma_start3A_124 = tpu.memref_slice %arg16[%add3A_116, %dma_start3A_123] : memref<128x128xf32, #tpu.memory_space<vmem>> -> memref<1x32xf32, #tpu.memory_space<vmem>>
      %dma_start3A_125 = tpu.memref_squeeze %dma_start3A_124 : memref<1x32xf32, #tpu.memory_space<vmem>> -> memref<32xf32, #tpu.memory_space<vmem>>
      %dma_start3A_126 = arith.constant 0 : i32
      %dma_start3A_127 = tpu.memref_slice %arg7[%squeeze3A_112, %dma_start3A_126] : memref<1000000x32xf32, #tpu.memory_space<hbm>> -> memref<1x32xf32, #tpu.memory_space<hbm>>
      %dma_start3A_128 = tpu.memref_squeeze %dma_start3A_127 : memref<1x32xf32, #tpu.memory_space<hbm>> -> memref<32xf32, #tpu.memory_space<hbm>>
      tpu.enqueue_dma source(%dma_start3A_128 : memref<32xf32, #tpu.memory_space<hbm>>) target(%dma_start3A_125 : memref<32xf32, #tpu.memory_space<vmem>>) target_semaphore(%arg17 : memref<!tpu.dma_semaphore, #tpu.memory_space<semaphore_mem>>)
      %slice3A_129 = vector.extract_strided_slice %get3A_59 {offsets = [4], sizes = [1], strides = [1]} : vector<16xi32> to vector<1xi32>
      %squeeze3A_130 = vector.extract %slice3A_129[0] : i32 from vector<1xi32>
      %mul3A_131 = arith.constant 4 : i32
      %mul3A_132 = arith.muli %scan3A_55, %mul3A_131 : i32
      %add3A_133 = arith.constant 1 : i32
      %add3A_134 = arith.addi %mul3A_132, %add3A_133 : i32
      %dma_start3A_135 = arith.constant 0 : i32
      %dma_start3A_136 = tpu.memref_slice %arg16[%add3A_134, %dma_start3A_135] : memref<128x128xf32, #tpu.memory_space<vmem>> -> memref<1x32xf32, #tpu.memory_space<vmem>>
      %dma_start3A_137 = tpu.memref_squeeze %dma_start3A_136 : memref<1x32xf32, #tpu.memory_space<vmem>> -> memref<32xf32, #tpu.memory_space<vmem>>
      %dma_start3A_138 = arith.constant 0 : i32
      %dma_start3A_139 = tpu.memref_slice %arg7[%squeeze3A_130, %dma_start3A_138] : memref<1000000x32xf32, #tpu.memory_space<hbm>> -> memref<1x32xf32, #tpu.memory_space<hbm>>
      %dma_start3A_140 = tpu.memref_squeeze %dma_start3A_139 : memref<1x32xf32, #tpu.memory_space<hbm>> -> memref<32xf32, #tpu.memory_space<hbm>>
      %dma_start3A_141 = arith.constant 0 : i32
      %dma_start3A_142 = tpu.memref_slice %arg16[%add3A_134, %dma_start3A_141] : memref<128x128xf32, #tpu.memory_space<vmem>> -> memref<1x32xf32, #tpu.memory_space<vmem>>
      %dma_start3A_143 = tpu.memref_squeeze %dma_start3A_142 : memref<1x32xf32, #tpu.memory_space<vmem>> -> memref<32xf32, #tpu.memory_space<vmem>>
      %dma_start3A_144 = arith.constant 0 : i32
      %dma_start3A_145 = tpu.memref_slice %arg7[%squeeze3A_130, %dma_start3A_144] : memref<1000000x32xf32, #tpu.memory_space<hbm>> -> memref<1x32xf32, #tpu.memory_space<hbm>>
      %dma_start3A_146 = tpu.memref_squeeze %dma_start3A_145 : memref<1x32xf32, #tpu.memory_space<hbm>> -> memref<32xf32, #tpu.memory_space<hbm>>
      tpu.enqueue_dma source(%dma_start3A_146 : memref<32xf32, #tpu.memory_space<hbm>>) target(%dma_start3A_143 : memref<32xf32, #tpu.memory_space<vmem>>) target_semaphore(%arg17 : memref<!tpu.dma_semaphore, #tpu.memory_space<semaphore_mem>>)
      %slice3A_147 = vector.extract_strided_slice %get3A_59 {offsets = [5], sizes = [1], strides = [1]} : vector<16xi32> to vector<1xi32>
      %squeeze3A_148 = vector.extract %slice3A_147[0] : i32 from vector<1xi32>
      %mul3A_149 = arith.constant 4 : i32
      %mul3A_150 = arith.muli %scan3A_55, %mul3A_149 : i32
      %add3A_151 = arith.constant 1 : i32
      %add3A_152 = arith.addi %mul3A_150, %add3A_151 : i32
      %dma_start3A_153 = arith.constant 32 : i32
      %dma_start3A_154 = tpu.memref_slice %arg16[%add3A_152, %dma_start3A_153] : memref<128x128xf32, #tpu.memory_space<vmem>> -> memref<1x32xf32, #tpu.memory_space<vmem>>
      %dma_start3A_155 = tpu.memref_squeeze %dma_start3A_154 : memref<1x32xf32, #tpu.memory_space<vmem>> -> memref<32xf32, #tpu.memory_space<vmem>>
      %dma_start3A_156 = arith.constant 0 : i32
      %dma_start3A_157 = tpu.memref_slice %arg7[%squeeze3A_148, %dma_start3A_156] : memref<1000000x32xf32, #tpu.memory_space<hbm>> -> memref<1x32xf32, #tpu.memory_space<hbm>>
      %dma_start3A_158 = tpu.memref_squeeze %dma_start3A_157 : memref<1x32xf32, #tpu.memory_space<hbm>> -> memref<32xf32, #tpu.memory_space<hbm>>
      %dma_start3A_159 = arith.constant 32 : i32
      %dma_start3A_160 = tpu.memref_slice %arg16[%add3A_152, %dma_start3A_159] : memref<128x128xf32, #tpu.memory_space<vmem>> -> memref<1x32xf32, #tpu.memory_space<vmem>>
      %dma_start3A_161 = tpu.memref_squeeze %dma_start3A_160 : memref<1x32xf32, #tpu.memory_space<vmem>> -> memref<32xf32, #tpu.memory_space<vmem>>
      %dma_start3A_162 = arith.constant 0 : i32
      %dma_start3A_163 = tpu.memref_slice %arg7[%squeeze3A_148, %dma_start3A_162] : memref<1000000x32xf32, #tpu.memory_space<hbm>> -> memref<1x32xf32, #tpu.memory_space<hbm>>
      %dma_start3A_164 = tpu.memref_squeeze %dma_start3A_163 : memref<1x32xf32, #tpu.memory_space<hbm>> -> memref<32xf32, #tpu.memory_space<hbm>>
      tpu.enqueue_dma source(%dma_start3A_164 : memref<32xf32, #tpu.memory_space<hbm>>) target(%dma_start3A_161 : memref<32xf32, #tpu.memory_space<vmem>>) target_semaphore(%arg17 : memref<!tpu.dma_semaphore, #tpu.memory_space<semaphore_mem>>)
      %slice3A_165 = vector.extract_strided_slice %get3A_59 {offsets = [6], sizes = [1], strides = [1]} : vector<16xi32> to vector<1xi32>
      %squeeze3A_166 = vector.extract %slice3A_165[0] : i32 from vector<1xi32>
      %mul3A_167 = arith.constant 4 : i32
      %mul3A_168 = arith.muli %scan3A_55, %mul3A_167 : i32
      %add3A_169 = arith.constant 1 : i32
      %add3A_170 = arith.addi %mul3A_168, %add3A_169 : i32
      %dma_start3A_171 = arith.constant 64 : i32
      %dma_start3A_172 = tpu.memref_slice %arg16[%add3A_170, %dma_start3A_171] : memref<128x128xf32, #tpu.memory_space<vmem>> -> memref<1x32xf32, #tpu.memory_space<vmem>>
      %dma_start3A_173 = tpu.memref_squeeze %dma_start3A_172 : memref<1x32xf32, #tpu.memory_space<vmem>> -> memref<32xf32, #tpu.memory_space<vmem>>
      %dma_start3A_174 = arith.constant 0 : i32
      %dma_start3A_175 = tpu.memref_slice %arg7[%squeeze3A_166, %dma_start3A_174] : memref<1000000x32xf32, #tpu.memory_space<hbm>> -> memref<1x32xf32, #tpu.memory_space<hbm>>
      %dma_start3A_176 = tpu.memref_squeeze %dma_start3A_175 : memref<1x32xf32, #tpu.memory_space<hbm>> -> memref<32xf32, #tpu.memory_space<hbm>>
      %dma_start3A_177 = arith.constant 64 : i32
      %dma_start3A_178 = tpu.memref_slice %arg16[%add3A_170, %dma_start3A_177] : memref<128x128xf32, #tpu.memory_space<vmem>> -> memref<1x32xf32, #tpu.memory_space<vmem>>
      %dma_start3A_179 = tpu.memref_squeeze %dma_start3A_178 : memref<1x32xf32, #tpu.memory_space<vmem>> -> memref<32xf32, #tpu.memory_space<vmem>>
      %dma_start3A_180 = arith.constant 0 : i32
      %dma_start3A_181 = tpu.memref_slice %arg7[%squeeze3A_166, %dma_start3A_180] : memref<1000000x32xf32, #tpu.memory_space<hbm>> -> memref<1x32xf32, #tpu.memory_space<hbm>>
      %dma_start3A_182 = tpu.memref_squeeze %dma_start3A_181 : memref<1x32xf32, #tpu.memory_space<hbm>> -> memref<32xf32, #tpu.memory_space<hbm>>
      tpu.enqueue_dma source(%dma_start3A_182 : memref<32xf32, #tpu.memory_space<hbm>>) target(%dma_start3A_179 : memref<32xf32, #tpu.memory_space<vmem>>) target_semaphore(%arg17 : memref<!tpu.dma_semaphore, #tpu.memory_space<semaphore_mem>>)
      %slice3A_183 = vector.extract_strided_slice %get3A_59 {offsets = [7], sizes = [1], strides = [1]} : vector<16xi32> to vector<1xi32>
      %squeeze3A_184 = vector.extract %slice3A_183[0] : i32 from vector<1xi32>
      %mul3A_185 = arith.constant 4 : i32
      %mul3A_186 = arith.muli %scan3A_55, %mul3A_185 : i32
      %add3A_187 = arith.constant 1 : i32
      %add3A_188 = arith.addi %mul3A_186, %add3A_187 : i32
      %dma_start3A_189 = arith.constant 96 : i32
      %dma_start3A_190 = tpu.memref_slice %arg16[%add3A_188, %dma_start3A_189] : memref<128x128xf32, #tpu.memory_space<vmem>> -> memref<1x32xf32, #tpu.memory_space<vmem>>
      %dma_start3A_191 = tpu.memref_squeeze %dma_start3A_190 : memref<1x32xf32, #tpu.memory_space<vmem>> -> memref<32xf32, #tpu.memory_space<vmem>>
      %dma_start3A_192 = arith.constant 0 : i32
      %dma_start3A_193 = tpu.memref_slice %arg7[%squeeze3A_184, %dma_start3A_192] : memref<1000000x32xf32, #tpu.memory_space<hbm>> -> memref<1x32xf32, #tpu.memory_space<hbm>>
      %dma_start3A_194 = tpu.memref_squeeze %dma_start3A_193 : memref<1x32xf32, #tpu.memory_space<hbm>> -> memref<32xf32, #tpu.memory_space<hbm>>
      %dma_start3A_195 = arith.constant 96 : i32
      %dma_start3A_196 = tpu.memref_slice %arg16[%add3A_188, %dma_start3A_195] : memref<128x128xf32, #tpu.memory_space<vmem>> -> memref<1x32xf32, #tpu.memory_space<vmem>>
      %dma_start3A_197 = tpu.memref_squeeze %dma_start3A_196 : memref<1x32xf32, #tpu.memory_space<vmem>> -> memref<32xf32, #tpu.memory_space<vmem>>
      %dma_start3A_198 = arith.constant 0 : i32
      %dma_start3A_199 = tpu.memref_slice %arg7[%squeeze3A_184, %dma_start3A_198] : memref<1000000x32xf32, #tpu.memory_space<hbm>> -> memref<1x32xf32, #tpu.memory_space<hbm>>
      %dma_start3A_200 = tpu.memref_squeeze %dma_start3A_199 : memref<1x32xf32, #tpu.memory_space<hbm>> -> memref<32xf32, #tpu.memory_space<hbm>>
      tpu.enqueue_dma source(%dma_start3A_200 : memref<32xf32, #tpu.memory_space<hbm>>) target(%dma_start3A_197 : memref<32xf32, #tpu.memory_space<vmem>>) target_semaphore(%arg17 : memref<!tpu.dma_semaphore, #tpu.memory_space<semaphore_mem>>)
      %slice3A_201 = vector.extract_strided_slice %get3A_59 {offsets = [8], sizes = [1], strides = [1]} : vector<16xi32> to vector<1xi32>
      %squeeze3A_202 = vector.extract %slice3A_201[0] : i32 from vector<1xi32>
      %mul3A_203 = arith.constant 4 : i32
      %mul3A_204 = arith.muli %scan3A_55, %mul3A_203 : i32
      %add3A_205 = arith.constant 2 : i32
      %add3A_206 = arith.addi %mul3A_204, %add3A_205 : i32
      %dma_start3A_207 = arith.constant 0 : i32
      %dma_start3A_208 = tpu.memref_slice %arg16[%add3A_206, %dma_start3A_207] : memref<128x128xf32, #tpu.memory_space<vmem>> -> memref<1x32xf32, #tpu.memory_space<vmem>>
      %dma_start3A_209 = tpu.memref_squeeze %dma_start3A_208 : memref<1x32xf32, #tpu.memory_space<vmem>> -> memref<32xf32, #tpu.memory_space<vmem>>
      %dma_start3A_210 = arith.constant 0 : i32
      %dma_start3A_211 = tpu.memref_slice %arg7[%squeeze3A_202, %dma_start3A_210] : memref<1000000x32xf32, #tpu.memory_space<hbm>> -> memref<1x32xf32, #tpu.memory_space<hbm>>
      %dma_start3A_212 = tpu.memref_squeeze %dma_start3A_211 : memref<1x32xf32, #tpu.memory_space<hbm>> -> memref<32xf32, #tpu.memory_space<hbm>>
      %dma_start3A_213 = arith.constant 0 : i32
      %dma_start3A_214 = tpu.memref_slice %arg16[%add3A_206, %dma_start3A_213] : memref<128x128xf32, #tpu.memory_space<vmem>> -> memref<1x32xf32, #tpu.memory_space<vmem>>
      %dma_start3A_215 = tpu.memref_squeeze %dma_start3A_214 : memref<1x32xf32, #tpu.memory_space<vmem>> -> memref<32xf32, #tpu.memory_space<vmem>>
      %dma_start3A_216 = arith.constant 0 : i32
      %dma_start3A_217 = tpu.memref_slice %arg7[%squeeze3A_202, %dma_start3A_216] : memref<1000000x32xf32, #tpu.memory_space<hbm>> -> memref<1x32xf32, #tpu.memory_space<hbm>>
      %dma_start3A_218 = tpu.memref_squeeze %dma_start3A_217 : memref<1x32xf32, #tpu.memory_space<hbm>> -> memref<32xf32, #tpu.memory_space<hbm>>
      tpu.enqueue_dma source(%dma_start3A_218 : memref<32xf32, #tpu.memory_space<hbm>>) target(%dma_start3A_215 : memref<32xf32, #tpu.memory_space<vmem>>) target_semaphore(%arg17 : memref<!tpu.dma_semaphore, #tpu.memory_space<semaphore_mem>>)
      %slice3A_219 = vector.extract_strided_slice %get3A_59 {offsets = [9], sizes = [1], strides = [1]} : vector<16xi32> to vector<1xi32>
      %squeeze3A_220 = vector.extract %slice3A_219[0] : i32 from vector<1xi32>
      %mul3A_221 = arith.constant 4 : i32
      %mul3A_222 = arith.muli %scan3A_55, %mul3A_221 : i32
      %add3A_223 = arith.constant 2 : i32
      %add3A_224 = arith.addi %mul3A_222, %add3A_223 : i32
      %dma_start3A_225 = arith.constant 32 : i32
      %dma_start3A_226 = tpu.memref_slice %arg16[%add3A_224, %dma_start3A_225] : memref<128x128xf32, #tpu.memory_space<vmem>> -> memref<1x32xf32, #tpu.memory_space<vmem>>
      %dma_start3A_227 = tpu.memref_squeeze %dma_start3A_226 : memref<1x32xf32, #tpu.memory_space<vmem>> -> memref<32xf32, #tpu.memory_space<vmem>>
      %dma_start3A_228 = arith.constant 0 : i32
      %dma_start3A_229 = tpu.memref_slice %arg7[%squeeze3A_220, %dma_start3A_228] : memref<1000000x32xf32, #tpu.memory_space<hbm>> -> memref<1x32xf32, #tpu.memory_space<hbm>>
      %dma_start3A_230 = tpu.memref_squeeze %dma_start3A_229 : memref<1x32xf32, #tpu.memory_space<hbm>> -> memref<32xf32, #tpu.memory_space<hbm>>
      %dma_start3A_231 = arith.constant 32 : i32
      %dma_start3A_232 = tpu.memref_slice %arg16[%add3A_224, %dma_start3A_231] : memref<128x128xf32, #tpu.memory_space<vmem>> -> memref<1x32xf32, #tpu.memory_space<vmem>>
      %dma_start3A_233 = tpu.memref_squeeze %dma_start3A_232 : memref<1x32xf32, #tpu.memory_space<vmem>> -> memref<32xf32, #tpu.memory_space<vmem>>
      %dma_start3A_234 = arith.constant 0 : i32
      %dma_start3A_235 = tpu.memref_slice %arg7[%squeeze3A_220, %dma_start3A_234] : memref<1000000x32xf32, #tpu.memory_space<hbm>> -> memref<1x32xf32, #tpu.memory_space<hbm>>
      %dma_start3A_236 = tpu.memref_squeeze %dma_start3A_235 : memref<1x32xf32, #tpu.memory_space<hbm>> -> memref<32xf32, #tpu.memory_space<hbm>>
      tpu.enqueue_dma source(%dma_start3A_236 : memref<32xf32, #tpu.memory_space<hbm>>) target(%dma_start3A_233 : memref<32xf32, #tpu.memory_space<vmem>>) target_semaphore(%arg17 : memref<!tpu.dma_semaphore, #tpu.memory_space<semaphore_mem>>)
      %slice3A_237 = vector.extract_strided_slice %get3A_59 {offsets = [10], sizes = [1], strides = [1]} : vector<16xi32> to vector<1xi32>
      %squeeze3A_238 = vector.extract %slice3A_237[0] : i32 from vector<1xi32>
      %mul3A_239 = arith.constant 4 : i32
      %mul3A_240 = arith.muli %scan3A_55, %mul3A_239 : i32
      %add3A_241 = arith.constant 2 : i32
      %add3A_242 = arith.addi %mul3A_240, %add3A_241 : i32
      %dma_start3A_243 = arith.constant 64 : i32
      %dma_start3A_244 = tpu.memref_slice %arg16[%add3A_242, %dma_start3A_243] : memref<128x128xf32, #tpu.memory_space<vmem>> -> memref<1x32xf32, #tpu.memory_space<vmem>>
      %dma_start3A_245 = tpu.memref_squeeze %dma_start3A_244 : memref<1x32xf32, #tpu.memory_space<vmem>> -> memref<32xf32, #tpu.memory_space<vmem>>
      %dma_start3A_246 = arith.constant 0 : i32
      %dma_start3A_247 = tpu.memref_slice %arg7[%squeeze3A_238, %dma_start3A_246] : memref<1000000x32xf32, #tpu.memory_space<hbm>> -> memref<1x32xf32, #tpu.memory_space<hbm>>
      %dma_start3A_248 = tpu.memref_squeeze %dma_start3A_247 : memref<1x32xf32, #tpu.memory_space<hbm>> -> memref<32xf32, #tpu.memory_space<hbm>>
      %dma_start3A_249 = arith.constant 64 : i32
      %dma_start3A_250 = tpu.memref_slice %arg16[%add3A_242, %dma_start3A_249] : memref<128x128xf32, #tpu.memory_space<vmem>> -> memref<1x32xf32, #tpu.memory_space<vmem>>
      %dma_start3A_251 = tpu.memref_squeeze %dma_start3A_250 : memref<1x32xf32, #tpu.memory_space<vmem>> -> memref<32xf32, #tpu.memory_space<vmem>>
      %dma_start3A_252 = arith.constant 0 : i32
      %dma_start3A_253 = tpu.memref_slice %arg7[%squeeze3A_238, %dma_start3A_252] : memref<1000000x32xf32, #tpu.memory_space<hbm>> -> memref<1x32xf32, #tpu.memory_space<hbm>>
      %dma_start3A_254 = tpu.memref_squeeze %dma_start3A_253 : memref<1x32xf32, #tpu.memory_space<hbm>> -> memref<32xf32, #tpu.memory_space<hbm>>
      tpu.enqueue_dma source(%dma_start3A_254 : memref<32xf32, #tpu.memory_space<hbm>>) target(%dma_start3A_251 : memref<32xf32, #tpu.memory_space<vmem>>) target_semaphore(%arg17 : memref<!tpu.dma_semaphore, #tpu.memory_space<semaphore_mem>>)
      %slice3A_255 = vector.extract_strided_slice %get3A_59 {offsets = [11], sizes = [1], strides = [1]} : vector<16xi32> to vector<1xi32>
      %squeeze3A_256 = vector.extract %slice3A_255[0] : i32 from vector<1xi32>
      %mul3A_257 = arith.constant 4 : i32
      %mul3A_258 = arith.muli %scan3A_55, %mul3A_257 : i32
      %add3A_259 = arith.constant 2 : i32
      %add3A_260 = arith.addi %mul3A_258, %add3A_259 : i32
      %dma_start3A_261 = arith.constant 96 : i32
      %dma_start3A_262 = tpu.memref_slice %arg16[%add3A_260, %dma_start3A_261] : memref<128x128xf32, #tpu.memory_space<vmem>> -> memref<1x32xf32, #tpu.memory_space<vmem>>
      %dma_start3A_263 = tpu.memref_squeeze %dma_start3A_262 : memref<1x32xf32, #tpu.memory_space<vmem>> -> memref<32xf32, #tpu.memory_space<vmem>>
      %dma_start3A_264 = arith.constant 0 : i32
      %dma_start3A_265 = tpu.memref_slice %arg7[%squeeze3A_256, %dma_start3A_264] : memref<1000000x32xf32, #tpu.memory_space<hbm>> -> memref<1x32xf32, #tpu.memory_space<hbm>>
      %dma_start3A_266 = tpu.memref_squeeze %dma_start3A_265 : memref<1x32xf32, #tpu.memory_space<hbm>> -> memref<32xf32, #tpu.memory_space<hbm>>
      %dma_start3A_267 = arith.constant 96 : i32
      %dma_start3A_268 = tpu.memref_slice %arg16[%add3A_260, %dma_start3A_267] : memref<128x128xf32, #tpu.memory_space<vmem>> -> memref<1x32xf32, #tpu.memory_space<vmem>>
      %dma_start3A_269 = tpu.memref_squeeze %dma_start3A_268 : memref<1x32xf32, #tpu.memory_space<vmem>> -> memref<32xf32, #tpu.memory_space<vmem>>
      %dma_start3A_270 = arith.constant 0 : i32
      %dma_start3A_271 = tpu.memref_slice %arg7[%squeeze3A_256, %dma_start3A_270] : memref<1000000x32xf32, #tpu.memory_space<hbm>> -> memref<1x32xf32, #tpu.memory_space<hbm>>
      %dma_start3A_272 = tpu.memref_squeeze %dma_start3A_271 : memref<1x32xf32, #tpu.memory_space<hbm>> -> memref<32xf32, #tpu.memory_space<hbm>>
      tpu.enqueue_dma source(%dma_start3A_272 : memref<32xf32, #tpu.memory_space<hbm>>) target(%dma_start3A_269 : memref<32xf32, #tpu.memory_space<vmem>>) target_semaphore(%arg17 : memref<!tpu.dma_semaphore, #tpu.memory_space<semaphore_mem>>)
      %slice3A_273 = vector.extract_strided_slice %get3A_59 {offsets = [12], sizes = [1], strides = [1]} : vector<16xi32> to vector<1xi32>
      %squeeze3A_274 = vector.extract %slice3A_273[0] : i32 from vector<1xi32>
      %mul3A_275 = arith.constant 4 : i32
      %mul3A_276 = arith.muli %scan3A_55, %mul3A_275 : i32
      %add3A_277 = arith.constant 3 : i32
      %add3A_278 = arith.addi %mul3A_276, %add3A_277 : i32
      %dma_start3A_279 = arith.constant 0 : i32
      %dma_start3A_280 = tpu.memref_slice %arg16[%add3A_278, %dma_start3A_279] : memref<128x128xf32, #tpu.memory_space<vmem>> -> memref<1x32xf32, #tpu.memory_space<vmem>>
      %dma_start3A_281 = tpu.memref_squeeze %dma_start3A_280 : memref<1x32xf32, #tpu.memory_space<vmem>> -> memref<32xf32, #tpu.memory_space<vmem>>
      %dma_start3A_282 = arith.constant 0 : i32
      %dma_start3A_283 = tpu.memref_slice %arg7[%squeeze3A_274, %dma_start3A_282] : memref<1000000x32xf32, #tpu.memory_space<hbm>> -> memref<1x32xf32, #tpu.memory_space<hbm>>
      %dma_start3A_284 = tpu.memref_squeeze %dma_start3A_283 : memref<1x32xf32, #tpu.memory_space<hbm>> -> memref<32xf32, #tpu.memory_space<hbm>>
      %dma_start3A_285 = arith.constant 0 : i32
      %dma_start3A_286 = tpu.memref_slice %arg16[%add3A_278, %dma_start3A_285] : memref<128x128xf32, #tpu.memory_space<vmem>> -> memref<1x32xf32, #tpu.memory_space<vmem>>
      %dma_start3A_287 = tpu.memref_squeeze %dma_start3A_286 : memref<1x32xf32, #tpu.memory_space<vmem>> -> memref<32xf32, #tpu.memory_space<vmem>>
      %dma_start3A_288 = arith.constant 0 : i32
      %dma_start3A_289 = tpu.memref_slice %arg7[%squeeze3A_274, %dma_start3A_288] : memref<1000000x32xf32, #tpu.memory_space<hbm>> -> memref<1x32xf32, #tpu.memory_space<hbm>>
      %dma_start3A_290 = tpu.memref_squeeze %dma_start3A_289 : memref<1x32xf32, #tpu.memory_space<hbm>> -> memref<32xf32, #tpu.memory_space<hbm>>
      tpu.enqueue_dma source(%dma_start3A_290 : memref<32xf32, #tpu.memory_space<hbm>>) target(%dma_start3A_287 : memref<32xf32, #tpu.memory_space<vmem>>) target_semaphore(%arg17 : memref<!tpu.dma_semaphore, #tpu.memory_space<semaphore_mem>>)
      %slice3A_291 = vector.extract_strided_slice %get3A_59 {offsets = [13], sizes = [1], strides = [1]} : vector<16xi32> to vector<1xi32>
      %squeeze3A_292 = vector.extract %slice3A_291[0] : i32 from vector<1xi32>
      %mul3A_293 = arith.constant 4 : i32
      %mul3A_294 = arith.muli %scan3A_55, %mul3A_293 : i32
      %add3A_295 = arith.constant 3 : i32
      %add3A_296 = arith.addi %mul3A_294, %add3A_295 : i32
      %dma_start3A_297 = arith.constant 32 : i32
      %dma_start3A_298 = tpu.memref_slice %arg16[%add3A_296, %dma_start3A_297] : memref<128x128xf32, #tpu.memory_space<vmem>> -> memref<1x32xf32, #tpu.memory_space<vmem>>
      %dma_start3A_299 = tpu.memref_squeeze %dma_start3A_298 : memref<1x32xf32, #tpu.memory_space<vmem>> -> memref<32xf32, #tpu.memory_space<vmem>>
      %dma_start3A_300 = arith.constant 0 : i32
      %dma_start3A_301 = tpu.memref_slice %arg7[%squeeze3A_292, %dma_start3A_300] : memref<1000000x32xf32, #tpu.memory_space<hbm>> -> memref<1x32xf32, #tpu.memory_space<hbm>>
      %dma_start3A_302 = tpu.memref_squeeze %dma_start3A_301 : memref<1x32xf32, #tpu.memory_space<hbm>> -> memref<32xf32, #tpu.memory_space<hbm>>
      %dma_start3A_303 = arith.constant 32 : i32
      %dma_start3A_304 = tpu.memref_slice %arg16[%add3A_296, %dma_start3A_303] : memref<128x128xf32, #tpu.memory_space<vmem>> -> memref<1x32xf32, #tpu.memory_space<vmem>>
      %dma_start3A_305 = tpu.memref_squeeze %dma_start3A_304 : memref<1x32xf32, #tpu.memory_space<vmem>> -> memref<32xf32, #tpu.memory_space<vmem>>
      %dma_start3A_306 = arith.constant 0 : i32
      %dma_start3A_307 = tpu.memref_slice %arg7[%squeeze3A_292, %dma_start3A_306] : memref<1000000x32xf32, #tpu.memory_space<hbm>> -> memref<1x32xf32, #tpu.memory_space<hbm>>
      %dma_start3A_308 = tpu.memref_squeeze %dma_start3A_307 : memref<1x32xf32, #tpu.memory_space<hbm>> -> memref<32xf32, #tpu.memory_space<hbm>>
      tpu.enqueue_dma source(%dma_start3A_308 : memref<32xf32, #tpu.memory_space<hbm>>) target(%dma_start3A_305 : memref<32xf32, #tpu.memory_space<vmem>>) target_semaphore(%arg17 : memref<!tpu.dma_semaphore, #tpu.memory_space<semaphore_mem>>)
      %slice3A_309 = vector.extract_strided_slice %get3A_59 {offsets = [14], sizes = [1], strides = [1]} : vector<16xi32> to vector<1xi32>
      %squeeze3A_310 = vector.extract %slice3A_309[0] : i32 from vector<1xi32>
      %mul3A_311 = arith.constant 4 : i32
      %mul3A_312 = arith.muli %scan3A_55, %mul3A_311 : i32
      %add3A_313 = arith.constant 3 : i32
      %add3A_314 = arith.addi %mul3A_312, %add3A_313 : i32
      %dma_start3A_315 = arith.constant 64 : i32
      %dma_start3A_316 = tpu.memref_slice %arg16[%add3A_314, %dma_start3A_315] : memref<128x128xf32, #tpu.memory_space<vmem>> -> memref<1x32xf32, #tpu.memory_space<vmem>>
      %dma_start3A_317 = tpu.memref_squeeze %dma_start3A_316 : memref<1x32xf32, #tpu.memory_space<vmem>> -> memref<32xf32, #tpu.memory_space<vmem>>
      %dma_start3A_318 = arith.constant 0 : i32
      %dma_start3A_319 = tpu.memref_slice %arg7[%squeeze3A_310, %dma_start3A_318] : memref<1000000x32xf32, #tpu.memory_space<hbm>> -> memref<1x32xf32, #tpu.memory_space<hbm>>
      %dma_start3A_320 = tpu.memref_squeeze %dma_start3A_319 : memref<1x32xf32, #tpu.memory_space<hbm>> -> memref<32xf32, #tpu.memory_space<hbm>>
      %dma_start3A_321 = arith.constant 64 : i32
      %dma_start3A_322 = tpu.memref_slice %arg16[%add3A_314, %dma_start3A_321] : memref<128x128xf32, #tpu.memory_space<vmem>> -> memref<1x32xf32, #tpu.memory_space<vmem>>
      %dma_start3A_323 = tpu.memref_squeeze %dma_start3A_322 : memref<1x32xf32, #tpu.memory_space<vmem>> -> memref<32xf32, #tpu.memory_space<vmem>>
      %dma_start3A_324 = arith.constant 0 : i32
      %dma_start3A_325 = tpu.memref_slice %arg7[%squeeze3A_310, %dma_start3A_324] : memref<1000000x32xf32, #tpu.memory_space<hbm>> -> memref<1x32xf32, #tpu.memory_space<hbm>>
      %dma_start3A_326 = tpu.memref_squeeze %dma_start3A_325 : memref<1x32xf32, #tpu.memory_space<hbm>> -> memref<32xf32, #tpu.memory_space<hbm>>
      tpu.enqueue_dma source(%dma_start3A_326 : memref<32xf32, #tpu.memory_space<hbm>>) target(%dma_start3A_323 : memref<32xf32, #tpu.memory_space<vmem>>) target_semaphore(%arg17 : memref<!tpu.dma_semaphore, #tpu.memory_space<semaphore_mem>>)
      %slice3A_327 = vector.extract_strided_slice %get3A_59 {offsets = [15], sizes = [1], strides = [1]} : vector<16xi32> to vector<1xi32>
      %squeeze3A_328 = vector.extract %slice3A_327[0] : i32 from vector<1xi32>
      %mul3A_329 = arith.constant 4 : i32
      %mul3A_330 = arith.muli %scan3A_55, %mul3A_329 : i32
      %add3A_331 = arith.constant 3 : i32
      %add3A_332 = arith.addi %mul3A_330, %add3A_331 : i32
      %dma_start3A_333 = arith.constant 96 : i32
      %dma_start3A_334 = tpu.memref_slice %arg16[%add3A_332, %dma_start3A_333] : memref<128x128xf32, #tpu.memory_space<vmem>> -> memref<1x32xf32, #tpu.memory_space<vmem>>
      %dma_start3A_335 = tpu.memref_squeeze %dma_start3A_334 : memref<1x32xf32, #tpu.memory_space<vmem>> -> memref<32xf32, #tpu.memory_space<vmem>>
      %dma_start3A_336 = arith.constant 0 : i32
      %dma_start3A_337 = tpu.memref_slice %arg7[%squeeze3A_328, %dma_start3A_336] : memref<1000000x32xf32, #tpu.memory_space<hbm>> -> memref<1x32xf32, #tpu.memory_space<hbm>>
      %dma_start3A_338 = tpu.memref_squeeze %dma_start3A_337 : memref<1x32xf32, #tpu.memory_space<hbm>> -> memref<32xf32, #tpu.memory_space<hbm>>
      %dma_start3A_339 = arith.constant 96 : i32
      %dma_start3A_340 = tpu.memref_slice %arg16[%add3A_332, %dma_start3A_339] : memref<128x128xf32, #tpu.memory_space<vmem>> -> memref<1x32xf32, #tpu.memory_space<vmem>>
      %dma_start3A_341 = tpu.memref_squeeze %dma_start3A_340 : memref<1x32xf32, #tpu.memory_space<vmem>> -> memref<32xf32, #tpu.memory_space<vmem>>
      %dma_start3A_342 = arith.constant 0 : i32
      %dma_start3A_343 = tpu.memref_slice %arg7[%squeeze3A_328, %dma_start3A_342] : memref<1000000x32xf32, #tpu.memory_space<hbm>> -> memref<1x32xf32, #tpu.memory_space<hbm>>
      %dma_start3A_344 = tpu.memref_squeeze %dma_start3A_343 : memref<1x32xf32, #tpu.memory_space<hbm>> -> memref<32xf32, #tpu.memory_space<hbm>>
      tpu.enqueue_dma source(%dma_start3A_344 : memref<32xf32, #tpu.memory_space<hbm>>) target(%dma_start3A_341 : memref<32xf32, #tpu.memory_space<vmem>>) target_semaphore(%arg17 : memref<!tpu.dma_semaphore, #tpu.memory_space<semaphore_mem>>)
    }
    %scan3A_25 = arith.constant 32 : i32
    %dma_wait3A = arith.constant 0 : i32
    %dma_wait3A_26 = arith.constant 0 : i32
    %dma_wait3A_27 = tpu.memref_slice %arg8[%dma_wait3A, %dma_wait3A_26] : memref<4096x128xf32, #tpu.memory_space<hbm>> -> memref<128x128xf32, #tpu.memory_space<hbm>>
    %dma_wait3A_28 = arith.constant 0 : i32
    %dma_wait3A_29 = arith.constant 0 : i32
    %dma_wait3A_30 = tpu.memref_slice %arg8[%dma_wait3A_28, %dma_wait3A_29] : memref<4096x128xf32, #tpu.memory_space<hbm>> -> memref<128x128xf32, #tpu.memory_space<hbm>>
    tpu.wait_dma2 semaphore(%arg17 : memref<!tpu.dma_semaphore, #tpu.memory_space<semaphore_mem>>) src(%dma_wait3A_30 : memref<128x128xf32, #tpu.memory_space<hbm>>) dst(%arg13 : memref<128x128xf32, #tpu.memory_space<vmem>>)
    %dma_wait3A_31 = arith.constant 0 : i32
    %dma_wait3A_32 = arith.constant 0 : i32
    %dma_wait3A_33 = tpu.memref_slice %arg8[%dma_wait3A_31, %dma_wait3A_32] : memref<4096x128xf32, #tpu.memory_space<hbm>> -> memref<128x128xf32, #tpu.memory_space<hbm>>
    %dma_wait3A_34 = arith.constant 0 : i32
    %dma_wait3A_35 = arith.constant 0 : i32
    %dma_wait3A_36 = tpu.memref_slice %arg8[%dma_wait3A_34, %dma_wait3A_35] : memref<4096x128xf32, #tpu.memory_space<hbm>> -> memref<128x128xf32, #tpu.memory_space<hbm>>
    tpu.wait_dma2 semaphore(%arg17 : memref<!tpu.dma_semaphore, #tpu.memory_space<semaphore_mem>>) src(%dma_wait3A_36 : memref<128x128xf32, #tpu.memory_space<hbm>>) dst(%arg13 : memref<128x128xf32, #tpu.memory_space<vmem>>)
    %dma_wait3A_37 = arith.constant 0 : i32
    %dma_wait3A_38 = arith.constant 0 : i32
    %dma_wait3A_39 = tpu.memref_slice %arg8[%dma_wait3A_37, %dma_wait3A_38] : memref<4096x128xf32, #tpu.memory_space<hbm>> -> memref<128x128xf32, #tpu.memory_space<hbm>>
    %dma_wait3A_40 = arith.constant 0 : i32
    %dma_wait3A_41 = arith.constant 0 : i32
    %dma_wait3A_42 = tpu.memref_slice %arg8[%dma_wait3A_40, %dma_wait3A_41] : memref<4096x128xf32, #tpu.memory_space<hbm>> -> memref<128x128xf32, #tpu.memory_space<hbm>>
    tpu.wait_dma2 semaphore(%arg17 : memref<!tpu.dma_semaphore, #tpu.memory_space<semaphore_mem>>) src(%dma_wait3A_42 : memref<128x128xf32, #tpu.memory_space<hbm>>) dst(%arg13 : memref<128x128xf32, #tpu.memory_space<vmem>>)
    %dma_wait3A_43 = arith.constant 0 : i32
    %dma_wait3A_44 = arith.constant 0 : i32
    %dma_wait3A_45 = tpu.memref_slice %arg8[%dma_wait3A_43, %dma_wait3A_44] : memref<4096x128xf32, #tpu.memory_space<hbm>> -> memref<128x128xf32, #tpu.memory_space<hbm>>
    %dma_wait3A_46 = arith.constant 0 : i32
    %dma_wait3A_47 = arith.constant 0 : i32
    %dma_wait3A_48 = tpu.memref_slice %arg8[%dma_wait3A_46, %dma_wait3A_47] : memref<4096x128xf32, #tpu.memory_space<hbm>> -> memref<128x128xf32, #tpu.memory_space<hbm>>
    tpu.wait_dma2 semaphore(%arg17 : memref<!tpu.dma_semaphore, #tpu.memory_space<semaphore_mem>>) src(%dma_wait3A_48 : memref<128x128xf32, #tpu.memory_space<hbm>>) dst(%arg13 : memref<128x128xf32, #tpu.memory_space<vmem>>)
    %scan3A_49 = arith.constant 0 : i32
    %scan3A_50 = arith.constant 0 : i32
    %scan3A_51 = arith.constant 128 : i32
    %scan3A_52 = arith.addi %scan3A_50, %scan3A_51 : i32
    %scan3A_53 = arith.constant 1 : i32
    scf.for %scan3A_55 = %scan3A_50 to %scan3A_52 step %scan3A_53  : i32 {
      %get3A = arith.index_cast %scan3A_55 : i32 to index
      %get3A_56 = arith.constant 0 : index
      %get3A_57 = tpu.vector_load %arg13[%get3A, %get3A_56] {strides = array<i32>} : memref<128x128xf32, #tpu.memory_space<vmem>>, vector<1x16xf32>,
      %get3A_58 = vector.shape_cast %get3A_57 : vector<1x16xf32> to vector<16xf32>
      %get3A_59 = arith.index_cast %scan3A_55 : i32 to index
      %get3A_60 = arith.constant 0 : index
      %get3A_61 = tpu.vector_load %arg14[%get3A_59, %get3A_60] {strides = array<i32>} : memref<128x128xf32, #tpu.memory_space<vmem>>, vector<1x16xf32>,
      %get3A_62 = vector.shape_cast %get3A_61 : vector<1x16xf32> to vector<16xf32>
      %mul3A_63 = arith.mulf %get3A_58, %get3A_62 : vector<16xf32>
      %swap3A = arith.index_cast %scan3A_55 : i32 to index
      %swap3A_64 = arith.constant 0 : index
      %swap3A_65 = tpu.vector_load %arg13[%swap3A, %swap3A_64] {strides = array<i32>} : memref<128x128xf32, #tpu.memory_space<vmem>>, vector<1x16xf32>,
      %swap3A_66 = vector.shape_cast %swap3A_65 : vector<1x16xf32> to vector<16xf32>
      %swap3A_67 = vector.shape_cast %mul3A_63 : vector<16xf32> to vector<1x16xf32>
      tpu.vector_store %arg13[%swap3A, %swap3A_64], %swap3A_67 {strides = array<i32>} : memref<128x128xf32, #tpu.memory_space<vmem>>, vector<1x16xf32>,
      %get3A_68 = arith.index_cast %scan3A_55 : i32 to index
      %get3A_69 = arith.constant 16 : index
      %get3A_70 = tpu.vector_load %arg13[%get3A_68, %get3A_69] {strides = array<i32>} : memref<128x128xf32, #tpu.memory_space<vmem>>, vector<1x16xf32>,
      %get3A_71 = vector.shape_cast %get3A_70 : vector<1x16xf32> to vector<16xf32>
      %get3A_72 = arith.index_cast %scan3A_55 : i32 to index
      %get3A_73 = arith.constant 16 : index
      %get3A_74 = tpu.vector_load %arg14[%get3A_72, %get3A_73] {strides = array<i32>} : memref<128x128xf32, #tpu.memory_space<vmem>>, vector<1x16xf32>,
      %get3A_75 = vector.shape_cast %get3A_74 : vector<1x16xf32> to vector<16xf32>
      %mul3A_76 = arith.mulf %get3A_71, %get3A_75 : vector<16xf32>
      %swap3A_77 = arith.index_cast %scan3A_55 : i32 to index
      %swap3A_78 = arith.constant 16 : index
      %swap3A_79 = tpu.vector_load %arg13[%swap3A_77, %swap3A_78] {strides = array<i32>} : memref<128x128xf32, #tpu.memory_space<vmem>>, vector<1x16xf32>,
      %swap3A_80 = vector.shape_cast %swap3A_79 : vector<1x16xf32> to vector<16xf32>
      %swap3A_81 = vector.shape_cast %mul3A_76 : vector<16xf32> to vector<1x16xf32>
      tpu.vector_store %arg13[%swap3A_77, %swap3A_78], %swap3A_81 {strides = array<i32>} : memref<128x128xf32, #tpu.memory_space<vmem>>, vector<1x16xf32>,
      %get3A_82 = arith.index_cast %scan3A_55 : i32 to index
      %get3A_83 = arith.constant 32 : index
      %get3A_84 = tpu.vector_load %arg13[%get3A_82, %get3A_83] {strides = array<i32>} : memref<128x128xf32, #tpu.memory_space<vmem>>, vector<1x16xf32>,
      %get3A_85 = vector.shape_cast %get3A_84 : vector<1x16xf32> to vector<16xf32>
      %get3A_86 = arith.index_cast %scan3A_55 : i32 to index
      %get3A_87 = arith.constant 32 : index
      %get3A_88 = tpu.vector_load %arg14[%get3A_86, %get3A_87] {strides = array<i32>} : memref<128x128xf32, #tpu.memory_space<vmem>>, vector<1x16xf32>,
      %get3A_89 = vector.shape_cast %get3A_88 : vector<1x16xf32> to vector<16xf32>
      %mul3A_90 = arith.mulf %get3A_85, %get3A_89 : vector<16xf32>
      %swap3A_91 = arith.index_cast %scan3A_55 : i32 to index
      %swap3A_92 = arith.constant 32 : index
      %swap3A_93 = tpu.vector_load %arg13[%swap3A_91, %swap3A_92] {strides = array<i32>} : memref<128x128xf32, #tpu.memory_space<vmem>>, vector<1x16xf32>,
      %swap3A_94 = vector.shape_cast %swap3A_93 : vector<1x16xf32> to vector<16xf32>
      %swap3A_95 = vector.shape_cast %mul3A_90 : vector<16xf32> to vector<1x16xf32>
      tpu.vector_store %arg13[%swap3A_91, %swap3A_92], %swap3A_95 {strides = array<i32>} : memref<128x128xf32, #tpu.memory_space<vmem>>, vector<1x16xf32>,
      %get3A_96 = arith.index_cast %scan3A_55 : i32 to index
      %get3A_97 = arith.constant 48 : index
      %get3A_98 = tpu.vector_load %arg13[%get3A_96, %get3A_97] {strides = array<i32>} : memref<128x128xf32, #tpu.memory_space<vmem>>, vector<1x16xf32>,
      %get3A_99 = vector.shape_cast %get3A_98 : vector<1x16xf32> to vector<16xf32>
      %get3A_100 = arith.index_cast %scan3A_55 : i32 to index
      %get3A_101 = arith.constant 48 : index
      %get3A_102 = tpu.vector_load %arg14[%get3A_100, %get3A_101] {strides = array<i32>} : memref<128x128xf32, #tpu.memory_space<vmem>>, vector<1x16xf32>,
      %get3A_103 = vector.shape_cast %get3A_102 : vector<1x16xf32> to vector<16xf32>
      %mul3A_104 = arith.mulf %get3A_99, %get3A_103 : vector<16xf32>
      %swap3A_105 = arith.index_cast %scan3A_55 : i32 to index
      %swap3A_106 = arith.constant 48 : index
      %swap3A_107 = tpu.vector_load %arg13[%swap3A_105, %swap3A_106] {strides = array<i32>} : memref<128x128xf32, #tpu.memory_space<vmem>>, vector<1x16xf32>,
      %swap3A_108 = vector.shape_cast %swap3A_107 : vector<1x16xf32> to vector<16xf32>
      %swap3A_109 = vector.shape_cast %mul3A_104 : vector<16xf32> to vector<1x16xf32>
      tpu.vector_store %arg13[%swap3A_105, %swap3A_106], %swap3A_109 {strides = array<i32>} : memref<128x128xf32, #tpu.memory_space<vmem>>, vector<1x16xf32>,
      %get3A_110 = arith.index_cast %scan3A_55 : i32 to index
      %get3A_111 = arith.constant 64 : index
      %get3A_112 = tpu.vector_load %arg13[%get3A_110, %get3A_111] {strides = array<i32>} : memref<128x128xf32, #tpu.memory_space<vmem>>, vector<1x16xf32>,
      %get3A_113 = vector.shape_cast %get3A_112 : vector<1x16xf32> to vector<16xf32>
      %get3A_114 = arith.index_cast %scan3A_55 : i32 to index
      %get3A_115 = arith.constant 64 : index
      %get3A_116 = tpu.vector_load %arg14[%get3A_114, %get3A_115] {strides = array<i32>} : memref<128x128xf32, #tpu.memory_space<vmem>>, vector<1x16xf32>,
      %get3A_117 = vector.shape_cast %get3A_116 : vector<1x16xf32> to vector<16xf32>
      %mul3A_118 = arith.mulf %get3A_113, %get3A_117 : vector<16xf32>
      %swap3A_119 = arith.index_cast %scan3A_55 : i32 to index
      %swap3A_120 = arith.constant 64 : index
      %swap3A_121 = tpu.vector_load %arg13[%swap3A_119, %swap3A_120] {strides = array<i32>} : memref<128x128xf32, #tpu.memory_space<vmem>>, vector<1x16xf32>,
      %swap3A_122 = vector.shape_cast %swap3A_121 : vector<1x16xf32> to vector<16xf32>
      %swap3A_123 = vector.shape_cast %mul3A_118 : vector<16xf32> to vector<1x16xf32>
      tpu.vector_store %arg13[%swap3A_119, %swap3A_120], %swap3A_123 {strides = array<i32>} : memref<128x128xf32, #tpu.memory_space<vmem>>, vector<1x16xf32>,
      %get3A_124 = arith.index_cast %scan3A_55 : i32 to index
      %get3A_125 = arith.constant 80 : index
      %get3A_126 = tpu.vector_load %arg13[%get3A_124, %get3A_125] {strides = array<i32>} : memref<128x128xf32, #tpu.memory_space<vmem>>, vector<1x16xf32>,
      %get3A_127 = vector.shape_cast %get3A_126 : vector<1x16xf32> to vector<16xf32>
      %get3A_128 = arith.index_cast %scan3A_55 : i32 to index
      %get3A_129 = arith.constant 80 : index
      %get3A_130 = tpu.vector_load %arg14[%get3A_128, %get3A_129] {strides = array<i32>} : memref<128x128xf32, #tpu.memory_space<vmem>>, vector<1x16xf32>,
      %get3A_131 = vector.shape_cast %get3A_130 : vector<1x16xf32> to vector<16xf32>
      %mul3A_132 = arith.mulf %get3A_127, %get3A_131 : vector<16xf32>
      %swap3A_133 = arith.index_cast %scan3A_55 : i32 to index
      %swap3A_134 = arith.constant 80 : index
      %swap3A_135 = tpu.vector_load %arg13[%swap3A_133, %swap3A_134] {strides = array<i32>} : memref<128x128xf32, #tpu.memory_space<vmem>>, vector<1x16xf32>,
      %swap3A_136 = vector.shape_cast %swap3A_135 : vector<1x16xf32> to vector<16xf32>
      %swap3A_137 = vector.shape_cast %mul3A_132 : vector<16xf32> to vector<1x16xf32>
      tpu.vector_store %arg13[%swap3A_133, %swap3A_134], %swap3A_137 {strides = array<i32>} : memref<128x128xf32, #tpu.memory_space<vmem>>, vector<1x16xf32>,
      %get3A_138 = arith.index_cast %scan3A_55 : i32 to index
      %get3A_139 = arith.constant 96 : index
      %get3A_140 = tpu.vector_load %arg13[%get3A_138, %get3A_139] {strides = array<i32>} : memref<128x128xf32, #tpu.memory_space<vmem>>, vector<1x16xf32>,
      %get3A_141 = vector.shape_cast %get3A_140 : vector<1x16xf32> to vector<16xf32>
      %get3A_142 = arith.index_cast %scan3A_55 : i32 to index
      %get3A_143 = arith.constant 96 : index
      %get3A_144 = tpu.vector_load %arg14[%get3A_142, %get3A_143] {strides = array<i32>} : memref<128x128xf32, #tpu.memory_space<vmem>>, vector<1x16xf32>,
      %get3A_145 = vector.shape_cast %get3A_144 : vector<1x16xf32> to vector<16xf32>
      %mul3A_146 = arith.mulf %get3A_141, %get3A_145 : vector<16xf32>
      %swap3A_147 = arith.index_cast %scan3A_55 : i32 to index
      %swap3A_148 = arith.constant 96 : index
      %swap3A_149 = tpu.vector_load %arg13[%swap3A_147, %swap3A_148] {strides = array<i32>} : memref<128x128xf32, #tpu.memory_space<vmem>>, vector<1x16xf32>,
      %swap3A_150 = vector.shape_cast %swap3A_149 : vector<1x16xf32> to vector<16xf32>
      %swap3A_151 = vector.shape_cast %mul3A_146 : vector<16xf32> to vector<1x16xf32>
      tpu.vector_store %arg13[%swap3A_147, %swap3A_148], %swap3A_151 {strides = array<i32>} : memref<128x128xf32, #tpu.memory_space<vmem>>, vector<1x16xf32>,
      %get3A_152 = arith.index_cast %scan3A_55 : i32 to index
      %get3A_153 = arith.constant 112 : index
      %get3A_154 = tpu.vector_load %arg13[%get3A_152, %get3A_153] {strides = array<i32>} : memref<128x128xf32, #tpu.memory_space<vmem>>, vector<1x16xf32>,
      %get3A_155 = vector.shape_cast %get3A_154 : vector<1x16xf32> to vector<16xf32>
      %get3A_156 = arith.index_cast %scan3A_55 : i32 to index
      %get3A_157 = arith.constant 112 : index
      %get3A_158 = tpu.vector_load %arg14[%get3A_156, %get3A_157] {strides = array<i32>} : memref<128x128xf32, #tpu.memory_space<vmem>>, vector<1x16xf32>,
      %get3A_159 = vector.shape_cast %get3A_158 : vector<1x16xf32> to vector<16xf32>
      %mul3A_160 = arith.mulf %get3A_155, %get3A_159 : vector<16xf32>
      %swap3A_161 = arith.index_cast %scan3A_55 : i32 to index
      %swap3A_162 = arith.constant 112 : index
      %swap3A_163 = tpu.vector_load %arg13[%swap3A_161, %swap3A_162] {strides = array<i32>} : memref<128x128xf32, #tpu.memory_space<vmem>>, vector<1x16xf32>,
      %swap3A_164 = vector.shape_cast %swap3A_163 : vector<1x16xf32> to vector<16xf32>
      %swap3A_165 = vector.shape_cast %mul3A_160 : vector<16xf32> to vector<1x16xf32>
      tpu.vector_store %arg13[%swap3A_161, %swap3A_162], %swap3A_165 {strides = array<i32>} : memref<128x128xf32, #tpu.memory_space<vmem>>, vector<1x16xf32>,
    }
    %scan3A_54 = arith.constant 128 : i32
    "tpu.region"() ({
      %run_scoped3A = tpu.sem_alloc : memref<!tpu.dma_semaphore, #tpu.memory_space<semaphore_mem>>
      %dma_start3A = arith.constant 0 : i32
      %dma_start3A_55 = tpu.memref_slice %arg8[%mul3A_2, %dma_start3A] : memref<4096x128xf32, #tpu.memory_space<hbm>> -> memref<128x128xf32, #tpu.memory_space<hbm>>
      %dma_start3A_56 = arith.constant 0 : i32
      %dma_start3A_57 = tpu.memref_slice %arg8[%mul3A_2, %dma_start3A_56] : memref<4096x128xf32, #tpu.memory_space<hbm>> -> memref<128x128xf32, #tpu.memory_space<hbm>>
      tpu.enqueue_dma source(%arg13 : memref<128x128xf32, #tpu.memory_space<vmem>>) target(%dma_start3A_57 : memref<128x128xf32, #tpu.memory_space<hbm>>) target_semaphore(%run_scoped3A : memref<!tpu.dma_semaphore, #tpu.memory_space<semaphore_mem>>)
      %dma_wait3A_58 = arith.constant 0 : i32
      %dma_wait3A_59 = tpu.memref_slice %arg8[%mul3A_2, %dma_wait3A_58] : memref<4096x128xf32, #tpu.memory_space<hbm>> -> memref<128x128xf32, #tpu.memory_space<hbm>>
      %dma_wait3A_60 = arith.constant 0 : i32
      %dma_wait3A_61 = tpu.memref_slice %arg8[%mul3A_2, %dma_wait3A_60] : memref<4096x128xf32, #tpu.memory_space<hbm>> -> memref<128x128xf32, #tpu.memory_space<hbm>>
      tpu.wait_dma2 semaphore(%run_scoped3A : memref<!tpu.dma_semaphore, #tpu.memory_space<semaphore_mem>>) src(%arg13 : memref<128x128xf32, #tpu.memory_space<vmem>>) dst(%dma_wait3A_61 : memref<128x128xf32, #tpu.memory_space<hbm>>)
      tpu.yield
    }) : () -> ()
    "tpu.region"() ({
      %run_scoped3A = tpu.sem_alloc : memref<!tpu.dma_semaphore, #tpu.memory_space<semaphore_mem>>
      %dma_start3A = arith.constant 0 : i32
      %dma_start3A_55 = tpu.memref_slice %arg9[%mul3A_2, %dma_start3A] : memref<4096x128xf32, #tpu.memory_space<hbm>> -> memref<128x128xf32, #tpu.memory_space<hbm>>
      %dma_start3A_56 = arith.constant 0 : i32
      %dma_start3A_57 = tpu.memref_slice %arg9[%mul3A_2, %dma_start3A_56] : memref<4096x128xf32, #tpu.memory_space<hbm>> -> memref<128x128xf32, #tpu.memory_space<hbm>>
      tpu.enqueue_dma source(%arg15 : memref<128x128xf32, #tpu.memory_space<vmem>>) target(%dma_start3A_57 : memref<128x128xf32, #tpu.memory_space<hbm>>) target_semaphore(%run_scoped3A : memref<!tpu.dma_semaphore, #tpu.memory_space<semaphore_mem>>)
      %dma_wait3A_58 = arith.constant 0 : i32
      %dma_wait3A_59 = tpu.memref_slice %arg9[%mul3A_2, %dma_wait3A_58] : memref<4096x128xf32, #tpu.memory_space<hbm>> -> memref<128x128xf32, #tpu.memory_space<hbm>>
      %dma_wait3A_60 = arith.constant 0 : i32
      %dma_wait3A_61 = tpu.memref_slice %arg9[%mul3A_2, %dma_wait3A_60] : memref<4096x128xf32, #tpu.memory_space<hbm>> -> memref<128x128xf32, #tpu.memory_space<hbm>>
      tpu.wait_dma2 semaphore(%run_scoped3A : memref<!tpu.dma_semaphore, #tpu.memory_space<semaphore_mem>>) src(%arg15 : memref<128x128xf32, #tpu.memory_space<vmem>>) dst(%dma_wait3A_61 : memref<128x128xf32, #tpu.memory_space<hbm>>)
      tpu.yield
    }) : () -> ()
    "tpu.region"() ({
      %run_scoped3A = tpu.sem_alloc : memref<!tpu.dma_semaphore, #tpu.memory_space<semaphore_mem>>
      %dma_start3A = arith.constant 0 : i32
      %dma_start3A_55 = tpu.memref_slice %arg10[%mul3A_2, %dma_start3A] : memref<4096x128xf32, #tpu.memory_space<hbm>> -> memref<128x128xf32, #tpu.memory_space<hbm>>
      %dma_start3A_56 = arith.constant 0 : i32
      %dma_start3A_57 = tpu.memref_slice %arg10[%mul3A_2, %dma_start3A_56] : memref<4096x128xf32, #tpu.memory_space<hbm>> -> memref<128x128xf32, #tpu.memory_space<hbm>>
      tpu.enqueue_dma source(%arg16 : memref<128x128xf32, #tpu.memory_space<vmem>>) target(%dma_start3A_57 : memref<128x128xf32, #tpu.memory_space<hbm>>) target_semaphore(%run_scoped3A : memref<!tpu.dma_semaphore, #tpu.memory_space<semaphore_mem>>)
      %dma_wait3A_58 = arith.constant 0 : i32
      %dma_wait3A_59 = tpu.memref_slice %arg10[%mul3A_2, %dma_wait3A_58] : memref<4096x128xf32, #tpu.memory_space<hbm>> -> memref<128x128xf32, #tpu.memory_space<hbm>>
      %dma_wait3A_60 = arith.constant 0 : i32
      %dma_wait3A_61 = tpu.memref_slice %arg10[%mul3A_2, %dma_wait3A_60] : memref<4096x128xf32, #tpu.memory_space<hbm>> -> memref<128x128xf32, #tpu.memory_space<hbm>>
      tpu.wait_dma2 semaphore(%run_scoped3A : memref<!tpu.dma_semaphore, #tpu.memory_space<semaphore_mem>>) src(%arg16 : memref<128x128xf32, #tpu.memory_space<vmem>>) dst(%dma_wait3A_61 : memref<128x128xf32, #tpu.memory_space<hbm>>)
      tpu.yield
    }) : () -> ()
    return
  }
}

module attributes {stable_mosaic.version = 14 : i64} {
  func.func @_dense_body(%arg0: i32, %arg1: memref<1024x128xf32, #tpu.memory_space<vmem>>, %arg2: memref<1024x128xf32, #tpu.memory_space<vmem>>, %arg3: memref<1024x128xf32, #tpu.memory_space<vmem>>, %arg4: memref<128x256xf32, #tpu.memory_space<vmem>>, %arg5: memref<128x256xf32, #tpu.memory_space<vmem>>, %arg6: memref<1x256xf32, #tpu.memory_space<vmem>>, %arg7: memref<256x128xf32, #tpu.memory_space<vmem>>, %arg8: memref<1x128xf32, #tpu.memory_space<vmem>>, %arg9: memref<128x64xf32, #tpu.memory_space<vmem>>, %arg10: memref<1x64xf32, #tpu.memory_space<vmem>>, %arg11: memref<128x4xf32, #tpu.memory_space<vmem>>, %arg12: memref<64x4xf32, #tpu.memory_space<vmem>>, %arg13: memref<1x1xf32, #tpu.memory_space<vmem>>, %arg14: memref<1024x4xf32, #tpu.memory_space<vmem>>) attributes {dimension_semantics = [#tpu.dimension_semantics<arbitrary>], iteration_bounds = array<i64: 4>, scalar_prefetch = 0 : i64, scratch_operands = 0 : i64, tpu.core_type = #tpu.core_type<tc>, window_params = [{transform_indices = @transform_0, window_bounds = array<i64: 1024, 128>}, {transform_indices = @transform_1, window_bounds = array<i64: 1024, 128>}, {transform_indices = @transform_2, window_bounds = array<i64: 1024, 128>}, {pipeline_mode = #tpu.pipeline_mode<synchronous>, transform_indices = @transform_3, window_bounds = array<i64: 128, 256>}, {pipeline_mode = #tpu.pipeline_mode<synchronous>, transform_indices = @transform_4, window_bounds = array<i64: 128, 256>}, {pipeline_mode = #tpu.pipeline_mode<synchronous>, transform_indices = @transform_5, window_bounds = array<i64: 1, 256>}, {pipeline_mode = #tpu.pipeline_mode<synchronous>, transform_indices = @transform_6, window_bounds = array<i64: 256, 128>}, {pipeline_mode = #tpu.pipeline_mode<synchronous>, transform_indices = @transform_7, window_bounds = array<i64: 1, 128>}, {pipeline_mode = #tpu.pipeline_mode<synchronous>, transform_indices = @transform_8, window_bounds = array<i64: 128, 64>}, {pipeline_mode = #tpu.pipeline_mode<synchronous>, transform_indices = @transform_9, window_bounds = array<i64: 1, 64>}, {pipeline_mode = #tpu.pipeline_mode<synchronous>, transform_indices = @transform_10, window_bounds = array<i64: 128, 4>}, {pipeline_mode = #tpu.pipeline_mode<synchronous>, transform_indices = @transform_11, window_bounds = array<i64: 64, 4>}, {pipeline_mode = #tpu.pipeline_mode<synchronous>, transform_indices = @transform_12, window_bounds = array<i64: 1, 1>}, {transform_indices = @transform_13, window_bounds = array<i64: 1024, 4>}]} {
    %get3A = arith.constant 0 : index
    %get3A_0 = arith.constant 0 : index
    %get3A_1 = vector.load %arg2[%get3A, %get3A_0] : memref<1024x128xf32, #tpu.memory_space<vmem>>, vector<1024x128xf32>
    %get3A_2 = arith.constant 0 : index
    %get3A_3 = arith.constant 0 : index
    %get3A_4 = vector.load %arg3[%get3A_2, %get3A_3] : memref<1024x128xf32, #tpu.memory_space<vmem>>, vector<1024x128xf32>
    %get3A_5 = arith.constant 0 : index
    %get3A_6 = arith.constant 0 : index
    %get3A_7 = vector.load %arg4[%get3A_5, %get3A_6] : memref<128x256xf32, #tpu.memory_space<vmem>>, vector<128x256xf32>
    %dot_general3A = arith.constant dense<0.000000e+00> : vector<1024x256xf32>
    %dot_general3A_8 = tpu.matmul %get3A_1, %get3A_7, %dot_general3A {dimension_numbers = #tpu.dot_dimension_numbers<[1], [0], [0], [1], [0, 0, 1, 1], [], []>, transpose_lhs_hint = false} : vector<1024x128xf32>, vector<128x256xf32>, vector<1024x256xf32> -> vector<1024x256xf32>
    %get3A_9 = arith.constant 0 : index
    %get3A_10 = arith.constant 0 : index
    %get3A_11 = vector.load %arg5[%get3A_9, %get3A_10] : memref<128x256xf32, #tpu.memory_space<vmem>>, vector<128x256xf32>
    %dot_general3A_12 = arith.constant dense<0.000000e+00> : vector<1024x256xf32>
    %dot_general3A_13 = tpu.matmul %get3A_4, %get3A_11, %dot_general3A_12 {dimension_numbers = #tpu.dot_dimension_numbers<[1], [0], [0], [1], [0, 0, 1, 1], [], []>, transpose_lhs_hint = false} : vector<1024x128xf32>, vector<128x256xf32>, vector<1024x256xf32> -> vector<1024x256xf32>
    %add3A = arith.addf %dot_general3A_8, %dot_general3A_13 : vector<1024x256xf32>
    %get3A_14 = arith.constant 0 : index
    %get3A_15 = arith.constant 0 : index
    %get3A_16 = vector.load %arg6[%get3A_14, %get3A_15] : memref<1x256xf32, #tpu.memory_space<vmem>>, vector<1x256xf32>
    %add3A_17 = vector.broadcast %get3A_16 : vector<1x256xf32> to vector<1024x256xf32>
    %add3A_18 = arith.addf %add3A, %add3A_17 : vector<1024x256xf32>
    %max3A = arith.constant 0.000000e+00 : f32
    %max3A_19 = vector.broadcast %max3A : f32 to vector<1024x256xf32>
    %max3A_20 = arith.maximumf %add3A_18, %max3A_19 : vector<1024x256xf32>
    %get3A_21 = arith.constant 0 : index
    %get3A_22 = arith.constant 0 : index
    %get3A_23 = vector.load %arg7[%get3A_21, %get3A_22] : memref<256x128xf32, #tpu.memory_space<vmem>>, vector<256x128xf32>
    %dot_general3A_24 = arith.constant dense<0.000000e+00> : vector<1024x128xf32>
    %dot_general3A_25 = tpu.matmul %max3A_20, %get3A_23, %dot_general3A_24 {dimension_numbers = #tpu.dot_dimension_numbers<[1], [0], [0], [1], [0, 0, 1, 1], [], []>, transpose_lhs_hint = false} : vector<1024x256xf32>, vector<256x128xf32>, vector<1024x128xf32> -> vector<1024x128xf32>
    %get3A_26 = arith.constant 0 : index
    %get3A_27 = arith.constant 0 : index
    %get3A_28 = vector.load %arg8[%get3A_26, %get3A_27] : memref<1x128xf32, #tpu.memory_space<vmem>>, vector<1x128xf32>
    %add3A_29 = vector.broadcast %get3A_28 : vector<1x128xf32> to vector<1024x128xf32>
    %add3A_30 = arith.addf %dot_general3A_25, %add3A_29 : vector<1024x128xf32>
    %max3A_31 = arith.constant 0.000000e+00 : f32
    %max3A_32 = vector.broadcast %max3A_31 : f32 to vector<1024x128xf32>
    %max3A_33 = arith.maximumf %add3A_30, %max3A_32 : vector<1024x128xf32>
    %get3A_34 = arith.constant 0 : index
    %get3A_35 = arith.constant 0 : index
    %get3A_36 = vector.load %arg9[%get3A_34, %get3A_35] : memref<128x64xf32, #tpu.memory_space<vmem>>, vector<128x64xf32>
    %dot_general3A_37 = arith.constant dense<0.000000e+00> : vector<1024x64xf32>
    %dot_general3A_38 = tpu.matmul %max3A_33, %get3A_36, %dot_general3A_37 {dimension_numbers = #tpu.dot_dimension_numbers<[1], [0], [0], [1], [0, 0, 1, 1], [], []>, transpose_lhs_hint = false} : vector<1024x128xf32>, vector<128x64xf32>, vector<1024x64xf32> -> vector<1024x64xf32>
    %get3A_39 = arith.constant 0 : index
    %get3A_40 = arith.constant 0 : index
    %get3A_41 = vector.load %arg10[%get3A_39, %get3A_40] : memref<1x64xf32, #tpu.memory_space<vmem>>, vector<1x64xf32>
    %add3A_42 = vector.broadcast %get3A_41 : vector<1x64xf32> to vector<1024x64xf32>
    %add3A_43 = arith.addf %dot_general3A_38, %add3A_42 : vector<1024x64xf32>
    %get3A_44 = arith.constant 0 : index
    %get3A_45 = arith.constant 0 : index
    %get3A_46 = vector.load %arg1[%get3A_44, %get3A_45] : memref<1024x128xf32, #tpu.memory_space<vmem>>, vector<1024x128xf32>
    %get3A_47 = arith.constant 0 : index
    %get3A_48 = arith.constant 0 : index
    %get3A_49 = vector.load %arg11[%get3A_47, %get3A_48] : memref<128x4xf32, #tpu.memory_space<vmem>>, vector<128x4xf32>
    %dot_general3A_50 = arith.constant dense<0.000000e+00> : vector<1024x4xf32>
    %dot_general3A_51 = tpu.matmul %get3A_46, %get3A_49, %dot_general3A_50 {dimension_numbers = #tpu.dot_dimension_numbers<[1], [0], [0], [1], [0, 0, 1, 1], [], []>, transpose_lhs_hint = false} : vector<1024x128xf32>, vector<128x4xf32>, vector<1024x4xf32> -> vector<1024x4xf32>
    %get3A_52 = arith.constant 0 : index
    %get3A_53 = arith.constant 0 : index
    %get3A_54 = vector.load %arg12[%get3A_52, %get3A_53] : memref<64x4xf32, #tpu.memory_space<vmem>>, vector<64x4xf32>
    %dot_general3A_55 = arith.constant dense<0.000000e+00> : vector<1024x4xf32>
    %dot_general3A_56 = tpu.matmul %add3A_43, %get3A_54, %dot_general3A_55 {dimension_numbers = #tpu.dot_dimension_numbers<[1], [0], [0], [1], [0, 0, 1, 1], [], []>, transpose_lhs_hint = false} : vector<1024x64xf32>, vector<64x4xf32>, vector<1024x4xf32> -> vector<1024x4xf32>
    %add3A_57 = arith.addf %dot_general3A_51, %dot_general3A_56 : vector<1024x4xf32>
    %get3A_58 = arith.constant 0 : index
    %get3A_59 = arith.constant 0 : index
    %get3A_60 = vector.load %arg13[%get3A_58, %get3A_59] : memref<1x1xf32, #tpu.memory_space<vmem>>, vector<1x1xf32>
    %add3A_61 = vector.broadcast %get3A_60 : vector<1x1xf32> to vector<1024x4xf32>
    %add3A_62 = arith.addf %add3A_57, %add3A_61 : vector<1024x4xf32>
    %swap3A = arith.constant 0 : index
    %swap3A_63 = arith.constant 0 : index
    %swap3A_64 = vector.load %arg14[%swap3A, %swap3A_63] : memref<1024x4xf32, #tpu.memory_space<vmem>>, vector<1024x4xf32>
    tpu.vector_store %arg14[%swap3A, %swap3A_63], %add3A_62 {strides = array<i32>} : memref<1024x4xf32, #tpu.memory_space<vmem>>, vector<1024x4xf32>,
    return
  }
  func.func @transform_0(%arg0: i32) -> (i32, i32) {
    %c0_i32 = arith.constant 0 : i32
    %c0_i32_0 = arith.constant 0 : i32
    return %arg0, %c0_i32 : i32, i32
  }
  func.func @transform_1(%arg0: i32) -> (i32, i32) {
    %c0_i32 = arith.constant 0 : i32
    %c0_i32_0 = arith.constant 0 : i32
    return %arg0, %c0_i32 : i32, i32
  }
  func.func @transform_2(%arg0: i32) -> (i32, i32) {
    %c0_i32 = arith.constant 0 : i32
    %c0_i32_0 = arith.constant 0 : i32
    return %arg0, %c0_i32 : i32, i32
  }
  func.func @transform_3(%arg0: i32) -> (i32, i32) {
    %c0_i32 = arith.constant 0 : i32
    %c0_i32_0 = arith.constant 0 : i32
    %c0_i32_1 = arith.constant 0 : i32
    return %c0_i32, %c0_i32_0 : i32, i32
  }
  func.func @transform_4(%arg0: i32) -> (i32, i32) {
    %c0_i32 = arith.constant 0 : i32
    %c0_i32_0 = arith.constant 0 : i32
    %c0_i32_1 = arith.constant 0 : i32
    return %c0_i32, %c0_i32_0 : i32, i32
  }
  func.func @transform_5(%arg0: i32) -> (i32, i32) {
    %c0_i32 = arith.constant 0 : i32
    %c0_i32_0 = arith.constant 0 : i32
    %c0_i32_1 = arith.constant 0 : i32
    return %c0_i32, %c0_i32_0 : i32, i32
  }
  func.func @transform_6(%arg0: i32) -> (i32, i32) {
    %c0_i32 = arith.constant 0 : i32
    %c0_i32_0 = arith.constant 0 : i32
    %c0_i32_1 = arith.constant 0 : i32
    return %c0_i32, %c0_i32_0 : i32, i32
  }
  func.func @transform_7(%arg0: i32) -> (i32, i32) {
    %c0_i32 = arith.constant 0 : i32
    %c0_i32_0 = arith.constant 0 : i32
    %c0_i32_1 = arith.constant 0 : i32
    return %c0_i32, %c0_i32_0 : i32, i32
  }
  func.func @transform_8(%arg0: i32) -> (i32, i32) {
    %c0_i32 = arith.constant 0 : i32
    %c0_i32_0 = arith.constant 0 : i32
    %c0_i32_1 = arith.constant 0 : i32
    return %c0_i32, %c0_i32_0 : i32, i32
  }
  func.func @transform_9(%arg0: i32) -> (i32, i32) {
    %c0_i32 = arith.constant 0 : i32
    %c0_i32_0 = arith.constant 0 : i32
    %c0_i32_1 = arith.constant 0 : i32
    return %c0_i32, %c0_i32_0 : i32, i32
  }
  func.func @transform_10(%arg0: i32) -> (i32, i32) {
    %c0_i32 = arith.constant 0 : i32
    %c0_i32_0 = arith.constant 0 : i32
    %c0_i32_1 = arith.constant 0 : i32
    return %c0_i32, %c0_i32_0 : i32, i32
  }
  func.func @transform_11(%arg0: i32) -> (i32, i32) {
    %c0_i32 = arith.constant 0 : i32
    %c0_i32_0 = arith.constant 0 : i32
    %c0_i32_1 = arith.constant 0 : i32
    return %c0_i32, %c0_i32_0 : i32, i32
  }
  func.func @transform_12(%arg0: i32) -> (i32, i32) {
    %c0_i32 = arith.constant 0 : i32
    %c0_i32_0 = arith.constant 0 : i32
    %c0_i32_1 = arith.constant 0 : i32
    return %c0_i32, %c0_i32_0 : i32, i32
  }
  func.func @transform_13(%arg0: i32) -> (i32, i32) {
    %c0_i32 = arith.constant 0 : i32
    %c0_i32_0 = arith.constant 0 : i32
    return %arg0, %c0_i32 : i32, i32
  }
}

</mosaic_0001>

<sc_bundles>
// kernel: kernel.4.cloned.1.call-start
scs
__scs_entry_jumppad:
0x0: {  	(pc) =	sbr.rel $0x88, $3  }
0x1: {  	(tag) =	ssettag $0x0;
	lr =	simm.s32 $0x1  }
0x2: {  	[smem:$0x3F93] =	sst lr;
	_ =	strace $0xD0000000  }
0x3: {  	_ = 	snop  }
0x4: {  	_ = 	snop  }
0x5: {  	_ = 	snop  }
0x6: {  	_ = 	snop  }
0x7: {  	_ = 	snop  }
__scs_overlays_trampoline_lowered:
0x8: {  	[smem:$0x3FA2] =	sst s0  }
0x9: {  	[smem:$0x3FA3] =	sst s1  }
0xa: {  	[smem:$0x3FA4] =	sst s2  }
0xb: {  	[smem:$0x3FA5] =	sst s3  }
0xc: {  	[smem:$0x3FA6] =	sst s4  }
0xd: {  	[smem:$0x3FA7] =	sst s5  }
0xe: {  	[smem:$0x3FA8] =	sst s6  }
0xf: {  	[smem:$0x3FA9] =	sst s7  }
0x10: {  	[smem:$0x3FAA] =	sst s8  }
0x11: {  	[smem:$0x3FAB] =	sst s9;
	s0 =	simm.s32 @!p0 $0x0  }
0x12: {  	s1 =	sld [smem:$0x3F91];
	s0 =	simm.s32 @p0 $0x1  }
0x13: {  	[smem:$0x3FAC] =	sst s0;
	s0 =	simm.s32 @!p1 $0x0  }
0x14: {  	s2 =	sld [smem:$0x3F90];
	s0 =	simm.s32 @p1 $0x1  }
0x15: {  	[smem:$0x3FAD] =	sst s0;
	s0 =	simm.s32 @!p2 $0x0  }
0x16: {  	s3 =	sld [smem:$0x3FDB];
	s0 =	simm.s32 @p2 $0x1  }
0x17: {  	s4 =	simm.s32 $0x1BF5;
	[smem:$0x3FAF] =	sst s0  }
0x18: {  	s0 =	sld [smem:$0x3F92];
	_ =	swait.ge [sflag:s4], $0x0  }
0x19: {  	s7 =	sld [smem:$0x3F93]  }
0x1a: {  	s8 =	sadd.s32 $0xFFFFE003, lr  }
0x1b: {  	s9 =	sadd.s32 $0xFFFFFEF7, lr;
	s5 =	simm.s32 $0xFFFFFFFF;
	p2 =	slt.u32 s8, $0xFFFFF086  }
0x1c: {  	p1 =	slt.u32 s9, $0xF7A;
	s5 =	simm.s32 @!p2 $0x0  }
0x1d: {  	s5 =	simm.s32 @p1 $0x1;
	p0 =	seq.s32 s7, s2  }
0x1e: {  	s7 =	smul.u32 @!p0 $0xF7A, s2;
	p2 =	seq.s32 @!p0 s5, $0x0  }
0x1f: {  	s9 =	smul.u32 $0xF7A, s1;
	s8 =	simm.s32 @!p0 $0x1BF5;
	p2 =	por !p2, p0  }
0x20: {  	[sflag:s8] =	ssyncset.s32 @!p0 $0xFFFFF086;
	s6 =	sadd.s32 @!p0 s3, s7;
	s7 =	simm.s32 @!p0 $0x108  }
0x21: {  	s3 =	sadd.s32 s3, s9;
	s6 =	sadd.s32 @!p0 $0x88, s6;
	s7 =	simm.s32 @p2 $0x1082  }
0x22: {  	[simem:s7], [sflag:s8] =	dma.local @!p0 [hbm:s6], $0xF7A  }
0x23: {  	s9 =	sor.u32 $0xD0000000, s2;
	s6 =	simm.s32 $0x108;
	_ =	swait.ge @!p0 [sflag:s8], $0x0  }
0x24: {  	s3 =	sadd.s32 $0x88, s3;
	s6 =	simm.s32 @!p1 $0x1082;
	[sflag:s4] =	ssyncset.s32 $0xFFFFF086  }
0x25: {  	[simem:s6], [sflag:s4] =	dma.local [hbm:s3], $0xF7A  }
0x26: {  	[smem:$0x3F93] =	sst s1;
	(tag) =	ssettag s2;
	_ =	strace s9  }
0x27: {  	s1 =	sld [smem:$0x3FA3]  }
0x28: {  	s2 =	sld [smem:$0x3FA4]  }
0x29: {  	s4 =	sld [smem:$0x3FA6]  }
0x2a: {  	p0 =	seq.s32 s5, $0x0;
	s5 =	sld [smem:$0x3FA7]  }
0x2b: {  	s6 =	sld [smem:$0x3FA8]  }
0x2c: {  	s7 =	sld [smem:$0x3FA9]  }
0x2d: {  	s3 =	simm.s32 $0x108;
	s8 =	sld [smem:$0x3FAA]  }
0x2e: {  	s3 =	simm.s32 @!p0 $0x1082;
	s9 =	sld [smem:$0x3FAB]  }
0x2f: {  	lr =	sadd.s32 s0, s3;
	s0 =	sld [smem:$0x3FA2]  }
0x30: {  	s3 =	sld [smem:$0x3FA5]  }
0x31: {  	[smem:$0x3FAE] =	sst s10  }
0x32: {  	s10 =	sld [smem:$0x3FAC];
	_ =	sdelay $0x3  }
0x33: {  	p0 =	seq.s32 s10, $0x1;
	s10 =	sld [smem:$0x3FAE];
	_ =	sdelay $0x3  }
0x34: {  	[smem:$0x3FAE] =	sst s10  }
0x35: {  	s10 =	sld [smem:$0x3FAD];
	_ =	sdelay $0x3  }
0x36: {  	p1 =	seq.s32 s10, $0x1;
	s10 =	sld [smem:$0x3FAE];
	_ =	sdelay $0x3  }
0x37: {  	[smem:$0x3FAE] =	sst s10  }
0x38: {  	s10 =	sld [smem:$0x3FAF]  }
0x39: {  	_ = 	snop;
	(pc) =	sbr.ind lr, $3  }
0x3a: {  	_ = 	snop  }
0x3b: {  	_ = 	snop  }
0x3c: {  	p2 =	seq.s32 s10, $0x1;
	s10 =	sld [smem:$0x3FAE]  }
0x3d: {  	_ =	shalt  }
0x3e: {  	_ =	shalt  }
0x3f: {  	_ =	shalt  }
0x40: {  	_ =	shalt  }
0x41: {  	_ =	shalt  }
0x42: {  	_ =	shalt  }
0x43: {  	_ =	shalt  }
0x44: {  	_ =	shalt  }
0x45: {  	_ =	shalt  }
0x46: {  	_ =	shalt  }
0x47: {  	_ =	shalt  }
0x48: {  	_ =	shalt  }
0x49: {  	_ =	shalt  }
0x4a: {  	_ =	shalt  }
0x4b: {  	_ =	shalt  }
0x4c: {  	_ =	shalt  }
0x4d: {  	_ =	shalt  }
0x4e: {  	_ =	shalt  }
0x4f: {  	_ =	shalt  }
0x50: {  	_ =	shalt  }
0x51: {  	_ =	shalt  }
0x52: {  	_ =	shalt  }
0x53: {  	_ =	shalt  }
0x54: {  	_ =	shalt  }
0x55: {  	_ =	shalt  }
0x56: {  	_ =	shalt  }
0x57: {  	_ =	shalt  }
0x58: {  	_ =	shalt  }
0x59: {  	_ =	shalt  }
0x5a: {  	_ =	shalt  }
0x5b: {  	_ =	shalt  }
0x5c: {  	_ =	shalt  }
0x5d: {  	_ =	shalt  }
0x5e: {  	_ =	shalt  }
0x5f: {  	_ =	shalt  }
0x60: {  	_ =	shalt  }
0x61: {  	_ =	shalt  }
0x62: {  	_ =	shalt  }
0x63: {  	_ =	shalt  }
0x64: {  	_ =	shalt  }
0x65: {  	_ =	shalt  }
0x66: {  	_ =	shalt  }
0x67: {  	_ =	shalt  }
0x68: {  	_ =	shalt  }
0x69: {  	_ =	shalt  }
0x6a: {  	_ =	shalt  }
0x6b: {  	_ =	shalt  }
0x6c: {  	_ =	shalt  }
0x6d: {  	_ =	shalt  }
0x6e: {  	_ =	shalt  }
0x6f: {  	_ =	shalt  }
0x70: {  	_ =	shalt  }
0x71: {  	_ =	shalt  }
0x72: {  	_ =	shalt  }
0x73: {  	_ =	shalt  }
0x74: {  	_ =	shalt  }
0x75: {  	_ =	shalt  }
0x76: {  	_ =	shalt  }
0x77: {  	_ =	shalt  }
0x78: {  	_ =	shalt  }
0x79: {  	_ =	shalt  }
0x7a: {  	_ =	shalt  }
0x7b: {  	_ =	shalt  }
0x7c: {  	_ =	shalt  }
0x7d: {  	_ =	shalt  }
0x7e: {  	_ =	shalt  }
0x7f: {  	_ =	shalt  }
0x80: {  	_ =	shalt  }
0x81: {  	_ =	shalt  }
0x82: {  	_ =	shalt  }
0x83: {  	_ =	shalt  }
0x84: {  	_ =	shalt  }
0x85: {  	_ =	shalt  }
0x86: {  	_ =	shalt  }
0x87: {  	_ =	shalt  }
.Lfunc_end0:
.L_simem_size_0:
called_computation_lowered:
.L_overlay_start_0:
0x88: {  	s2 =	sld [smem:$0x3FD9]  }
0x89: {  	s3 =	sld [smem:$0x3FFE];
	_ =	sdelay $0x1  }
0x8a: {  	s1 =	srdreg.scid  }
0x8b: {  	s0 =	sand.u32 $0x1, s1  }
0x8c: {  	s17 =	sshll.u32 s0, $0xA;
	s2 =	sadd.s32 s3, s2  }
0x8d: {  	s2 =	sadd.s32 s2, s17  }
0x8e: {  	[smem:$0x3FBA] =	sst s2  }
0x8f: {  	_ = 	snop  }
0x90: {  	s2 =	sld [smem:$0x3FD0];
	(tm) =	ssettm $0x1  }
0x91: {  	s18 =	sld [smem:$0x3FFB];
	_ =	sdelay $0x3  }
0x92: {  	_ =	strace s18  }
0x93: {  	s3 =	sld [smem:$0x3FFC];
	_ =	sdelay $0x3  }
0x94: {  	_ =	strace s3  }
0x95: {  	s3 =	sld [smem:$0x3FFD];
	_ =	sdelay $0x3  }
0x96: {  	_ =	strace s3  }
0x97: {  	_ =	strace $0x8FFFFFFF  }
0x98: {  	s19 =	sld [smem:$0x3FDB];
	_ =	sdelay $0x1  }
0x99: {  	s4 =	simm.s32 $_scs_section_size  }
0x9a: {  	s5 =	simm.s32 $_size__tile_overlayer_lowered;
	s6 =	simm.s32 $_tile_overlayer_lowered  }
0x9b: {  	s22 =	simm.s32 $0x1BFF;
	s21 =	sshll.u32 s6, $0x1;
	s3 =	sadd.s32 s4, s19  }
0x9c: {  	s7 =	simm.s32 $0x0;
	s20 =	sshll.u32 s5, $0x1;
	s5 =	sadd.s32 s21, s3  }
0x9d: {  	[timem:s7], [sflag:s22] =	dma.local [hbm:s5], s20  }
0x9e: {  	_ =	swait.ge [sflag:s22], s20  }
0x9f: {  	s4 =	ssub.s32 $0x0, s20;
	[sflag:s22] =	ssyncset.done $0x0  }
0xa0: {  	[sflag:s22] =	ssyncadd.s32 s4;
	_ =	sdelay $0x1  }
0xa1: {  	s23 =	simm.s32 $0x1B8B  }
0xa2: {  	_ =	swait.ge [sflag:s23], $0x1  }
0xa3: {  	[sflag:s23] =	ssyncset.done $0x0  }
0xa4: {  	s25 =	simm.s32 $0x1B8E;
	s24 =	sld [smem:$0x3FFE];
	[sflag:s23] =	ssyncadd.s32 $0xFFFFFFFF  }
0xa5: {  	s26 =	simm.s32 $execute0_lowered;
	[smem:$0x3FD2] =	sst s25  }
0xa6: {  	s5 =	sshll.u32 s26, $0x1;
	_ =	strace $0x80000046;
	[dreg:$0x1] =	wrdreg $0xFFFFFFFF  }
0xa7: {  	s28 =	simm.s32 $_size_execute0_lowered;
	s3 =	sadd.s32 s3, s5;
	[dreg:$0x0] =	wrdreg $0x0  }
0xa8: {  	s5 =	sshll.u32 s28, $0x1;
	[dreg:$0x2] =	wrdreg s3  }
0xa9: {  	[dreg:$0x3] =	wrdreg s5  }
0xaa: {  	[dreg:$0x4] =	wrdreg $0xC0  }
0xab: {  	_ =	task [dreg:s7], $0x5FFFF  }
0xac: {  	[dreg:$0x1] =	wrdreg $0xFFFFFFFF  }
0xad: {  	[dreg:$0x0] =	wrdreg $0x60  }
0xae: {  	[dreg:$0x2] =	wrdreg s2  }
0xaf: {  	[dreg:$0x3] =	wrdreg s24  }
0xb0: {  	[dreg:$0x4] =	wrdreg $0x9  }
0xb1: {  	_ =	task.clear_ibuf [dreg:s7], $0x5FFFF;
	_ =	strace $0x90000046  }
0xb2: {  	s29 =	simm.s32 $0x9;
	_ =	strace $0x80000048  }
0xb3: {  	_ =	swait.ge [sflag:s29], $0x1  }
0xb4: {  	[sflag:s29] =	ssyncadd.s32 $0xFFFFFFFF  }
0xb5: {  	_ =	strace $0x90000048  }
0xb6: {  	_ =	sfence  }
0xb7: {  	s30 =	sld [smem:$0x0];
	_ =	sdelay $0x2  }
0xb8: {  	s31 =	sshll.u32 s1, $0xD;
	s1 =	sshrl.u32 s1, $0x2  }
0xb9: {  	s3 =	sand.u32 $0x4000, s31;
	s1 =	sadd.s32 s1, s30  }
0xba: {  	s0 =	sor.u32 s3, s0;
	s1 =	sshll.u32 s1, $0x11  }
0xbb: {  	s0 =	sor.u32 s1, s0  }
0xbc: {  	s0 =	sadd.s32 $0x8F2B, s0  }
0xbd: {  	[sflag:s0] =	ssyncadd.remote.s32 $0x1  }
0xbe: {  	_ =	sfence.sel $0xFFFF  }
0xbf: {  	[dreg:$0x0] =	wrdreg $0xFFFFFFFF;
	(pc) =	sbr.abs _section_cstart, $3  }
0xc0: {  	[dreg:$0x1] =	wrdreg $0xFFFFFFFF  }
0xc1: {  	_ =	task.clear_ibuf [dreg:s7], $0x2FFFF;
	_ =	strace $0x9FFFFFFF  }
0xc2: {  	(tm) =	ssettm $0x7FFFFFFF  }
0xc3: {  	_ =	shalt  }
tec
execute0_lowered:
.L_overlay_start_1:
0x0: {  	(tag) =	ssettag $0x1  }
0x1: {  	s9 =	rddreg [dreg:$0x0]  }
0x2: {  	s1 =	srdreg.scid;
	s0 =	stileid.u32  }
0x3: {  	s7 =	rddreg [dreg:$0x1];
	s14 =	simm.s32 $0x400;
	s15 =	simm.s32 $0x2  }
0x4: {  	s17 =	simm.s32 $0x1;
	s19 =	simm.s32 $0xC400;
	s20 =	simm.s32 $0x0  }
0x5: {  	s6 =	sand.u32 $0x1, s1;
	s2 =	sshll.u32 s0, $0x1;
	s3 =	sshll.u32 s0, $0x7  }
0x6: {  	s5 =	sadd.s32 $0x1E87000, s7;
	s8 =	sor.u32 s6, s2;
	s2 =	simm.s32 $0x0  }
0x7: {  	s12 =	ssub.s32 $0x2, s6;
	s6 =	sadd.s32 $0x2DC9400, s7;
	s4 =	sshll.u32 s8, $0x4  }
0x8: {  	[smem:$0x7FF] =	sst s2;
	s8 =	sshll.u32 s8, $0xB;
	s31 =	sshrl.u32 s12, $0x1  }
0x9: {  	s3 =	sor.u32 s3, s4;
	_ =	strace $0x80000047;
	s4 =	sadd.s32 $0xF44C00, s7  }
0xa: {  	s13 =	sadd.s32 s8, s7;
	s12 =	ssub.s32 s12, s31;
	s10 =	sand.u32 $0x670, s3  }
0xb: {  	s3 =	sadd.s32 $0x2800, s7;
	s8 =	sadd.s32 $0x3D0B800, s13;
	s12 =	smax.u32 s12, $0x1  }
0xc: {  	s11 =	sadd.s32 s10, s7;
	s9 =	sadd.s32 s9, s10;
	s10 =	sadd.s32 $0x3D1B800, s13  }
0xd: {  	s7 =	sadd.s32 $0x2000, s11;
	s11 =	sadd.s32 $0x3D2B800, s13;
	s13 =	simm.s32 $0x80  }
.LBB2_1:
0xe: {  	[tilespmem:s2], [sflag:$0x2] =	stream.strided.gather [hbm4b:s9+s13], $0x200, s14, s13, $0x38;
	[tilespmem:$0x10400] =	vst v63  }
0xf: {  	_ =	swait.ge [sflag:s15], $0x200  }
0x10: {  	[sflag:s15] =	ssyncset.done $0x0  }
0x11: {  	s0 =	simm.s32 $0x200;
	[sflag:s15] =	ssyncadd.s32 $0xFFFFFE00  }
0x12: {  	[tilespmem:s0], [sflag:$0x2] =	stream.strided.gather [hbm4b:s7+s13], $0x200, s14, s13, $0x38;
	[tilespmem:$0x10400] =	vst v63  }
0x13: {  	_ =	swait.ge [sflag:s15], $0x200  }
0x14: {  	[sflag:s15] =	ssyncset.done $0x0  }
0x15: {  	[sflag:s15] =	ssyncadd.s32 $0xFFFFFE00  }
0x16: {  	v0 =	vld [tilespmem:s2+$0x0];
	_ =	sdelay $0x4  }
0x17: {  	v0 =	vshll.u32 v0, $0x4  }
0x18: {  	(v2sf) =	vpush v0, $0x0;
	_ =	sdelay $0x1  }
0x19: {  	(v2sf) =	vpush v0, $0x1;
	_ =	sdelay $0x3  }
0x1a: {  	(v2sf) =	vpush v0, $0x2;
	_ =	sdelay $0x3  }
0x1b: {  	(v2sf) =	vpush v0, $0x3;
	_ =	sdelay $0x3  }
0x1c: {  	(v2sf) =	vpush v0, $0x4  }
0x1d: {  	s21 =	spop (v2sf)  }
0x1e: {  	s21 =	sand.u32 $0x1FFFFFF0, s21  }
0x1f: {  	s23 =	simm.s32 $0x400;
	s22 =	spop (v2sf);
	s21 =	sadd.s32 s3, s21  }
0x20: {  	(v2sf) =	vpush v0, $0x5;
	[tilespmem:s23], [sflag:$0x1] =	stream.strided.gather [hbm4b:s21+s13], $0x0, s14, s13, $0x38;
	[tilespmem:$0x10400] =	vst v63  }
0x21: {  	s22 =	sand.u32 $0x1FFFFFF0, s22  }
0x22: {  	[tilespmem:s23], [sflag:$0x1] =	stream.linear.gather [hbm4b:s21+s2], $0x20, $0x38;
	[tilespmem:$0x10400] =	vst v63  }
0x23: {  	s28 =	simm.s32 $0x420;
	s29 =	spop (v2sf);
	s22 =	sadd.s32 s3, s22  }
0x24: {  	(v2sf) =	vpush v0, $0x6;
	[tilespmem:s28], [sflag:$0x1] =	stream.strided.gather [hbm4b:s22+s13], $0x0, s14, s13, $0x38;
	[tilespmem:$0x10400] =	vst v63  }
0x25: {  	s23 =	sand.u32 $0x1FFFFFF0, s29  }
0x26: {  	[tilespmem:s28], [sflag:$0x1] =	stream.linear.gather [hbm4b:s22+s2], $0x20, $0x38;
	[tilespmem:$0x10400] =	vst v63  }
0x27: {  	s31 =	simm.s32 $0x440;
	s30 =	spop (v2sf);
	s23 =	sadd.s32 s3, s23  }
0x28: {  	(v2sf) =	vpush v0, $0x7;
	[tilespmem:s31], [sflag:$0x1] =	stream.strided.gather [hbm4b:s23+s13], $0x0, s14, s13, $0x38;
	[tilespmem:$0x10400] =	vst v63  }
0x29: {  	s21 =	sand.u32 $0x1FFFFFF0, s30  }
0x2a: {  	[tilespmem:s31], [sflag:$0x1] =	stream.linear.gather [hbm4b:s23+s2], $0x20, $0x38;
	[tilespmem:$0x10400] =	vst v63  }
0x2b: {  	s1 =	simm.s32 $0x460;
	s0 =	spop (v2sf);
	s21 =	sadd.s32 s3, s21  }
0x2c: {  	(v2sf) =	vpush v0, $0x8;
	[tilespmem:s1], [sflag:$0x1] =	stream.strided.gather [hbm4b:s21+s13], $0x0, s14, s13, $0x38;
	[tilespmem:$0x10400] =	vst v63  }
0x2d: {  	s22 =	sand.u32 $0x1FFFFFF0, s0  }
0x2e: {  	[tilespmem:s1], [sflag:$0x1] =	stream.linear.gather [hbm4b:s21+s2], $0x20, $0x38;
	[tilespmem:$0x10400] =	vst v63  }
0x2f: {  	s18 =	simm.s32 $0x480;
	s22 =	sadd.s32 s3, s22;
	s16 =	spop (v2sf)  }
0x30: {  	(v2sf) =	vpush v0, $0x9;
	[tilespmem:s18], [sflag:$0x1] =	stream.strided.gather [hbm4b:s22+s13], $0x0, s14, s13, $0x38;
	[tilespmem:$0x10400] =	vst v63  }
0x31: {  	s21 =	sand.u32 $0x1FFFFFF0, s16  }
0x32: {  	[tilespmem:s18], [sflag:$0x1] =	stream.linear.gather [hbm4b:s22+s2], $0x20, $0x38;
	[tilespmem:$0x10400] =	vst v63  }
0x33: {  	s24 =	simm.s32 $0x4A0;
	s23 =	spop (v2sf);
	s21 =	sadd.s32 s3, s21  }
0x34: {  	(v2sf) =	vpush v0, $0xA;
	[tilespmem:s24], [sflag:$0x1] =	stream.strided.gather [hbm4b:s21+s13], $0x0, s14, s13, $0x38;
	[tilespmem:$0x10400] =	vst v63  }
0x35: {  	s22 =	sand.u32 $0x1FFFFFF0, s23  }
0x36: {  	[tilespmem:s24], [sflag:$0x1] =	stream.linear.gather [hbm4b:s21+s2], $0x20, $0x38;
	[tilespmem:$0x10400] =	vst v63  }
0x37: {  	s26 =	simm.s32 $0x4C0;
	s25 =	spop (v2sf);
	s22 =	sadd.s32 s3, s22  }
0x38: {  	(v2sf) =	vpush v0, $0xB;
	[tilespmem:s26], [sflag:$0x1] =	stream.strided.gather [hbm4b:s22+s13], $0x0, s14, s13, $0x38;
	[tilespmem:$0x10400] =	vst v63  }
0x39: {  	s21 =	sand.u32 $0x1FFFFFF0, s25  }
0x3a: {  	[tilespmem:s26], [sflag:$0x1] =	stream.linear.gather [hbm4b:s22+s2], $0x20, $0x38;
	[tilespmem:$0x10400] =	vst v63  }
0x3b: {  	s29 =	simm.s32 $0x4E0;
	s28 =	spop (v2sf);
	s21 =	sadd.s32 s3, s21  }
0x3c: {  	(v2sf) =	vpush v0, $0xC;
	[tilespmem:s29], [sflag:$0x1] =	stream.strided.gather [hbm4b:s21+s13], $0x0, s14, s13, $0x38;
	[tilespmem:$0x10400] =	vst v63  }
0x3d: {  	s22 =	sand.u32 $0x1FFFFFF0, s28  }
0x3e: {  	[tilespmem:s29], [sflag:$0x1] =	stream.linear.gather [hbm4b:s21+s2], $0x20, $0x38;
	[tilespmem:$0x10400] =	vst v63  }
0x3f: {  	s31 =	simm.s32 $0x500;
	s30 =	spop (v2sf);
	s22 =	sadd.s32 s3, s22  }
0x40: {  	(v2sf) =	vpush v0, $0xD;
	[tilespmem:s31], [sflag:$0x1] =	stream.strided.gather [hbm4b:s22+s13], $0x0, s14, s13, $0x38;
	[tilespmem:$0x10400] =	vst v63  }
0x41: {  	s21 =	sand.u32 $0x1FFFFFF0, s30  }
0x42: {  	[tilespmem:s31], [sflag:$0x1] =	stream.linear.gather [hbm4b:s22+s2], $0x20, $0x38;
	[tilespmem:$0x10400] =	vst v63  }
0x43: {  	s1 =	simm.s32 $0x520;
	s0 =	spop (v2sf);
	s21 =	sadd.s32 s3, s21  }
0x44: {  	(v2sf) =	vpush v0, $0xE;
	[tilespmem:s1], [sflag:$0x1] =	stream.strided.gather [hbm4b:s21+s13], $0x0, s14, s13, $0x38;
	[tilespmem:$0x10400] =	vst v63  }
0x45: {  	s22 =	sand.u32 $0x1FFFFFF0, s0  }
0x46: {  	[tilespmem:s1], [sflag:$0x1] =	stream.linear.gather [hbm4b:s21+s2], $0x20, $0x38;
	[tilespmem:$0x10400] =	vst v63  }
0x47: {  	s18 =	simm.s32 $0x540;
	s16 =	spop (v2sf);
	s22 =	sadd.s32 s3, s22  }
0x48: {  	(v2sf) =	vpush v0, $0xF;
	[tilespmem:s18], [sflag:$0x1] =	stream.strided.gather [hbm4b:s22+s13], $0x0, s14, s13, $0x38;
	[tilespmem:$0x10400] =	vst v63  }
0x49: {  	s21 =	sand.u32 $0x1FFFFFF0, s16  }
0x4a: {  	[tilespmem:s18], [sflag:$0x1] =	stream.linear.gather [hbm4b:s22+s2], $0x20, $0x38;
	[tilespmem:$0x10400] =	vst v63  }
0x4b: {  	s24 =	simm.s32 $0x560;
	s23 =	spop (v2sf);
	s21 =	sadd.s32 s3, s21  }
0x4c: {  	[tilespmem:s24], [sflag:$0x1] =	stream.strided.gather [hbm4b:s21+s13], $0x0, s14, s13, $0x38;
	[tilespmem:$0x10400] =	vst v63  }
0x4d: {  	s22 =	sand.u32 $0x1FFFFFF0, s23  }
0x4e: {  	[tilespmem:s24], [sflag:$0x1] =	stream.linear.gather [hbm4b:s21+s2], $0x20, $0x38;
	[tilespmem:$0x10400] =	vst v63  }
0x4f: {  	s26 =	simm.s32 $0x580;
	s25 =	spop (v2sf);
	s22 =	sadd.s32 s3, s22  }
0x50: {  	[tilespmem:s26], [sflag:$0x1] =	stream.strided.gather [hbm4b:s22+s13], $0x0, s14, s13, $0x38;
	[tilespmem:$0x10400] =	vst v63  }
0x51: {  	s21 =	sand.u32 $0x1FFFFFF0, s25  }
0x52: {  	[tilespmem:s26], [sflag:$0x1] =	stream.linear.gather [hbm4b:s22+s2], $0x20, $0x38;
	[tilespmem:$0x10400] =	vst v63  }
0x53: {  	s29 =	simm.s32 $0x5A0;
	s28 =	spop (v2sf);
	s21 =	sadd.s32 s3, s21  }
0x54: {  	[tilespmem:s29], [sflag:$0x1] =	stream.strided.gather [hbm4b:s21+s13], $0x0, s14, s13, $0x38;
	[tilespmem:$0x10400] =	vst v63  }
0x55: {  	s22 =	sand.u32 $0x1FFFFFF0, s28  }
0x56: {  	[tilespmem:s29], [sflag:$0x1] =	stream.linear.gather [hbm4b:s21+s2], $0x20, $0x38;
	[tilespmem:$0x10400] =	vst v63  }
0x57: {  	s31 =	simm.s32 $0x5C0;
	s30 =	spop (v2sf);
	s22 =	sadd.s32 s3, s22  }
0x58: {  	[tilespmem:s31], [sflag:$0x1] =	stream.strided.gather [hbm4b:s22+s13], $0x0, s14, s13, $0x38;
	[tilespmem:$0x10400] =	vst v63  }
0x59: {  	s23 =	simm.s32 $0x0;
	s24 =	simm.s32 $0x5E0;
	s21 =	sand.u32 $0x1FFFFFF0, s30  }
0x5a: {  	[tilespmem:s31], [sflag:$0x1] =	stream.linear.gather [hbm4b:s22+s2], $0x20, $0x38;
	[tilespmem:$0x10400] =	vst v63  }
0x5b: {  	s25 =	sadd.s32 s3, s21;
	s21 =	simm.s32 $0x0;
	s22 =	simm.s32 $0x800  }
0x5c: {  	[tilespmem:s24], [sflag:$0x1] =	stream.strided.gather [hbm4b:s25+s13], $0x0, s14, s13, $0x38;
	[tilespmem:$0x10400] =	vst v63  }
.LBB2_2:
0x5d: {  	p0 =	sne.s32 s22, $0xF800  }
0x5e: {  	s23 =	sadd.s32 $0x10, s23;
	s26 =	smov.u32 s22;
	s22 =	sadd.s32 $0x800, s22  }
0x5f: {  	[tilespmem:s24], [sflag:$0x1] =	stream.linear.gather [hbm4b:s25+s21], $0x20, $0x38;
	[tilespmem:$0x10400] =	vst v63  }
0x60: {  	v0 =	vld [tilespmem:s23+$0x0];
	_ =	sdelay $0x4  }
0x61: {  	v0 =	vshll.u32 v0, $0x4  }
0x62: {  	(v2sf) =	vpush v0, $0x0  }
0x63: {  	(v2sf) =	vpush v0, $0x1  }
0x64: {  	(v2sf) =	vpush v0, $0x2;
	_ =	sdelay $0x2  }
0x65: {  	(v2sf) =	vpush v0, $0x3;
	_ =	sdelay $0x1  }
0x66: {  	(v2sf) =	vpush v0, $0x4;
	_ =	sdelay $0x1  }
0x67: {  	(v2sf) =	vpush v0, $0x5;
	_ =	sdelay $0x1  }
0x68: {  	(v2sf) =	vpush v0, $0x6;
	_ =	sdelay $0x1  }
0x69: {  	(v2sf) =	vpush v0, $0x7;
	_ =	sdelay $0x1  }
0x6a: {  	s21 =	simm.s32 $0x0;
	s25 =	spop (v2sf);
	(v2sf) =	vpush v0, $0x8  }
0x6b: {  	s24 =	sshra.s32 s26, $0x2;
	s25 =	sand.u32 $0x1FFFFFF0, s25;
	s26 =	spop (v2sf)  }
0x6c: {  	s28 =	sadd.s32 $0x420, s24;
	s25 =	sadd.s32 s3, s25;
	s29 =	spop (v2sf);
	(v2sf) =	vpush v0, $0x9  }
0x6d: {  	s30 =	sadd.s32 $0x400, s24;
	s26 =	sand.u32 $0x1FFFFFF0, s26;
	s29 =	sand.u32 $0x1FFFFFF0, s29  }
0x6e: {  	[tilespmem:s30], [sflag:$0x1] =	stream.strided.gather [hbm4b:s25+s13], $0x0, s14, s13, $0x38;
	(v2sf) =	vpush v0, $0xA;
	[tilespmem:$0x10400] =	vst v63  }
0x6f: {  	s31 =	spop (v2sf)  }
0x70: {  	[tilespmem:s30], [sflag:$0x1] =	stream.linear.gather [hbm4b:s25+s21], $0x20, $0x38;
	(v2sf) =	vpush v0, $0xB;
	[tilespmem:$0x10400] =	vst v63  }
0x71: {  	s25 =	sadd.s32 s3, s26;
	s26 =	sand.u32 $0x1FFFFFF0, s31;
	s30 =	spop (v2sf)  }
0x72: {  	[tilespmem:s28], [sflag:$0x1] =	stream.strided.gather [hbm4b:s25+s13], $0x0, s14, s13, $0x38;
	(v2sf) =	vpush v0, $0xC;
	[tilespmem:$0x10400] =	vst v63  }
0x73: {  	s31 =	sadd.s32 $0x440, s24;
	s30 =	sand.u32 $0x1FFFFFF0, s30;
	s1 =	spop (v2sf)  }
0x74: {  	[tilespmem:s28], [sflag:$0x1] =	stream.linear.gather [hbm4b:s25+s21], $0x20, $0x38;
	[tilespmem:$0x10400] =	vst v63  }
0x75: {  	s25 =	sadd.s32 s3, s29;
	s1 =	sand.u32 $0x1FFFFFF0, s1;
	s28 =	spop (v2sf)  }
0x76: {  	[tilespmem:s31], [sflag:$0x1] =	stream.strided.gather [hbm4b:s25+s13], $0x0, s14, s13, $0x38;
	(v2sf) =	vpush v0, $0xD;
	[tilespmem:$0x10400] =	vst v63  }
0x77: {  	s29 =	sadd.s32 $0x460, s24;
	s28 =	sand.u32 $0x1FFFFFF0, s28;
	s0 =	spop (v2sf)  }
0x78: {  	[tilespmem:s31], [sflag:$0x1] =	stream.linear.gather [hbm4b:s25+s21], $0x20, $0x38;
	[tilespmem:$0x10400] =	vst v63  }
0x79: {  	s25 =	sadd.s32 s3, s26;
	s0 =	sand.u32 $0x1FFFFFF0, s0;
	s26 =	spop (v2sf)  }
0x7a: {  	[tilespmem:s29], [sflag:$0x1] =	stream.strided.gather [hbm4b:s25+s13], $0x0, s14, s13, $0x38;
	(v2sf) =	vpush v0, $0xE;
	[tilespmem:$0x10400] =	vst v63  }
0x7b: {  	s31 =	sadd.s32 $0x480, s24;
	s26 =	sand.u32 $0x1FFFFFF0, s26;
	s16 =	spop (v2sf)  }
0x7c: {  	[tilespmem:s29], [sflag:$0x1] =	stream.linear.gather [hbm4b:s25+s21], $0x20, $0x38;
	[tilespmem:$0x10400] =	vst v63  }
0x7d: {  	s25 =	sadd.s32 s3, s30;
	s16 =	sand.u32 $0x1FFFFFF0, s16;
	s29 =	spop (v2sf)  }
0x7e: {  	[tilespmem:s31], [sflag:$0x1] =	stream.strided.gather [hbm4b:s25+s13], $0x0, s14, s13, $0x38;
	(v2sf) =	vpush v0, $0xF;
	[tilespmem:$0x10400] =	vst v63  }
0x7f: {  	s30 =	sadd.s32 $0x4A0, s24;
	s29 =	sand.u32 $0x1FFFFFF0, s29;
	s18 =	spop (v2sf)  }
0x80: {  	[tilespmem:s31], [sflag:$0x1] =	stream.linear.gather [hbm4b:s25+s21], $0x20, $0x38;
	[tilespmem:$0x10400] =	vst v63  }
0x81: {  	s1 =	sadd.s32 s3, s1;
	s18 =	sand.u32 $0x1FFFFFF0, s18;
	s25 =	spop (v2sf)  }
0x82: {  	[tilespmem:s30], [sflag:$0x1] =	stream.strided.gather [hbm4b:s1+s13], $0x0, s14, s13, $0x38;
	[tilespmem:$0x10400] =	vst v63  }
0x83: {  	s28 =	sadd.s32 s3, s28;
	s31 =	sadd.s32 $0x4C0, s24;
	s25 =	sand.u32 $0x1FFFFFF0, s25  }
0x84: {  	[tilespmem:s30], [sflag:$0x1] =	stream.linear.gather [hbm4b:s1+s21], $0x20, $0x38;
	[tilespmem:$0x10400] =	vst v63  }
0x85: {  	s1 =	spop (v2sf)  }
0x86: {  	[tilespmem:s31], [sflag:$0x1] =	stream.strided.gather [hbm4b:s28+s13], $0x0, s14, s13, $0x38;
	[tilespmem:$0x10400] =	vst v63  }
0x87: {  	s0 =	sadd.s32 s3, s0;
	s30 =	sadd.s32 $0x4E0, s24;
	s1 =	sand.u32 $0x1FFFFFF0, s1  }
0x88: {  	[tilespmem:s31], [sflag:$0x1] =	stream.linear.gather [hbm4b:s28+s21], $0x20, $0x38;
	[tilespmem:$0x10400] =	vst v63  }
0x89: {  	s28 =	spop (v2sf)  }
0x8a: {  	[tilespmem:s30], [sflag:$0x1] =	stream.strided.gather [hbm4b:s0+s13], $0x0, s14, s13, $0x38;
	[tilespmem:$0x10400] =	vst v63  }
0x8b: {  	s26 =	sadd.s32 s3, s26;
	s31 =	sadd.s32 $0x500, s24;
	s28 =	sand.u32 $0x1FFFFFF0, s28  }
0x8c: {  	[tilespmem:s30], [sflag:$0x1] =	stream.linear.gather [hbm4b:s0+s21], $0x20, $0x38;
	[tilespmem:$0x10400] =	vst v63  }
0x8d: {  	s0 =	spop (v2sf)  }
0x8e: {  	[tilespmem:s31], [sflag:$0x1] =	stream.strided.gather [hbm4b:s26+s13], $0x0, s14, s13, $0x38;
	[tilespmem:$0x10400] =	vst v63  }
0x8f: {  	s16 =	sadd.s32 s3, s16;
	s30 =	sadd.s32 $0x520, s24;
	s0 =	sand.u32 $0x1FFFFFF0, s0  }
0x90: {  	[tilespmem:s31], [sflag:$0x1] =	stream.linear.gather [hbm4b:s26+s21], $0x20, $0x38;
	[tilespmem:$0x10400] =	vst v63  }
0x91: {  	_ = 	snop  }
0x92: {  	[tilespmem:s30], [sflag:$0x1] =	stream.strided.gather [hbm4b:s16+s13], $0x0, s14, s13, $0x38;
	[tilespmem:$0x10400] =	vst v63  }
0x93: {  	s29 =	sadd.s32 s3, s29;
	s26 =	sadd.s32 $0x540, s24  }
0x94: {  	[tilespmem:s30], [sflag:$0x1] =	stream.linear.gather [hbm4b:s16+s21], $0x20, $0x38;
	[tilespmem:$0x10400] =	vst v63  }
0x95: {  	_ = 	snop  }
0x96: {  	[tilespmem:s26], [sflag:$0x1] =	stream.strided.gather [hbm4b:s29+s13], $0x0, s14, s13, $0x38;
	[tilespmem:$0x10400] =	vst v63  }
0x97: {  	s18 =	sadd.s32 s3, s18;
	s16 =	sadd.s32 $0x560, s24  }
0x98: {  	[tilespmem:s26], [sflag:$0x1] =	stream.linear.gather [hbm4b:s29+s21], $0x20, $0x38;
	[tilespmem:$0x10400] =	vst v63  }
0x99: {  	_ = 	snop  }
0x9a: {  	[tilespmem:s16], [sflag:$0x1] =	stream.strided.gather [hbm4b:s18+s13], $0x0, s14, s13, $0x38;
	[tilespmem:$0x10400] =	vst v63  }
0x9b: {  	s25 =	sadd.s32 s3, s25;
	s26 =	sadd.s32 $0x580, s24  }
0x9c: {  	[tilespmem:s16], [sflag:$0x1] =	stream.linear.gather [hbm4b:s18+s21], $0x20, $0x38;
	[tilespmem:$0x10400] =	vst v63  }
0x9d: {  	_ = 	snop  }
0x9e: {  	[tilespmem:s26], [sflag:$0x1] =	stream.strided.gather [hbm4b:s25+s13], $0x0, s14, s13, $0x38;
	[tilespmem:$0x10400] =	vst v63  }
0x9f: {  	s1 =	sadd.s32 s3, s1;
	s16 =	sadd.s32 $0x5A0, s24  }
0xa0: {  	[tilespmem:s26], [sflag:$0x1] =	stream.linear.gather [hbm4b:s25+s21], $0x20, $0x38;
	[tilespmem:$0x10400] =	vst v63  }
0xa1: {  	_ = 	snop  }
0xa2: {  	[tilespmem:s16], [sflag:$0x1] =	stream.strided.gather [hbm4b:s1+s13], $0x0, s14, s13, $0x38;
	[tilespmem:$0x10400] =	vst v63  }
0xa3: {  	s18 =	sadd.s32 $0x5C0, s24;
	s26 =	sadd.s32 s3, s28  }
0xa4: {  	[tilespmem:s16], [sflag:$0x1] =	stream.linear.gather [hbm4b:s1+s21], $0x20, $0x38;
	[tilespmem:$0x10400] =	vst v63  }
0xa5: {  	_ = 	snop  }
0xa6: {  	[tilespmem:s18], [sflag:$0x1] =	stream.strided.gather [hbm4b:s26+s13], $0x0, s14, s13, $0x38;
	[tilespmem:$0x10400] =	vst v63  }
.Ltmp0:
0xa7: {  	_ = 	snop;
	(pc) =	sbr.rel @p0 .LBB2_2-.Ltmp0, $4  }
0xa8: {  	s24 =	sadd.s32 $0x5E0, s24;
	s25 =	sadd.s32 s3, s0  }
0xa9: {  	[tilespmem:s18], [sflag:$0x1] =	stream.linear.gather [hbm4b:s26+s21], $0x20, $0x38;
	[tilespmem:$0x10400] =	vst v63  }
0xaa: {  	_ = 	snop  }
0xab: {  	[tilespmem:s24], [sflag:$0x1] =	stream.strided.gather [hbm4b:s25+s13], $0x0, s14, s13, $0x38;
	[tilespmem:$0x10400] =	vst v63  }
0xac: {  	[tilespmem:s24], [sflag:$0x1] =	stream.linear.gather [hbm4b:s25+s21], $0x20, $0x38;
	[tilespmem:$0x10400] =	vst v63  }
0xad: {  	s22 =	simm.s32 $0x200  }
0xae: {  	v0 =	vld [tilespmem:s22+$0x0];
	_ =	sdelay $0x4  }
0xaf: {  	v0 =	vshll.u32 v0, $0x4  }
0xb0: {  	(v2sf) =	vpush v0, $0x0;
	_ =	sdelay $0x1  }
0xb1: {  	(v2sf) =	vpush v0, $0x1;
	_ =	sdelay $0x3  }
0xb2: {  	(v2sf) =	vpush v0, $0x2;
	_ =	sdelay $0x3  }
0xb3: {  	(v2sf) =	vpush v0, $0x3;
	_ =	sdelay $0x3  }
0xb4: {  	(v2sf) =	vpush v0, $0x4  }
0xb5: {  	s0 =	spop (v2sf)  }
0xb6: {  	s0 =	sand.u32 $0x1FFFFFF0, s0  }
0xb7: {  	s16 =	simm.s32 $0x4400;
	s1 =	spop (v2sf);
	s0 =	sadd.s32 s4, s0  }
0xb8: {  	(v2sf) =	vpush v0, $0x5;
	[tilespmem:s16], [sflag:$0x1] =	stream.strided.gather [hbm4b:s0+s13], $0x0, s14, s13, $0x38;
	[tilespmem:$0x10400] =	vst v63  }
0xb9: {  	s1 =	sand.u32 $0x1FFFFFF0, s1  }
0xba: {  	[tilespmem:s16], [sflag:$0x1] =	stream.linear.gather [hbm4b:s0+s21], $0x20, $0x38;
	[tilespmem:$0x10400] =	vst v63  }
0xbb: {  	s23 =	simm.s32 $0x4420;
	s24 =	spop (v2sf);
	s1 =	sadd.s32 s4, s1  }
0xbc: {  	(v2sf) =	vpush v0, $0x6;
	[tilespmem:s23], [sflag:$0x1] =	stream.strided.gather [hbm4b:s1+s13], $0x0, s14, s13, $0x38;
	[tilespmem:$0x10400] =	vst v63  }
0xbd: {  	s16 =	sand.u32 $0x1FFFFFF0, s24  }
0xbe: {  	[tilespmem:s23], [sflag:$0x1] =	stream.linear.gather [hbm4b:s1+s21], $0x20, $0x38;
	[tilespmem:$0x10400] =	vst v63  }
0xbf: {  	s26 =	simm.s32 $0x4440;
	s25 =	spop (v2sf);
	s16 =	sadd.s32 s4, s16  }
0xc0: {  	(v2sf) =	vpush v0, $0x7;
	[tilespmem:s26], [sflag:$0x1] =	stream.strided.gather [hbm4b:s16+s13], $0x0, s14, s13, $0x38;
	[tilespmem:$0x10400] =	vst v63  }
0xc1: {  	s0 =	sand.u32 $0x1FFFFFF0, s25  }
0xc2: {  	[tilespmem:s26], [sflag:$0x1] =	stream.linear.gather [hbm4b:s16+s21], $0x20, $0x38;
	[tilespmem:$0x10400] =	vst v63  }
0xc3: {  	s29 =	simm.s32 $0x4460;
	s28 =	spop (v2sf);
	s0 =	sadd.s32 s4, s0  }
0xc4: {  	(v2sf) =	vpush v0, $0x8;
	[tilespmem:s29], [sflag:$0x1] =	stream.strided.gather [hbm4b:s0+s13], $0x0, s14, s13, $0x38;
	[tilespmem:$0x10400] =	vst v63  }
0xc5: {  	s1 =	sand.u32 $0x1FFFFFF0, s28  }
0xc6: {  	[tilespmem:s29], [sflag:$0x1] =	stream.linear.gather [hbm4b:s0+s21], $0x20, $0x38;
	[tilespmem:$0x10400] =	vst v63  }
0xc7: {  	s31 =	simm.s32 $0x4480;
	s1 =	sadd.s32 s4, s1;
	s30 =	spop (v2sf)  }
0xc8: {  	(v2sf) =	vpush v0, $0x9;
	[tilespmem:s31], [sflag:$0x1] =	stream.strided.gather [hbm4b:s1+s13], $0x0, s14, s13, $0x38;
	[tilespmem:$0x10400] =	vst v63  }
0xc9: {  	s0 =	sand.u32 $0x1FFFFFF0, s30  }
0xca: {  	[tilespmem:s31], [sflag:$0x1] =	stream.linear.gather [hbm4b:s1+s21], $0x20, $0x38;
	[tilespmem:$0x10400] =	vst v63  }
0xcb: {  	s18 =	simm.s32 $0x44A0;
	s16 =	spop (v2sf);
	s0 =	sadd.s32 s4, s0  }
0xcc: {  	(v2sf) =	vpush v0, $0xA;
	[tilespmem:s18], [sflag:$0x1] =	stream.strided.gather [hbm4b:s0+s13], $0x0, s14, s13, $0x38;
	[tilespmem:$0x10400] =	vst v63  }
0xcd: {  	s1 =	sand.u32 $0x1FFFFFF0, s16  }
0xce: {  	[tilespmem:s18], [sflag:$0x1] =	stream.linear.gather [hbm4b:s0+s21], $0x20, $0x38;
	[tilespmem:$0x10400] =	vst v63  }
0xcf: {  	s24 =	simm.s32 $0x44C0;
	s23 =	spop (v2sf);
	s1 =	sadd.s32 s4, s1  }
0xd0: {  	(v2sf) =	vpush v0, $0xB;
	[tilespmem:s24], [sflag:$0x1] =	stream.strided.gather [hbm4b:s1+s13], $0x0, s14, s13, $0x38;
	[tilespmem:$0x10400] =	vst v63  }
0xd1: {  	s0 =	sand.u32 $0x1FFFFFF0, s23  }
0xd2: {  	[tilespmem:s24], [sflag:$0x1] =	stream.linear.gather [hbm4b:s1+s21], $0x20, $0x38;
	[tilespmem:$0x10400] =	vst v63  }
0xd3: {  	s26 =	simm.s32 $0x44E0;
	s25 =	spop (v2sf);
	s0 =	sadd.s32 s4, s0  }
0xd4: {  	(v2sf) =	vpush v0, $0xC;
	[tilespmem:s26], [sflag:$0x1] =	stream.strided.gather [hbm4b:s0+s13], $0x0, s14, s13, $0x38;
	[tilespmem:$0x10400] =	vst v63  }
0xd5: {  	s1 =	sand.u32 $0x1FFFFFF0, s25  }
0xd6: {  	[tilespmem:s26], [sflag:$0x1] =	stream.linear.gather [hbm4b:s0+s21], $0x20, $0x38;
	[tilespmem:$0x10400] =	vst v63  }
0xd7: {  	s29 =	simm.s32 $0x4500;
	s28 =	spop (v2sf);
	s1 =	sadd.s32 s4, s1  }
0xd8: {  	(v2sf) =	vpush v0, $0xD;
	[tilespmem:s29], [sflag:$0x1] =	stream.strided.gather [hbm4b:s1+s13], $0x0, s14, s13, $0x38;
	[tilespmem:$0x10400] =	vst v63  }
0xd9: {  	s0 =	sand.u32 $0x1FFFFFF0, s28  }
0xda: {  	[tilespmem:s29], [sflag:$0x1] =	stream.linear.gather [hbm4b:s1+s21], $0x20, $0x38;
	[tilespmem:$0x10400] =	vst v63  }
0xdb: {  	s31 =	simm.s32 $0x4520;
	s30 =	spop (v2sf);
	s0 =	sadd.s32 s4, s0  }
0xdc: {  	(v2sf) =	vpush v0, $0xE;
	[tilespmem:s31], [sflag:$0x1] =	stream.strided.gather [hbm4b:s0+s13], $0x0, s14, s13, $0x38;
	[tilespmem:$0x10400] =	vst v63  }
0xdd: {  	s1 =	sand.u32 $0x1FFFFFF0, s30  }
0xde: {  	[tilespmem:s31], [sflag:$0x1] =	stream.linear.gather [hbm4b:s0+s21], $0x20, $0x38;
	[tilespmem:$0x10400] =	vst v63  }
0xdf: {  	s18 =	simm.s32 $0x4540;
	s16 =	spop (v2sf);
	s1 =	sadd.s32 s4, s1  }
0xe0: {  	(v2sf) =	vpush v0, $0xF;
	[tilespmem:s18], [sflag:$0x1] =	stream.strided.gather [hbm4b:s1+s13], $0x0, s14, s13, $0x38;
	[tilespmem:$0x10400] =	vst v63  }
0xe1: {  	s0 =	sand.u32 $0x1FFFFFF0, s16  }
0xe2: {  	[tilespmem:s18], [sflag:$0x1] =	stream.linear.gather [hbm4b:s1+s21], $0x20, $0x38;
	[tilespmem:$0x10400] =	vst v63  }
0xe3: {  	s24 =	simm.s32 $0x4560;
	s23 =	spop (v2sf);
	s0 =	sadd.s32 s4, s0  }
0xe4: {  	[tilespmem:s24], [sflag:$0x1] =	stream.strided.gather [hbm4b:s0+s13], $0x0, s14, s13, $0x38;
	[tilespmem:$0x10400] =	vst v63  }
0xe5: {  	s1 =	sand.u32 $0x1FFFFFF0, s23  }
0xe6: {  	[tilespmem:s24], [sflag:$0x1] =	stream.linear.gather [hbm4b:s0+s21], $0x20, $0x38;
	[tilespmem:$0x10400] =	vst v63  }
0xe7: {  	s26 =	simm.s32 $0x4580;
	s25 =	spop (v2sf);
	s1 =	sadd.s32 s4, s1  }
0xe8: {  	[tilespmem:s26], [sflag:$0x1] =	stream.strided.gather [hbm4b:s1+s13], $0x0, s14, s13, $0x38;
	[tilespmem:$0x10400] =	vst v63  }
0xe9: {  	s0 =	sand.u32 $0x1FFFFFF0, s25  }
0xea: {  	[tilespmem:s26], [sflag:$0x1] =	stream.linear.gather [hbm4b:s1+s21], $0x20, $0x38;
	[tilespmem:$0x10400] =	vst v63  }
0xeb: {  	s29 =	simm.s32 $0x45A0;
	s28 =	spop (v2sf);
	s0 =	sadd.s32 s4, s0  }
0xec: {  	[tilespmem:s29], [sflag:$0x1] =	stream.strided.gather [hbm4b:s0+s13], $0x0, s14, s13, $0x38;
	[tilespmem:$0x10400] =	vst v63  }
0xed: {  	s1 =	sand.u32 $0x1FFFFFF0, s28  }
0xee: {  	[tilespmem:s29], [sflag:$0x1] =	stream.linear.gather [hbm4b:s0+s21], $0x20, $0x38;
	[tilespmem:$0x10400] =	vst v63  }
0xef: {  	s31 =	simm.s32 $0x45C0;
	s30 =	spop (v2sf);
	s1 =	sadd.s32 s4, s1  }
0xf0: {  	[tilespmem:s31], [sflag:$0x1] =	stream.strided.gather [hbm4b:s1+s13], $0x0, s14, s13, $0x38;
	[tilespmem:$0x10400] =	vst v63  }
0xf1: {  	s0 =	sand.u32 $0x1FFFFFF0, s30  }
0xf2: {  	[tilespmem:s31], [sflag:$0x1] =	stream.linear.gather [hbm4b:s1+s21], $0x20, $0x38;
	[tilespmem:$0x10400] =	vst v63  }
0xf3: {  	s23 =	simm.s32 $0x800;
	s24 =	simm.s32 $0x45E0;
	s25 =	sadd.s32 s4, s0  }
0xf4: {  	[tilespmem:s24], [sflag:$0x1] =	stream.strided.gather [hbm4b:s25+s13], $0x0, s14, s13, $0x38;
	[tilespmem:$0x10400] =	vst v63  }
.LBB2_4:
0xf5: {  	p0 =	sne.s32 s23, $0xF800  }
0xf6: {  	s22 =	sadd.s32 $0x10, s22;
	s0 =	smov.u32 s23;
	s23 =	sadd.s32 $0x800, s23  }
0xf7: {  	[tilespmem:s24], [sflag:$0x1] =	stream.linear.gather [hbm4b:s25+s21], $0x20, $0x38;
	[tilespmem:$0x10400] =	vst v63  }
0xf8: {  	v0 =	vld [tilespmem:s22+$0x0];
	_ =	sdelay $0x4  }
0xf9: {  	v0 =	vshll.u32 v0, $0x4  }
0xfa: {  	(v2sf) =	vpush v0, $0x0  }
0xfb: {  	(v2sf) =	vpush v0, $0x1  }
0xfc: {  	(v2sf) =	vpush v0, $0x2;
	_ =	sdelay $0x2  }
0xfd: {  	(v2sf) =	vpush v0, $0x3;
	_ =	sdelay $0x1  }
0xfe: {  	(v2sf) =	vpush v0, $0x4;
	_ =	sdelay $0x1  }
0xff: {  	(v2sf) =	vpush v0, $0x5;
	_ =	sdelay $0x1  }
0x100: {  	(v2sf) =	vpush v0, $0x6;
	_ =	sdelay $0x1  }
0x101: {  	(v2sf) =	vpush v0, $0x7;
	_ =	sdelay $0x1  }
0x102: {  	s1 =	spop (v2sf);
	(v2sf) =	vpush v0, $0x8  }
0x103: {  	s24 =	sshra.s32 s0, $0x2;
	s0 =	sand.u32 $0x1FFFFFF0, s1;
	s1 =	spop (v2sf)  }
0x104: {  	s16 =	sadd.s32 $0x4420, s24;
	s0 =	sadd.s32 s4, s0;
	s18 =	spop (v2sf);
	(v2sf) =	vpush v0, $0x9  }
0x105: {  	s25 =	sadd.s32 $0x4400, s24;
	s1 =	sand.u32 $0x1FFFFFF0, s1;
	s18 =	sand.u32 $0x1FFFFFF0, s18  }
0x106: {  	[tilespmem:s25], [sflag:$0x1] =	stream.strided.gather [hbm4b:s0+s13], $0x0, s14, s13, $0x38;
	(v2sf) =	vpush v0, $0xA;
	[tilespmem:$0x10400] =	vst v63  }
0x107: {  	s26 =	spop (v2sf)  }
0x108: {  	[tilespmem:s25], [sflag:$0x1] =	stream.linear.gather [hbm4b:s0+s21], $0x20, $0x38;
	(v2sf) =	vpush v0, $0xB;
	[tilespmem:$0x10400] =	vst v63  }
0x109: {  	s0 =	sadd.s32 s4, s1;
	s1 =	sand.u32 $0x1FFFFFF0, s26;
	s25 =	spop (v2sf)  }
0x10a: {  	[tilespmem:s16], [sflag:$0x1] =	stream.strided.gather [hbm4b:s0+s13], $0x0, s14, s13, $0x38;
	(v2sf) =	vpush v0, $0xC;
	[tilespmem:$0x10400] =	vst v63  }
0x10b: {  	s26 =	sadd.s32 $0x4440, s24;
	s25 =	sand.u32 $0x1FFFFFF0, s25;
	s28 =	spop (v2sf)  }
0x10c: {  	[tilespmem:s16], [sflag:$0x1] =	stream.linear.gather [hbm4b:s0+s21], $0x20, $0x38;
	[tilespmem:$0x10400] =	vst v63  }
0x10d: {  	s0 =	sadd.s32 s4, s18;
	s16 =	sand.u32 $0x1FFFFFF0, s28;
	s18 =	spop (v2sf)  }
0x10e: {  	[tilespmem:s26], [sflag:$0x1] =	stream.strided.gather [hbm4b:s0+s13], $0x0, s14, s13, $0x38;
	(v2sf) =	vpush v0, $0xD;
	[tilespmem:$0x10400] =	vst v63  }
0x10f: {  	s28 =	sadd.s32 $0x4460, s24;
	s18 =	sand.u32 $0x1FFFFFF0, s18;
	s29 =	spop (v2sf)  }
0x110: {  	[tilespmem:s26], [sflag:$0x1] =	stream.linear.gather [hbm4b:s0+s21], $0x20, $0x38;
	[tilespmem:$0x10400] =	vst v63  }
0x111: {  	s0 =	sadd.s32 s4, s1;
	s1 =	sand.u32 $0x1FFFFFF0, s29;
	s26 =	spop (v2sf)  }
0x112: {  	[tilespmem:s28], [sflag:$0x1] =	stream.strided.gather [hbm4b:s0+s13], $0x0, s14, s13, $0x38;
	(v2sf) =	vpush v0, $0xE;
	[tilespmem:$0x10400] =	vst v63  }
0x113: {  	s29 =	sadd.s32 $0x4480, s24;
	s26 =	sand.u32 $0x1FFFFFF0, s26;
	s30 =	spop (v2sf)  }
0x114: {  	[tilespmem:s28], [sflag:$0x1] =	stream.linear.gather [hbm4b:s0+s21], $0x20, $0x38;
	[tilespmem:$0x10400] =	vst v63  }
0x115: {  	s0 =	sadd.s32 s4, s25;
	s25 =	sand.u32 $0x1FFFFFF0, s30;
	s28 =	spop (v2sf)  }
0x116: {  	[tilespmem:s29], [sflag:$0x1] =	stream.strided.gather [hbm4b:s0+s13], $0x0, s14, s13, $0x38;
	(v2sf) =	vpush v0, $0xF;
	[tilespmem:$0x10400] =	vst v63  }
0x117: {  	s30 =	sadd.s32 $0x44A0, s24;
	s28 =	sand.u32 $0x1FFFFFF0, s28;
	s31 =	spop (v2sf)  }
0x118: {  	[tilespmem:s29], [sflag:$0x1] =	stream.linear.gather [hbm4b:s0+s21], $0x20, $0x38;
	[tilespmem:$0x10400] =	vst v63  }
0x119: {  	s0 =	sadd.s32 s4, s16;
	s16 =	sand.u32 $0x1FFFFFF0, s31;
	s29 =	spop (v2sf)  }
0x11a: {  	[tilespmem:s30], [sflag:$0x1] =	stream.strided.gather [hbm4b:s0+s13], $0x0, s14, s13, $0x38;
	[tilespmem:$0x10400] =	vst v63  }
0x11b: {  	s18 =	sadd.s32 s4, s18;
	s31 =	sadd.s32 $0x44C0, s24;
	s29 =	sand.u32 $0x1FFFFFF0, s29  }
0x11c: {  	[tilespmem:s30], [sflag:$0x1] =	stream.linear.gather [hbm4b:s0+s21], $0x20, $0x38;
	[tilespmem:$0x10400] =	vst v63  }
0x11d: {  	s0 =	spop (v2sf)  }
0x11e: {  	[tilespmem:s31], [sflag:$0x1] =	stream.strided.gather [hbm4b:s18+s13], $0x0, s14, s13, $0x38;
	[tilespmem:$0x10400] =	vst v63  }
0x11f: {  	s1 =	sadd.s32 s4, s1;
	s30 =	sadd.s32 $0x44E0, s24;
	s0 =	sand.u32 $0x1FFFFFF0, s0  }
0x120: {  	[tilespmem:s31], [sflag:$0x1] =	stream.linear.gather [hbm4b:s18+s21], $0x20, $0x38;
	[tilespmem:$0x10400] =	vst v63  }
0x121: {  	s18 =	spop (v2sf)  }
0x122: {  	[tilespmem:s30], [sflag:$0x1] =	stream.strided.gather [hbm4b:s1+s13], $0x0, s14, s13, $0x38;
	[tilespmem:$0x10400] =	vst v63  }
0x123: {  	s26 =	sadd.s32 s4, s26;
	s31 =	sadd.s32 $0x4500, s24;
	s18 =	sand.u32 $0x1FFFFFF0, s18  }
0x124: {  	[tilespmem:s30], [sflag:$0x1] =	stream.linear.gather [hbm4b:s1+s21], $0x20, $0x38;
	[tilespmem:$0x10400] =	vst v63  }
0x125: {  	s1 =	spop (v2sf)  }
0x126: {  	[tilespmem:s31], [sflag:$0x1] =	stream.strided.gather [hbm4b:s26+s13], $0x0, s14, s13, $0x38;
	[tilespmem:$0x10400] =	vst v63  }
0x127: {  	s25 =	sadd.s32 s4, s25;
	s30 =	sadd.s32 $0x4520, s24;
	s1 =	sand.u32 $0x1FFFFFF0, s1  }
0x128: {  	[tilespmem:s31], [sflag:$0x1] =	stream.linear.gather [hbm4b:s26+s21], $0x20, $0x38;
	[tilespmem:$0x10400] =	vst v63  }
0x129: {  	_ = 	snop  }
0x12a: {  	[tilespmem:s30], [sflag:$0x1] =	stream.strided.gather [hbm4b:s25+s13], $0x0, s14, s13, $0x38;
	[tilespmem:$0x10400] =	vst v63  }
0x12b: {  	s28 =	sadd.s32 s4, s28;
	s26 =	sadd.s32 $0x4540, s24  }
0x12c: {  	[tilespmem:s30], [sflag:$0x1] =	stream.linear.gather [hbm4b:s25+s21], $0x20, $0x38;
	[tilespmem:$0x10400] =	vst v63  }
0x12d: {  	_ = 	snop  }
0x12e: {  	[tilespmem:s26], [sflag:$0x1] =	stream.strided.gather [hbm4b:s28+s13], $0x0, s14, s13, $0x38;
	[tilespmem:$0x10400] =	vst v63  }
0x12f: {  	s16 =	sadd.s32 s4, s16;
	s25 =	sadd.s32 $0x4560, s24  }
0x130: {  	[tilespmem:s26], [sflag:$0x1] =	stream.linear.gather [hbm4b:s28+s21], $0x20, $0x38;
	[tilespmem:$0x10400] =	vst v63  }
0x131: {  	_ = 	snop  }
0x132: {  	[tilespmem:s25], [sflag:$0x1] =	stream.strided.gather [hbm4b:s16+s13], $0x0, s14, s13, $0x38;
	[tilespmem:$0x10400] =	vst v63  }
0x133: {  	s26 =	sadd.s32 $0x4580, s24;
	s28 =	sadd.s32 s4, s29  }
0x134: {  	[tilespmem:s25], [sflag:$0x1] =	stream.linear.gather [hbm4b:s16+s21], $0x20, $0x38;
	[tilespmem:$0x10400] =	vst v63  }
0x135: {  	_ = 	snop  }
0x136: {  	[tilespmem:s26], [sflag:$0x1] =	stream.strided.gather [hbm4b:s28+s13], $0x0, s14, s13, $0x38;
	[tilespmem:$0x10400] =	vst v63  }
0x137: {  	s0 =	sadd.s32 s4, s0;
	s16 =	sadd.s32 $0x45A0, s24  }
0x138: {  	[tilespmem:s26], [sflag:$0x1] =	stream.linear.gather [hbm4b:s28+s21], $0x20, $0x38;
	[tilespmem:$0x10400] =	vst v63  }
0x139: {  	_ = 	snop  }
0x13a: {  	[tilespmem:s16], [sflag:$0x1] =	stream.strided.gather [hbm4b:s0+s13], $0x0, s14, s13, $0x38;
	[tilespmem:$0x10400] =	vst v63  }
0x13b: {  	s18 =	sadd.s32 s4, s18;
	s26 =	sadd.s32 $0x45C0, s24  }
0x13c: {  	[tilespmem:s16], [sflag:$0x1] =	stream.linear.gather [hbm4b:s0+s21], $0x20, $0x38;
	[tilespmem:$0x10400] =	vst v63  }
0x13d: {  	_ = 	snop  }
0x13e: {  	[tilespmem:s26], [sflag:$0x1] =	stream.strided.gather [hbm4b:s18+s13], $0x0, s14, s13, $0x38;
	[tilespmem:$0x10400] =	vst v63  }
.Ltmp1:
0x13f: {  	_ = 	snop;
	(pc) =	sbr.rel @p0 .LBB2_4-.Ltmp1, $4  }
0x140: {  	s25 =	sadd.s32 s4, s1;
	s24 =	sadd.s32 $0x45E0, s24  }
0x141: {  	[tilespmem:s26], [sflag:$0x1] =	stream.linear.gather [hbm4b:s18+s21], $0x20, $0x38;
	[tilespmem:$0x10400] =	vst v63  }
0x142: {  	_ = 	snop  }
0x143: {  	[tilespmem:s24], [sflag:$0x1] =	stream.strided.gather [hbm4b:s25+s13], $0x0, s14, s13, $0x38;
	[tilespmem:$0x10400] =	vst v63  }
0x144: {  	[tilespmem:s24], [sflag:$0x1] =	stream.linear.gather [hbm4b:s25+s21], $0x20, $0x38;
	[tilespmem:$0x10400] =	vst v63  }
0x145: {  	v0 =	vld [tilespmem:s21+$0x0];
	_ =	sdelay $0x4  }
0x146: {  	v0 =	vshll.u32 v0, $0x4  }
0x147: {  	(v2sf) =	vpush v0, $0x0;
	_ =	sdelay $0x1  }
0x148: {  	(v2sf) =	vpush v0, $0x1;
	_ =	sdelay $0x3  }
0x149: {  	(v2sf) =	vpush v0, $0x2;
	_ =	sdelay $0x3  }
0x14a: {  	(v2sf) =	vpush v0, $0x3;
	_ =	sdelay $0x3  }
0x14b: {  	(v2sf) =	vpush v0, $0x4  }
0x14c: {  	s0 =	spop (v2sf)  }
0x14d: {  	s0 =	sand.u32 $0x1FFFFFF0, s0  }
0x14e: {  	s16 =	simm.s32 $0x8400;
	s1 =	spop (v2sf);
	s0 =	sadd.s32 s5, s0  }
0x14f: {  	(v2sf) =	vpush v0, $0x5;
	[tilespmem:s16], [sflag:$0x1] =	stream.strided.gather [hbm4b:s0+s13], $0x0, s14, s13, $0x38;
	[tilespmem:$0x10400] =	vst v63  }
0x150: {  	s22 =	simm.s32 $0x0;
	s1 =	sand.u32 $0x1FFFFFF0, s1  }
0x151: {  	[tilespmem:s16], [sflag:$0x1] =	stream.linear.gather [hbm4b:s0+s22], $0x20, $0x38;
	[tilespmem:$0x10400] =	vst v63  }
0x152: {  	s23 =	simm.s32 $0x8420;
	s24 =	spop (v2sf);
	s1 =	sadd.s32 s5, s1  }
0x153: {  	(v2sf) =	vpush v0, $0x6;
	[tilespmem:s23], [sflag:$0x1] =	stream.strided.gather [hbm4b:s1+s13], $0x0, s14, s13, $0x38;
	[tilespmem:$0x10400] =	vst v63  }
0x154: {  	s16 =	sand.u32 $0x1FFFFFF0, s24  }
0x155: {  	[tilespmem:s23], [sflag:$0x1] =	stream.linear.gather [hbm4b:s1+s22], $0x20, $0x38;
	[tilespmem:$0x10400] =	vst v63  }
0x156: {  	s26 =	simm.s32 $0x8440;
	s25 =	spop (v2sf);
	s16 =	sadd.s32 s5, s16  }
0x157: {  	(v2sf) =	vpush v0, $0x7;
	[tilespmem:s26], [sflag:$0x1] =	stream.strided.gather [hbm4b:s16+s13], $0x0, s14, s13, $0x38;
	[tilespmem:$0x10400] =	vst v63  }
0x158: {  	s0 =	sand.u32 $0x1FFFFFF0, s25  }
0x159: {  	[tilespmem:s26], [sflag:$0x1] =	stream.linear.gather [hbm4b:s16+s22], $0x20, $0x38;
	[tilespmem:$0x10400] =	vst v63  }
0x15a: {  	s29 =	simm.s32 $0x8460;
	s28 =	spop (v2sf);
	s0 =	sadd.s32 s5, s0  }
0x15b: {  	(v2sf) =	vpush v0, $0x8;
	[tilespmem:s29], [sflag:$0x1] =	stream.strided.gather [hbm4b:s0+s13], $0x0, s14, s13, $0x38;
	[tilespmem:$0x10400] =	vst v63  }
0x15c: {  	s1 =	sand.u32 $0x1FFFFFF0, s28  }
0x15d: {  	[tilespmem:s29], [sflag:$0x1] =	stream.linear.gather [hbm4b:s0+s22], $0x20, $0x38;
	[tilespmem:$0x10400] =	vst v63  }
0x15e: {  	s31 =	simm.s32 $0x8480;
	s1 =	sadd.s32 s5, s1;
	s30 =	spop (v2sf)  }
0x15f: {  	(v2sf) =	vpush v0, $0x9;
	[tilespmem:s31], [sflag:$0x1] =	stream.strided.gather [hbm4b:s1+s13], $0x0, s14, s13, $0x38;
	[tilespmem:$0x10400] =	vst v63  }
0x160: {  	s0 =	sand.u32 $0x1FFFFFF0, s30  }
0x161: {  	[tilespmem:s31], [sflag:$0x1] =	stream.linear.gather [hbm4b:s1+s22], $0x20, $0x38;
	[tilespmem:$0x10400] =	vst v63  }
0x162: {  	s18 =	simm.s32 $0x84A0;
	s16 =	spop (v2sf);
	s0 =	sadd.s32 s5, s0  }
0x163: {  	(v2sf) =	vpush v0, $0xA;
	[tilespmem:s18], [sflag:$0x1] =	stream.strided.gather [hbm4b:s0+s13], $0x0, s14, s13, $0x38;
	[tilespmem:$0x10400] =	vst v63  }
0x164: {  	s1 =	sand.u32 $0x1FFFFFF0, s16  }
0x165: {  	[tilespmem:s18], [sflag:$0x1] =	stream.linear.gather [hbm4b:s0+s22], $0x20, $0x38;
	[tilespmem:$0x10400] =	vst v63  }
0x166: {  	s24 =	simm.s32 $0x84C0;
	s23 =	spop (v2sf);
	s1 =	sadd.s32 s5, s1  }
0x167: {  	(v2sf) =	vpush v0, $0xB;
	[tilespmem:s24], [sflag:$0x1] =	stream.strided.gather [hbm4b:s1+s13], $0x0, s14, s13, $0x38;
	[tilespmem:$0x10400] =	vst v63  }
0x168: {  	s0 =	sand.u32 $0x1FFFFFF0, s23  }
0x169: {  	[tilespmem:s24], [sflag:$0x1] =	stream.linear.gather [hbm4b:s1+s22], $0x20, $0x38;
	[tilespmem:$0x10400] =	vst v63  }
0x16a: {  	s26 =	simm.s32 $0x84E0;
	s25 =	spop (v2sf);
	s0 =	sadd.s32 s5, s0  }
0x16b: {  	(v2sf) =	vpush v0, $0xC;
	[tilespmem:s26], [sflag:$0x1] =	stream.strided.gather [hbm4b:s0+s13], $0x0, s14, s13, $0x38;
	[tilespmem:$0x10400] =	vst v63  }
0x16c: {  	s1 =	sand.u32 $0x1FFFFFF0, s25  }
0x16d: {  	[tilespmem:s26], [sflag:$0x1] =	stream.linear.gather [hbm4b:s0+s22], $0x20, $0x38;
	[tilespmem:$0x10400] =	vst v63  }
0x16e: {  	s29 =	simm.s32 $0x8500;
	s28 =	spop (v2sf);
	s1 =	sadd.s32 s5, s1  }
0x16f: {  	(v2sf) =	vpush v0, $0xD;
	[tilespmem:s29], [sflag:$0x1] =	stream.strided.gather [hbm4b:s1+s13], $0x0, s14, s13, $0x38;
	[tilespmem:$0x10400] =	vst v63  }
0x170: {  	s0 =	sand.u32 $0x1FFFFFF0, s28  }
0x171: {  	[tilespmem:s29], [sflag:$0x1] =	stream.linear.gather [hbm4b:s1+s22], $0x20, $0x38;
	[tilespmem:$0x10400] =	vst v63  }
0x172: {  	s31 =	simm.s32 $0x8520;
	s30 =	spop (v2sf);
	s0 =	sadd.s32 s5, s0  }
0x173: {  	(v2sf) =	vpush v0, $0xE;
	[tilespmem:s31], [sflag:$0x1] =	stream.strided.gather [hbm4b:s0+s13], $0x0, s14, s13, $0x38;
	[tilespmem:$0x10400] =	vst v63  }
0x174: {  	s1 =	sand.u32 $0x1FFFFFF0, s30  }
0x175: {  	[tilespmem:s31], [sflag:$0x1] =	stream.linear.gather [hbm4b:s0+s22], $0x20, $0x38;
	[tilespmem:$0x10400] =	vst v63  }
0x176: {  	s18 =	simm.s32 $0x8540;
	s16 =	spop (v2sf);
	s1 =	sadd.s32 s5, s1  }
0x177: {  	(v2sf) =	vpush v0, $0xF;
	[tilespmem:s18], [sflag:$0x1] =	stream.strided.gather [hbm4b:s1+s13], $0x0, s14, s13, $0x38;
	[tilespmem:$0x10400] =	vst v63  }
0x178: {  	s0 =	sand.u32 $0x1FFFFFF0, s16  }
0x179: {  	[tilespmem:s18], [sflag:$0x1] =	stream.linear.gather [hbm4b:s1+s22], $0x20, $0x38;
	[tilespmem:$0x10400] =	vst v63  }
0x17a: {  	s24 =	simm.s32 $0x8560;
	s23 =	spop (v2sf);
	s0 =	sadd.s32 s5, s0  }
0x17b: {  	[tilespmem:s24], [sflag:$0x1] =	stream.strided.gather [hbm4b:s0+s13], $0x0, s14, s13, $0x38;
	[tilespmem:$0x10400] =	vst v63  }
0x17c: {  	s1 =	sand.u32 $0x1FFFFFF0, s23  }
0x17d: {  	[tilespmem:s24], [sflag:$0x1] =	stream.linear.gather [hbm4b:s0+s22], $0x20, $0x38;
	[tilespmem:$0x10400] =	vst v63  }
0x17e: {  	s26 =	simm.s32 $0x8580;
	s25 =	spop (v2sf);
	s1 =	sadd.s32 s5, s1  }
0x17f: {  	[tilespmem:s26], [sflag:$0x1] =	stream.strided.gather [hbm4b:s1+s13], $0x0, s14, s13, $0x38;
	[tilespmem:$0x10400] =	vst v63  }
0x180: {  	s0 =	sand.u32 $0x1FFFFFF0, s25  }
0x181: {  	[tilespmem:s26], [sflag:$0x1] =	stream.linear.gather [hbm4b:s1+s22], $0x20, $0x38;
	[tilespmem:$0x10400] =	vst v63  }
0x182: {  	s29 =	simm.s32 $0x85A0;
	s28 =	spop (v2sf);
	s0 =	sadd.s32 s5, s0  }
0x183: {  	[tilespmem:s29], [sflag:$0x1] =	stream.strided.gather [hbm4b:s0+s13], $0x0, s14, s13, $0x38;
	[tilespmem:$0x10400] =	vst v63  }
0x184: {  	s1 =	sand.u32 $0x1FFFFFF0, s28  }
0x185: {  	[tilespmem:s29], [sflag:$0x1] =	stream.linear.gather [hbm4b:s0+s22], $0x20, $0x38;
	[tilespmem:$0x10400] =	vst v63  }
0x186: {  	s31 =	simm.s32 $0x85C0;
	s30 =	spop (v2sf);
	s1 =	sadd.s32 s5, s1  }
0x187: {  	[tilespmem:s31], [sflag:$0x1] =	stream.strided.gather [hbm4b:s1+s13], $0x0, s14, s13, $0x38;
	[tilespmem:$0x10400] =	vst v63  }
0x188: {  	s0 =	sand.u32 $0x1FFFFFF0, s30  }
0x189: {  	[tilespmem:s31], [sflag:$0x1] =	stream.linear.gather [hbm4b:s1+s22], $0x20, $0x38;
	[tilespmem:$0x10400] =	vst v63  }
0x18a: {  	s23 =	simm.s32 $0x800;
	s24 =	simm.s32 $0x85E0;
	s25 =	sadd.s32 s5, s0  }
0x18b: {  	[tilespmem:s24], [sflag:$0x1] =	stream.strided.gather [hbm4b:s25+s13], $0x0, s14, s13, $0x38;
	[tilespmem:$0x10400] =	vst v63  }
.LBB2_6:
0x18c: {  	p0 =	sne.s32 s23, $0xF800  }
0x18d: {  	s21 =	sadd.s32 $0x10, s21;
	s0 =	smov.u32 s23;
	s23 =	sadd.s32 $0x800, s23  }
0x18e: {  	[tilespmem:s24], [sflag:$0x1] =	stream.linear.gather [hbm4b:s25+s22], $0x20, $0x38;
	[tilespmem:$0x10400] =	vst v63  }
0x18f: {  	v0 =	vld [tilespmem:s21+$0x0];
	_ =	sdelay $0x4  }
0x190: {  	v0 =	vshll.u32 v0, $0x4  }
0x191: {  	(v2sf) =	vpush v0, $0x0  }
0x192: {  	(v2sf) =	vpush v0, $0x1  }
0x193: {  	(v2sf) =	vpush v0, $0x2;
	_ =	sdelay $0x2  }
0x194: {  	(v2sf) =	vpush v0, $0x3;
	_ =	sdelay $0x1  }
0x195: {  	(v2sf) =	vpush v0, $0x4;
	_ =	sdelay $0x1  }
0x196: {  	(v2sf) =	vpush v0, $0x5;
	_ =	sdelay $0x1  }
0x197: {  	(v2sf) =	vpush v0, $0x6;
	_ =	sdelay $0x1  }
0x198: {  	(v2sf) =	vpush v0, $0x7;
	_ =	sdelay $0x1  }
0x199: {  	s1 =	spop (v2sf);
	(v2sf) =	vpush v0, $0x8  }
0x19a: {  	s24 =	sshra.s32 s0, $0x2;
	s0 =	sand.u32 $0x1FFFFFF0, s1;
	s1 =	spop (v2sf)  }
0x19b: {  	s16 =	sadd.s32 $0x8420, s24;
	s0 =	sadd.s32 s5, s0;
	s18 =	spop (v2sf);
	(v2sf) =	vpush v0, $0x9  }
0x19c: {  	s25 =	sadd.s32 $0x8400, s24;
	s1 =	sand.u32 $0x1FFFFFF0, s1;
	s18 =	sand.u32 $0x1FFFFFF0, s18  }
0x19d: {  	[tilespmem:s25], [sflag:$0x1] =	stream.strided.gather [hbm4b:s0+s13], $0x0, s14, s13, $0x38;
	(v2sf) =	vpush v0, $0xA;
	[tilespmem:$0x10400] =	vst v63  }
0x19e: {  	s26 =	spop (v2sf)  }
0x19f: {  	[tilespmem:s25], [sflag:$0x1] =	stream.linear.gather [hbm4b:s0+s22], $0x20, $0x38;
	(v2sf) =	vpush v0, $0xB;
	[tilespmem:$0x10400] =	vst v63  }
0x1a0: {  	s0 =	sadd.s32 s5, s1;
	s1 =	sand.u32 $0x1FFFFFF0, s26;
	s25 =	spop (v2sf)  }
0x1a1: {  	[tilespmem:s16], [sflag:$0x1] =	stream.strided.gather [hbm4b:s0+s13], $0x0, s14, s13, $0x38;
	(v2sf) =	vpush v0, $0xC;
	[tilespmem:$0x10400] =	vst v63  }
0x1a2: {  	s26 =	sadd.s32 $0x8440, s24;
	s25 =	sand.u32 $0x1FFFFFF0, s25;
	s28 =	spop (v2sf)  }
0x1a3: {  	[tilespmem:s16], [sflag:$0x1] =	stream.linear.gather [hbm4b:s0+s22], $0x20, $0x38;
	[tilespmem:$0x10400] =	vst v63  }
0x1a4: {  	s0 =	sadd.s32 s5, s18;
	s16 =	sand.u32 $0x1FFFFFF0, s28;
	s18 =	spop (v2sf)  }
0x1a5: {  	[tilespmem:s26], [sflag:$0x1] =	stream.strided.gather [hbm4b:s0+s13], $0x0, s14, s13, $0x38;
	(v2sf) =	vpush v0, $0xD;
	[tilespmem:$0x10400] =	vst v63  }
0x1a6: {  	s28 =	sadd.s32 $0x8460, s24;
	s18 =	sand.u32 $0x1FFFFFF0, s18;
	s29 =	spop (v2sf)  }
0x1a7: {  	[tilespmem:s26], [sflag:$0x1] =	stream.linear.gather [hbm4b:s0+s22], $0x20, $0x38;
	[tilespmem:$0x10400] =	vst v63  }
0x1a8: {  	s0 =	sadd.s32 s5, s1;
	s1 =	sand.u32 $0x1FFFFFF0, s29;
	s26 =	spop (v2sf)  }
0x1a9: {  	[tilespmem:s28], [sflag:$0x1] =	stream.strided.gather [hbm4b:s0+s13], $0x0, s14, s13, $0x38;
	(v2sf) =	vpush v0, $0xE;
	[tilespmem:$0x10400] =	vst v63  }
0x1aa: {  	s29 =	sadd.s32 $0x8480, s24;
	s26 =	sand.u32 $0x1FFFFFF0, s26;
	s30 =	spop (v2sf)  }
0x1ab: {  	[tilespmem:s28], [sflag:$0x1] =	stream.linear.gather [hbm4b:s0+s22], $0x20, $0x38;
	[tilespmem:$0x10400] =	vst v63  }
0x1ac: {  	s0 =	sadd.s32 s5, s25;
	s25 =	sand.u32 $0x1FFFFFF0, s30;
	s28 =	spop (v2sf)  }
0x1ad: {  	[tilespmem:s29], [sflag:$0x1] =	stream.strided.gather [hbm4b:s0+s13], $0x0, s14, s13, $0x38;
	(v2sf) =	vpush v0, $0xF;
	[tilespmem:$0x10400] =	vst v63  }
0x1ae: {  	s30 =	sadd.s32 $0x84A0, s24;
	s28 =	sand.u32 $0x1FFFFFF0, s28;
	s31 =	spop (v2sf)  }
0x1af: {  	[tilespmem:s29], [sflag:$0x1] =	stream.linear.gather [hbm4b:s0+s22], $0x20, $0x38;
	[tilespmem:$0x10400] =	vst v63  }
0x1b0: {  	s0 =	sadd.s32 s5, s16;
	s16 =	sand.u32 $0x1FFFFFF0, s31;
	s29 =	spop (v2sf)  }
0x1b1: {  	[tilespmem:s30], [sflag:$0x1] =	stream.strided.gather [hbm4b:s0+s13], $0x0, s14, s13, $0x38;
	[tilespmem:$0x10400] =	vst v63  }
0x1b2: {  	s18 =	sadd.s32 s5, s18;
	s31 =	sadd.s32 $0x84C0, s24;
	s29 =	sand.u32 $0x1FFFFFF0, s29  }
0x1b3: {  	[tilespmem:s30], [sflag:$0x1] =	stream.linear.gather [hbm4b:s0+s22], $0x20, $0x38;
	[tilespmem:$0x10400] =	vst v63  }
0x1b4: {  	s0 =	spop (v2sf)  }
0x1b5: {  	[tilespmem:s31], [sflag:$0x1] =	stream.strided.gather [hbm4b:s18+s13], $0x0, s14, s13, $0x38;
	[tilespmem:$0x10400] =	vst v63  }
0x1b6: {  	s1 =	sadd.s32 s5, s1;
	s30 =	sadd.s32 $0x84E0, s24;
	s0 =	sand.u32 $0x1FFFFFF0, s0  }
0x1b7: {  	[tilespmem:s31], [sflag:$0x1] =	stream.linear.gather [hbm4b:s18+s22], $0x20, $0x38;
	[tilespmem:$0x10400] =	vst v63  }
0x1b8: {  	s18 =	spop (v2sf)  }
0x1b9: {  	[tilespmem:s30], [sflag:$0x1] =	stream.strided.gather [hbm4b:s1+s13], $0x0, s14, s13, $0x38;
	[tilespmem:$0x10400] =	vst v63  }
0x1ba: {  	s26 =	sadd.s32 s5, s26;
	s31 =	sadd.s32 $0x8500, s24;
	s18 =	sand.u32 $0x1FFFFFF0, s18  }
0x1bb: {  	[tilespmem:s30], [sflag:$0x1] =	stream.linear.gather [hbm4b:s1+s22], $0x20, $0x38;
	[tilespmem:$0x10400] =	vst v63  }
0x1bc: {  	s1 =	spop (v2sf)  }
0x1bd: {  	[tilespmem:s31], [sflag:$0x1] =	stream.strided.gather [hbm4b:s26+s13], $0x0, s14, s13, $0x38;
	[tilespmem:$0x10400] =	vst v63  }
0x1be: {  	s25 =	sadd.s32 s5, s25;
	s30 =	sadd.s32 $0x8520, s24;
	s1 =	sand.u32 $0x1FFFFFF0, s1  }
0x1bf: {  	[tilespmem:s31], [sflag:$0x1] =	stream.linear.gather [hbm4b:s26+s22], $0x20, $0x38;
	[tilespmem:$0x10400] =	vst v63  }
0x1c0: {  	_ = 	snop  }
0x1c1: {  	[tilespmem:s30], [sflag:$0x1] =	stream.strided.gather [hbm4b:s25+s13], $0x0, s14, s13, $0x38;
	[tilespmem:$0x10400] =	vst v63  }
0x1c2: {  	s28 =	sadd.s32 s5, s28;
	s26 =	sadd.s32 $0x8540, s24  }
0x1c3: {  	[tilespmem:s30], [sflag:$0x1] =	stream.linear.gather [hbm4b:s25+s22], $0x20, $0x38;
	[tilespmem:$0x10400] =	vst v63  }
0x1c4: {  	_ = 	snop  }
0x1c5: {  	[tilespmem:s26], [sflag:$0x1] =	stream.strided.gather [hbm4b:s28+s13], $0x0, s14, s13, $0x38;
	[tilespmem:$0x10400] =	vst v63  }
0x1c6: {  	s16 =	sadd.s32 s5, s16;
	s25 =	sadd.s32 $0x8560, s24  }
0x1c7: {  	[tilespmem:s26], [sflag:$0x1] =	stream.linear.gather [hbm4b:s28+s22], $0x20, $0x38;
	[tilespmem:$0x10400] =	vst v63  }
0x1c8: {  	_ = 	snop  }
0x1c9: {  	[tilespmem:s25], [sflag:$0x1] =	stream.strided.gather [hbm4b:s16+s13], $0x0, s14, s13, $0x38;
	[tilespmem:$0x10400] =	vst v63  }
0x1ca: {  	s26 =	sadd.s32 $0x8580, s24;
	s28 =	sadd.s32 s5, s29  }
0x1cb: {  	[tilespmem:s25], [sflag:$0x1] =	stream.linear.gather [hbm4b:s16+s22], $0x20, $0x38;
	[tilespmem:$0x10400] =	vst v63  }
0x1cc: {  	_ = 	snop  }
0x1cd: {  	[tilespmem:s26], [sflag:$0x1] =	stream.strided.gather [hbm4b:s28+s13], $0x0, s14, s13, $0x38;
	[tilespmem:$0x10400] =	vst v63  }
0x1ce: {  	s0 =	sadd.s32 s5, s0;
	s16 =	sadd.s32 $0x85A0, s24  }
0x1cf: {  	[tilespmem:s26], [sflag:$0x1] =	stream.linear.gather [hbm4b:s28+s22], $0x20, $0x38;
	[tilespmem:$0x10400] =	vst v63  }
0x1d0: {  	_ = 	snop  }
0x1d1: {  	[tilespmem:s16], [sflag:$0x1] =	stream.strided.gather [hbm4b:s0+s13], $0x0, s14, s13, $0x38;
	[tilespmem:$0x10400] =	vst v63  }
0x1d2: {  	s18 =	sadd.s32 s5, s18;
	s26 =	sadd.s32 $0x85C0, s24  }
0x1d3: {  	[tilespmem:s16], [sflag:$0x1] =	stream.linear.gather [hbm4b:s0+s22], $0x20, $0x38;
	[tilespmem:$0x10400] =	vst v63  }
0x1d4: {  	_ = 	snop  }
0x1d5: {  	[tilespmem:s26], [sflag:$0x1] =	stream.strided.gather [hbm4b:s18+s13], $0x0, s14, s13, $0x38;
	[tilespmem:$0x10400] =	vst v63  }
.Ltmp2:
0x1d6: {  	_ = 	snop;
	(pc) =	sbr.rel @p0 .LBB2_6-.Ltmp2, $4  }
0x1d7: {  	s25 =	sadd.s32 s5, s1;
	s24 =	sadd.s32 $0x85E0, s24  }
0x1d8: {  	[tilespmem:s26], [sflag:$0x1] =	stream.linear.gather [hbm4b:s18+s22], $0x20, $0x38;
	[tilespmem:$0x10400] =	vst v63  }
0x1d9: {  	_ = 	snop  }
0x1da: {  	[tilespmem:s24], [sflag:$0x1] =	stream.strided.gather [hbm4b:s25+s13], $0x0, s14, s13, $0x38;
	[tilespmem:$0x10400] =	vst v63  }
0x1db: {  	[tilespmem:s24], [sflag:$0x1] =	stream.linear.gather [hbm4b:s25+s22], $0x20, $0x38;
	[tilespmem:$0x10400] =	vst v63  }
0x1dc: {  	s21 =	simm.s32 $0x200  }
0x1dd: {  	v0 =	vld [tilespmem:s21+$0x0];
	_ =	sdelay $0x4  }
0x1de: {  	v0 =	vshll.u32 v0, $0x4  }
0x1df: {  	(v2sf) =	vpush v0, $0x0;
	_ =	sdelay $0x1  }
0x1e0: {  	(v2sf) =	vpush v0, $0x1;
	_ =	sdelay $0x3  }
0x1e1: {  	(v2sf) =	vpush v0, $0x2;
	_ =	sdelay $0x3  }
0x1e2: {  	(v2sf) =	vpush v0, $0x3;
	_ =	sdelay $0x3  }
0x1e3: {  	(v2sf) =	vpush v0, $0x4  }
0x1e4: {  	s0 =	spop (v2sf)  }
0x1e5: {  	s0 =	sand.u32 $0x1FFFFFF0, s0  }
0x1e6: {  	s16 =	simm.s32 $0xC400;
	s1 =	spop (v2sf);
	s0 =	sadd.s32 s6, s0  }
0x1e7: {  	(v2sf) =	vpush v0, $0x5;
	[tilespmem:s16], [sflag:$0x1] =	stream.strided.gather [hbm4b:s0+s13], $0x0, s14, s13, $0x38;
	[tilespmem:$0x10400] =	vst v63  }
0x1e8: {  	s1 =	sand.u32 $0x1FFFFFF0, s1  }
0x1e9: {  	[tilespmem:s16], [sflag:$0x1] =	stream.linear.gather [hbm4b:s0+s2], $0x20, $0x38;
	[tilespmem:$0x10400] =	vst v63  }
0x1ea: {  	s23 =	simm.s32 $0xC420;
	s24 =	spop (v2sf);
	s1 =	sadd.s32 s6, s1  }
0x1eb: {  	(v2sf) =	vpush v0, $0x6;
	[tilespmem:s23], [sflag:$0x1] =	stream.strided.gather [hbm4b:s1+s13], $0x0, s14, s13, $0x38;
	[tilespmem:$0x10400] =	vst v63  }
0x1ec: {  	s16 =	sand.u32 $0x1FFFFFF0, s24  }
0x1ed: {  	[tilespmem:s23], [sflag:$0x1] =	stream.linear.gather [hbm4b:s1+s2], $0x20, $0x38;
	[tilespmem:$0x10400] =	vst v63  }
0x1ee: {  	s26 =	simm.s32 $0xC440;
	s25 =	spop (v2sf);
	s16 =	sadd.s32 s6, s16  }
0x1ef: {  	(v2sf) =	vpush v0, $0x7;
	[tilespmem:s26], [sflag:$0x1] =	stream.strided.gather [hbm4b:s16+s13], $0x0, s14, s13, $0x38;
	[tilespmem:$0x10400] =	vst v63  }
0x1f0: {  	s0 =	sand.u32 $0x1FFFFFF0, s25  }
0x1f1: {  	[tilespmem:s26], [sflag:$0x1] =	stream.linear.gather [hbm4b:s16+s2], $0x20, $0x38;
	[tilespmem:$0x10400] =	vst v63  }
0x1f2: {  	s29 =	simm.s32 $0xC460;
	s28 =	spop (v2sf);
	s0 =	sadd.s32 s6, s0  }
0x1f3: {  	(v2sf) =	vpush v0, $0x8;
	[tilespmem:s29], [sflag:$0x1] =	stream.strided.gather [hbm4b:s0+s13], $0x0, s14, s13, $0x38;
	[tilespmem:$0x10400] =	vst v63  }
0x1f4: {  	s1 =	sand.u32 $0x1FFFFFF0, s28  }
0x1f5: {  	[tilespmem:s29], [sflag:$0x1] =	stream.linear.gather [hbm4b:s0+s2], $0x20, $0x38;
	[tilespmem:$0x10400] =	vst v63  }
0x1f6: {  	s31 =	simm.s32 $0xC480;
	s1 =	sadd.s32 s6, s1;
	s30 =	spop (v2sf)  }
0x1f7: {  	(v2sf) =	vpush v0, $0x9;
	[tilespmem:s31], [sflag:$0x1] =	stream.strided.gather [hbm4b:s1+s13], $0x0, s14, s13, $0x38;
	[tilespmem:$0x10400] =	vst v63  }
0x1f8: {  	s0 =	sand.u32 $0x1FFFFFF0, s30  }
0x1f9: {  	[tilespmem:s31], [sflag:$0x1] =	stream.linear.gather [hbm4b:s1+s2], $0x20, $0x38;
	[tilespmem:$0x10400] =	vst v63  }
0x1fa: {  	s22 =	simm.s32 $0xC4A0;
	s18 =	spop (v2sf);
	s0 =	sadd.s32 s6, s0  }
0x1fb: {  	(v2sf) =	vpush v0, $0xA;
	[tilespmem:s22], [sflag:$0x1] =	stream.strided.gather [hbm4b:s0+s13], $0x0, s14, s13, $0x38;
	[tilespmem:$0x10400] =	vst v63  }
0x1fc: {  	s1 =	sand.u32 $0x1FFFFFF0, s18  }
0x1fd: {  	[tilespmem:s22], [sflag:$0x1] =	stream.linear.gather [hbm4b:s0+s2], $0x20, $0x38;
	[tilespmem:$0x10400] =	vst v63  }
0x1fe: {  	s24 =	simm.s32 $0xC4C0;
	s23 =	spop (v2sf);
	s1 =	sadd.s32 s6, s1  }
0x1ff: {  	(v2sf) =	vpush v0, $0xB;
	[tilespmem:s24], [sflag:$0x1] =	stream.strided.gather [hbm4b:s1+s13], $0x0, s14, s13, $0x38;
	[tilespmem:$0x10400] =	vst v63  }
0x200: {  	s0 =	sand.u32 $0x1FFFFFF0, s23  }
0x201: {  	[tilespmem:s24], [sflag:$0x1] =	stream.linear.gather [hbm4b:s1+s2], $0x20, $0x38;
	[tilespmem:$0x10400] =	vst v63  }
0x202: {  	s26 =	simm.s32 $0xC4E0;
	s25 =	spop (v2sf);
	s0 =	sadd.s32 s6, s0  }
0x203: {  	(v2sf) =	vpush v0, $0xC;
	[tilespmem:s26], [sflag:$0x1] =	stream.strided.gather [hbm4b:s0+s13], $0x0, s14, s13, $0x38;
	[tilespmem:$0x10400] =	vst v63  }
0x204: {  	s1 =	sand.u32 $0x1FFFFFF0, s25  }
0x205: {  	[tilespmem:s26], [sflag:$0x1] =	stream.linear.gather [hbm4b:s0+s2], $0x20, $0x38;
	[tilespmem:$0x10400] =	vst v63  }
0x206: {  	s29 =	simm.s32 $0xC500;
	s28 =	spop (v2sf);
	s1 =	sadd.s32 s6, s1  }
0x207: {  	(v2sf) =	vpush v0, $0xD;
	[tilespmem:s29], [sflag:$0x1] =	stream.strided.gather [hbm4b:s1+s13], $0x0, s14, s13, $0x38;
	[tilespmem:$0x10400] =	vst v63  }
0x208: {  	s0 =	sand.u32 $0x1FFFFFF0, s28  }
0x209: {  	[tilespmem:s29], [sflag:$0x1] =	stream.linear.gather [hbm4b:s1+s2], $0x20, $0x38;
	[tilespmem:$0x10400] =	vst v63  }
0x20a: {  	s31 =	simm.s32 $0xC520;
	s30 =	spop (v2sf);
	s0 =	sadd.s32 s6, s0  }
0x20b: {  	(v2sf) =	vpush v0, $0xE;
	[tilespmem:s31], [sflag:$0x1] =	stream.strided.gather [hbm4b:s0+s13], $0x0, s14, s13, $0x38;
	[tilespmem:$0x10400] =	vst v63  }
0x20c: {  	s1 =	sand.u32 $0x1FFFFFF0, s30  }
0x20d: {  	[tilespmem:s31], [sflag:$0x1] =	stream.linear.gather [hbm4b:s0+s2], $0x20, $0x38;
	[tilespmem:$0x10400] =	vst v63  }
0x20e: {  	s22 =	simm.s32 $0xC540;
	s18 =	spop (v2sf);
	s1 =	sadd.s32 s6, s1  }
0x20f: {  	(v2sf) =	vpush v0, $0xF;
	[tilespmem:s22], [sflag:$0x1] =	stream.strided.gather [hbm4b:s1+s13], $0x0, s14, s13, $0x38;
	[tilespmem:$0x10400] =	vst v63  }
0x210: {  	s0 =	sand.u32 $0x1FFFFFF0, s18  }
0x211: {  	[tilespmem:s22], [sflag:$0x1] =	stream.linear.gather [hbm4b:s1+s2], $0x20, $0x38;
	[tilespmem:$0x10400] =	vst v63  }
0x212: {  	s24 =	simm.s32 $0xC560;
	s23 =	spop (v2sf);
	s0 =	sadd.s32 s6, s0  }
0x213: {  	[tilespmem:s24], [sflag:$0x1] =	stream.strided.gather [hbm4b:s0+s13], $0x0, s14, s13, $0x38;
	[tilespmem:$0x10400] =	vst v63  }
0x214: {  	s1 =	sand.u32 $0x1FFFFFF0, s23  }
0x215: {  	[tilespmem:s24], [sflag:$0x1] =	stream.linear.gather [hbm4b:s0+s2], $0x20, $0x38;
	[tilespmem:$0x10400] =	vst v63  }
0x216: {  	s26 =	simm.s32 $0xC580;
	s25 =	spop (v2sf);
	s1 =	sadd.s32 s6, s1  }
0x217: {  	[tilespmem:s26], [sflag:$0x1] =	stream.strided.gather [hbm4b:s1+s13], $0x0, s14, s13, $0x38;
	[tilespmem:$0x10400] =	vst v63  }
0x218: {  	s0 =	sand.u32 $0x1FFFFFF0, s25  }
0x219: {  	[tilespmem:s26], [sflag:$0x1] =	stream.linear.gather [hbm4b:s1+s2], $0x20, $0x38;
	[tilespmem:$0x10400] =	vst v63  }
0x21a: {  	s29 =	simm.s32 $0xC5A0;
	s28 =	spop (v2sf);
	s0 =	sadd.s32 s6, s0  }
0x21b: {  	[tilespmem:s29], [sflag:$0x1] =	stream.strided.gather [hbm4b:s0+s13], $0x0, s14, s13, $0x38;
	[tilespmem:$0x10400] =	vst v63  }
0x21c: {  	s1 =	sand.u32 $0x1FFFFFF0, s28  }
0x21d: {  	[tilespmem:s29], [sflag:$0x1] =	stream.linear.gather [hbm4b:s0+s2], $0x20, $0x38;
	[tilespmem:$0x10400] =	vst v63  }
0x21e: {  	s31 =	simm.s32 $0xC5C0;
	s30 =	spop (v2sf);
	s1 =	sadd.s32 s6, s1  }
0x21f: {  	[tilespmem:s31], [sflag:$0x1] =	stream.strided.gather [hbm4b:s1+s13], $0x0, s14, s13, $0x38;
	[tilespmem:$0x10400] =	vst v63  }
0x220: {  	s0 =	sand.u32 $0x1FFFFFF0, s30  }
0x221: {  	[tilespmem:s31], [sflag:$0x1] =	stream.linear.gather [hbm4b:s1+s2], $0x20, $0x38;
	[tilespmem:$0x10400] =	vst v63  }
0x222: {  	s23 =	simm.s32 $0xC5E0;
	s22 =	simm.s32 $0x800;
	s24 =	sadd.s32 s6, s0  }
0x223: {  	[tilespmem:s23], [sflag:$0x1] =	stream.strided.gather [hbm4b:s24+s13], $0x0, s14, s13, $0x38;
	[tilespmem:$0x10400] =	vst v63  }
.LBB2_8:
0x224: {  	p0 =	sne.s32 s22, $0xF800  }
0x225: {  	s21 =	sadd.s32 $0x10, s21;
	s0 =	smov.u32 s22;
	s22 =	sadd.s32 $0x800, s22  }
0x226: {  	[tilespmem:s23], [sflag:$0x1] =	stream.linear.gather [hbm4b:s24+s2], $0x20, $0x38;
	[tilespmem:$0x10400] =	vst v63  }
0x227: {  	v0 =	vld [tilespmem:s21+$0x0];
	_ =	sdelay $0x4  }
0x228: {  	v0 =	vshll.u32 v0, $0x4  }
0x229: {  	(v2sf) =	vpush v0, $0x0  }
0x22a: {  	(v2sf) =	vpush v0, $0x1  }
0x22b: {  	(v2sf) =	vpush v0, $0x2;
	_ =	sdelay $0x2  }
0x22c: {  	(v2sf) =	vpush v0, $0x3;
	_ =	sdelay $0x1  }
0x22d: {  	(v2sf) =	vpush v0, $0x4;
	_ =	sdelay $0x1  }
0x22e: {  	(v2sf) =	vpush v0, $0x5;
	_ =	sdelay $0x1  }
0x22f: {  	(v2sf) =	vpush v0, $0x6;
	_ =	sdelay $0x1  }
0x230: {  	(v2sf) =	vpush v0, $0x7;
	_ =	sdelay $0x1  }
0x231: {  	s1 =	spop (v2sf);
	(v2sf) =	vpush v0, $0x8  }
0x232: {  	s23 =	sshra.s32 s0, $0x2;
	s0 =	sand.u32 $0x1FFFFFF0, s1;
	s1 =	spop (v2sf)  }
0x233: {  	s16 =	sadd.s32 $0xC420, s23;
	s0 =	sadd.s32 s6, s0;
	s18 =	spop (v2sf);
	(v2sf) =	vpush v0, $0x9  }
0x234: {  	s24 =	sadd.s32 $0xC400, s23;
	s1 =	sand.u32 $0x1FFFFFF0, s1;
	s18 =	sand.u32 $0x1FFFFFF0, s18  }
0x235: {  	[tilespmem:s24], [sflag:$0x1] =	stream.strided.gather [hbm4b:s0+s13], $0x0, s14, s13, $0x38;
	(v2sf) =	vpush v0, $0xA;
	[tilespmem:$0x10400] =	vst v63  }
0x236: {  	s25 =	spop (v2sf)  }
0x237: {  	[tilespmem:s24], [sflag:$0x1] =	stream.linear.gather [hbm4b:s0+s2], $0x20, $0x38;
	(v2sf) =	vpush v0, $0xB;
	[tilespmem:$0x10400] =	vst v63  }
0x238: {  	s0 =	sadd.s32 s6, s1;
	s1 =	sand.u32 $0x1FFFFFF0, s25;
	s24 =	spop (v2sf)  }
0x239: {  	[tilespmem:s16], [sflag:$0x1] =	stream.strided.gather [hbm4b:s0+s13], $0x0, s14, s13, $0x38;
	(v2sf) =	vpush v0, $0xC;
	[tilespmem:$0x10400] =	vst v63  }
0x23a: {  	s25 =	sadd.s32 $0xC440, s23;
	s24 =	sand.u32 $0x1FFFFFF0, s24;
	s26 =	spop (v2sf)  }
0x23b: {  	[tilespmem:s16], [sflag:$0x1] =	stream.linear.gather [hbm4b:s0+s2], $0x20, $0x38;
	[tilespmem:$0x10400] =	vst v63  }
0x23c: {  	s0 =	sadd.s32 s6, s18;
	s16 =	sand.u32 $0x1FFFFFF0, s26;
	s18 =	spop (v2sf)  }
0x23d: {  	[tilespmem:s25], [sflag:$0x1] =	stream.strided.gather [hbm4b:s0+s13], $0x0, s14, s13, $0x38;
	(v2sf) =	vpush v0, $0xD;
	[tilespmem:$0x10400] =	vst v63  }
0x23e: {  	s26 =	sadd.s32 $0xC460, s23;
	s18 =	sand.u32 $0x1FFFFFF0, s18;
	s28 =	spop (v2sf)  }
0x23f: {  	[tilespmem:s25], [sflag:$0x1] =	stream.linear.gather [hbm4b:s0+s2], $0x20, $0x38;
	[tilespmem:$0x10400] =	vst v63  }
0x240: {  	s0 =	sadd.s32 s6, s1;
	s1 =	sand.u32 $0x1FFFFFF0, s28;
	s25 =	spop (v2sf)  }
0x241: {  	[tilespmem:s26], [sflag:$0x1] =	stream.strided.gather [hbm4b:s0+s13], $0x0, s14, s13, $0x38;
	(v2sf) =	vpush v0, $0xE;
	[tilespmem:$0x10400] =	vst v63  }
0x242: {  	s28 =	sadd.s32 $0xC480, s23;
	s25 =	sand.u32 $0x1FFFFFF0, s25;
	s29 =	spop (v2sf)  }
0x243: {  	[tilespmem:s26], [sflag:$0x1] =	stream.linear.gather [hbm4b:s0+s2], $0x20, $0x38;
	[tilespmem:$0x10400] =	vst v63  }
0x244: {  	s0 =	sadd.s32 s6, s24;
	s24 =	sand.u32 $0x1FFFFFF0, s29;
	s26 =	spop (v2sf)  }
0x245: {  	[tilespmem:s28], [sflag:$0x1] =	stream.strided.gather [hbm4b:s0+s13], $0x0, s14, s13, $0x38;
	(v2sf) =	vpush v0, $0xF;
	[tilespmem:$0x10400] =	vst v63  }
0x246: {  	s29 =	sadd.s32 $0xC4A0, s23;
	s26 =	sand.u32 $0x1FFFFFF0, s26;
	s30 =	spop (v2sf)  }
0x247: {  	[tilespmem:s28], [sflag:$0x1] =	stream.linear.gather [hbm4b:s0+s2], $0x20, $0x38;
	[tilespmem:$0x10400] =	vst v63  }
0x248: {  	s0 =	sadd.s32 s6, s16;
	s16 =	sand.u32 $0x1FFFFFF0, s30;
	s28 =	spop (v2sf)  }
0x249: {  	[tilespmem:s29], [sflag:$0x1] =	stream.strided.gather [hbm4b:s0+s13], $0x0, s14, s13, $0x38;
	[tilespmem:$0x10400] =	vst v63  }
0x24a: {  	s18 =	sadd.s32 s6, s18;
	s30 =	sadd.s32 $0xC4C0, s23;
	s28 =	sand.u32 $0x1FFFFFF0, s28  }
0x24b: {  	[tilespmem:s29], [sflag:$0x1] =	stream.linear.gather [hbm4b:s0+s2], $0x20, $0x38;
	[tilespmem:$0x10400] =	vst v63  }
0x24c: {  	s0 =	spop (v2sf)  }
0x24d: {  	[tilespmem:s30], [sflag:$0x1] =	stream.strided.gather [hbm4b:s18+s13], $0x0, s14, s13, $0x38;
	[tilespmem:$0x10400] =	vst v63  }
0x24e: {  	s1 =	sadd.s32 s6, s1;
	s29 =	sadd.s32 $0xC4E0, s23;
	s0 =	sand.u32 $0x1FFFFFF0, s0  }
0x24f: {  	[tilespmem:s30], [sflag:$0x1] =	stream.linear.gather [hbm4b:s18+s2], $0x20, $0x38;
	[tilespmem:$0x10400] =	vst v63  }
0x250: {  	s18 =	spop (v2sf)  }
0x251: {  	[tilespmem:s29], [sflag:$0x1] =	stream.strided.gather [hbm4b:s1+s13], $0x0, s14, s13, $0x38;
	[tilespmem:$0x10400] =	vst v63  }
0x252: {  	s25 =	sadd.s32 s6, s25;
	s30 =	sadd.s32 $0xC500, s23;
	s18 =	sand.u32 $0x1FFFFFF0, s18  }
0x253: {  	[tilespmem:s29], [sflag:$0x1] =	stream.linear.gather [hbm4b:s1+s2], $0x20, $0x38;
	[tilespmem:$0x10400] =	vst v63  }
0x254: {  	s1 =	spop (v2sf)  }
0x255: {  	[tilespmem:s30], [sflag:$0x1] =	stream.strided.gather [hbm4b:s25+s13], $0x0, s14, s13, $0x38;
	[tilespmem:$0x10400] =	vst v63  }
0x256: {  	s24 =	sadd.s32 s6, s24;
	s29 =	sadd.s32 $0xC520, s23;
	s1 =	sand.u32 $0x1FFFFFF0, s1  }
0x257: {  	[tilespmem:s30], [sflag:$0x1] =	stream.linear.gather [hbm4b:s25+s2], $0x20, $0x38;
	[tilespmem:$0x10400] =	vst v63  }
0x258: {  	_ = 	snop  }
0x259: {  	[tilespmem:s29], [sflag:$0x1] =	stream.strided.gather [hbm4b:s24+s13], $0x0, s14, s13, $0x38;
	[tilespmem:$0x10400] =	vst v63  }
0x25a: {  	s26 =	sadd.s32 s6, s26;
	s25 =	sadd.s32 $0xC540, s23  }
0x25b: {  	[tilespmem:s29], [sflag:$0x1] =	stream.linear.gather [hbm4b:s24+s2], $0x20, $0x38;
	[tilespmem:$0x10400] =	vst v63  }
0x25c: {  	_ = 	snop  }
0x25d: {  	[tilespmem:s25], [sflag:$0x1] =	stream.strided.gather [hbm4b:s26+s13], $0x0, s14, s13, $0x38;
	[tilespmem:$0x10400] =	vst v63  }
0x25e: {  	s16 =	sadd.s32 s6, s16;
	s24 =	sadd.s32 $0xC560, s23  }
0x25f: {  	[tilespmem:s25], [sflag:$0x1] =	stream.linear.gather [hbm4b:s26+s2], $0x20, $0x38;
	[tilespmem:$0x10400] =	vst v63  }
0x260: {  	_ = 	snop  }
0x261: {  	[tilespmem:s24], [sflag:$0x1] =	stream.strided.gather [hbm4b:s16+s13], $0x0, s14, s13, $0x38;
	[tilespmem:$0x10400] =	vst v63  }
0x262: {  	s25 =	sadd.s32 $0xC580, s23;
	s26 =	sadd.s32 s6, s28  }
0x263: {  	[tilespmem:s24], [sflag:$0x1] =	stream.linear.gather [hbm4b:s16+s2], $0x20, $0x38;
	[tilespmem:$0x10400] =	vst v63  }
0x264: {  	_ = 	snop  }
0x265: {  	[tilespmem:s25], [sflag:$0x1] =	stream.strided.gather [hbm4b:s26+s13], $0x0, s14, s13, $0x38;
	[tilespmem:$0x10400] =	vst v63  }
0x266: {  	s0 =	sadd.s32 s6, s0;
	s16 =	sadd.s32 $0xC5A0, s23  }
0x267: {  	[tilespmem:s25], [sflag:$0x1] =	stream.linear.gather [hbm4b:s26+s2], $0x20, $0x38;
	[tilespmem:$0x10400] =	vst v63  }
0x268: {  	_ = 	snop  }
0x269: {  	[tilespmem:s16], [sflag:$0x1] =	stream.strided.gather [hbm4b:s0+s13], $0x0, s14, s13, $0x38;
	[tilespmem:$0x10400] =	vst v63  }
0x26a: {  	s18 =	sadd.s32 s6, s18;
	s25 =	sadd.s32 $0xC5C0, s23  }
0x26b: {  	[tilespmem:s16], [sflag:$0x1] =	stream.linear.gather [hbm4b:s0+s2], $0x20, $0x38;
	[tilespmem:$0x10400] =	vst v63  }
0x26c: {  	_ = 	snop  }
0x26d: {  	[tilespmem:s25], [sflag:$0x1] =	stream.strided.gather [hbm4b:s18+s13], $0x0, s14, s13, $0x38;
	[tilespmem:$0x10400] =	vst v63  }
.Ltmp3:
0x26e: {  	_ = 	snop;
	(pc) =	sbr.rel @p0 .LBB2_8-.Ltmp3, $4  }
0x26f: {  	s24 =	sadd.s32 s6, s1;
	s23 =	sadd.s32 $0xC5E0, s23  }
0x270: {  	[tilespmem:s25], [sflag:$0x1] =	stream.linear.gather [hbm4b:s18+s2], $0x20, $0x38;
	[tilespmem:$0x10400] =	vst v63  }
0x271: {  	_ = 	snop  }
0x272: {  	[tilespmem:s23], [sflag:$0x1] =	stream.strided.gather [hbm4b:s24+s13], $0x0, s14, s13, $0x38;
	[tilespmem:$0x10400] =	vst v63  }
0x273: {  	[tilespmem:s23], [sflag:$0x1] =	stream.linear.gather [hbm4b:s24+s2], $0x20, $0x38;
	[tilespmem:$0x10400] =	vst v63  }
0x274: {  	_ =	swait.ge [sflag:s17], $0x4000  }
0x275: {  	[sflag:s17] =	ssyncset.done $0x0  }
0x276: {  	[sflag:s17] =	ssyncadd.s32 $0xFFFFC000  }
0x277: {  	_ =	swait.ge [sflag:s17], $0x4000  }
0x278: {  	[sflag:s17] =	ssyncset.done $0x0  }
0x279: {  	[sflag:s17] =	ssyncadd.s32 $0xFFFFC000  }
0x27a: {  	_ =	swait.ge [sflag:s17], $0x4000  }
0x27b: {  	[sflag:s17] =	ssyncset.done $0x0  }
0x27c: {  	[sflag:s17] =	ssyncadd.s32 $0xFFFFC000  }
0x27d: {  	_ =	swait.ge [sflag:s17], $0x4000  }
0x27e: {  	[sflag:s17] =	ssyncset.done $0x0  }
0x27f: {  	s21 =	simm.s32 $0x0;
	[sflag:s17] =	ssyncadd.s32 $0xFFFFC000  }
0x280: {  	v7 =	vld [tilespmem:s21+$0x4400]  }
0x281: {  	v11 =	vld [tilespmem:s21+$0x4410]  }
0x282: {  	v5 =	vld [tilespmem:s21+$0x4420]  }
0x283: {  	v4 =	vld [tilespmem:s21+$0x4430]  }
0x284: {  	v3 =	vld [tilespmem:s21+$0x4440]  }
0x285: {  	v2 =	vld [tilespmem:s21+$0x4450]  }
0x286: {  	v1 =	vld [tilespmem:s21+$0x4460]  }
0x287: {  	v0 =	vld [tilespmem:s21+$0x4470]  }
0x288: {  	v12 =	vld [tilespmem:s21+$0x400]  }
0x289: {  	v13 =	vld [tilespmem:s21+$0x410]  }
0x28a: {  	v10 =	vld [tilespmem:s21+$0x420]  }
0x28b: {  	v9 =	vld [tilespmem:s21+$0x430]  }
0x28c: {  	v8 =	vld [tilespmem:s21+$0x440]  }
0x28d: {  	v6 =	vld [tilespmem:s21+$0x450];
	v12 =	vmul.f32 v7, v12  }
0x28e: {  	s22 =	simm.s32 $0x200;
	v11 =	vmul.f32 v11, v13;
	v7 =	vld [tilespmem:s21+$0x460]  }
.LBB2_10:
0x28f: {  	s0 =	sshra.s32 s22, $0x2;
	p0 =	sne.s32 s22, $0xFE00;
	[tilespmem:s21+$0x400] =	vst v12;
	v5 =	vmul.f32 v5, v10;
	v10 =	vld [tilespmem:s21+$0x470]  }
0x290: {  	v12 =	vld [tilespmem:s0+$0x4400];
	[tilespmem:s21+$0x410] =	vst v11;
	v4 =	vmul.f32 v4, v9  }
0x291: {  	v11 =	vld [tilespmem:s0+$0x4410];
	[tilespmem:s21+$0x420] =	vst v5;
	v3 =	vmul.f32 v3, v8  }
0x292: {  	v5 =	vld [tilespmem:s0+$0x4420];
	[tilespmem:s21+$0x430] =	vst v4;
	v2 =	vmul.f32 v2, v6  }
0x293: {  	v4 =	vld [tilespmem:s0+$0x4430];
	[tilespmem:s21+$0x440] =	vst v3;
	v1 =	vmul.f32 v1, v7  }
0x294: {  	v3 =	vld [tilespmem:s0+$0x4440];
	[tilespmem:s21+$0x450] =	vst v2;
	v0 =	vmul.f32 v0, v10  }
0x295: {  	v2 =	vld [tilespmem:s0+$0x4450];
	[tilespmem:s21+$0x460] =	vst v1  }
0x296: {  	v1 =	vld [tilespmem:s0+$0x4460];
	[tilespmem:s21+$0x470] =	vst v0;
	s21 =	smov.u32 s0  }
0x297: {  	v0 =	vld [tilespmem:s21+$0x4470]  }
0x298: {  	v6 =	vld [tilespmem:s21+$0x400]  }
0x299: {  	v7 =	vld [tilespmem:s21+$0x410]  }
.Ltmp4:
0x29a: {  	v10 =	vld [tilespmem:s21+$0x420];
	(pc) =	sbr.rel @p0 .LBB2_10-.Ltmp4, $4  }
0x29b: {  	v9 =	vld [tilespmem:s21+$0x430]  }
0x29c: {  	v8 =	vld [tilespmem:s21+$0x440]  }
0x29d: {  	v12 =	vmul.f32 v12, v6;
	v6 =	vld [tilespmem:s21+$0x450]  }
0x29e: {  	s22 =	sadd.s32 $0x200, s22;
	v11 =	vmul.f32 v11, v7;
	v7 =	vld [tilespmem:s21+$0x460]  }
0x29f: {  	[tilespmem:s21+$0x400] =	vst v12;
	v5 =	vmul.f32 v5, v10;
	v63 =	vld [tilespmem:s21+$0x470]  }
0x2a0: {  	[tilespmem:s21+$0x410] =	vst v11;
	v4 =	vmul.f32 v4, v9  }
0x2a1: {  	[tilespmem:s21+$0x420] =	vst v5;
	v3 =	vmul.f32 v3, v8  }
0x2a2: {  	[tilespmem:s21+$0x430] =	vst v4;
	v2 =	vmul.f32 v2, v6  }
0x2a3: {  	[tilespmem:s21+$0x440] =	vst v3;
	v1 =	vmul.f32 v1, v7  }
0x2a4: {  	[tilespmem:s21+$0x450] =	vst v2;
	v0 =	vmul.f32 v0, v63  }
0x2a5: {  	[tilespmem:s21+$0x460] =	vst v1  }
0x2a6: {  	[tilespmem:s21+$0x470] =	vst v0  }
0x2a7: {  	[hbm4b:s8+s2] =	stream.linear.scatter [tilespmem:s14], [sflag:$0x2], $0x4000, $0x38;
	[tilespmem:$0x10400] =	vst v63  }
0x2a8: {  	_ =	swait.ge [sflag:s15], $0x4000  }
0x2a9: {  	[sflag:s15] =	ssyncset.done $0x0  }
0x2aa: {  	s0 =	simm.s32 $0x8400;
	[sflag:s15] =	ssyncadd.s32 $0xFFFFC000  }
0x2ab: {  	[hbm4b:s10+s2] =	stream.linear.scatter [tilespmem:s0], [sflag:$0x2], $0x4000, $0x38;
	[tilespmem:$0x10400] =	vst v63  }
0x2ac: {  	s20 =	sadd.s32 $0x1, s20;
	_ =	swait.ge [sflag:s15], $0x4000  }
0x2ad: {  	p0 =	sne.s32 s20, s12;
	[sflag:s15] =	ssyncset.done $0x0  }
.Ltmp5:
0x2ae: {  	[sflag:s15] =	ssyncadd.s32 $0xFFFFC000;
	(pc) =	sbr.rel @p0 .LBB2_1-.Ltmp5, $4  }
0x2af: {  	[hbm4b:s11+s2] =	stream.linear.scatter [tilespmem:s19], [sflag:$0x2], $0x4000, $0x38;
	[tilespmem:$0x10400] =	vst v63  }
0x2b0: {  	_ =	swait.ge [sflag:s15], $0x4000  }
0x2b1: {  	[sflag:s15] =	ssyncset.done $0x0  }
0x2b2: {  	[sflag:s15] =	ssyncadd.s32 $0xFFFFC000  }
0x2b3: {  	_ =	sfence.sel $0x180000  }
0x2b4: {  	[bflag:$0x0] =	sbarrier.arrive $0xFFFF  }
0x2b5: {  	_ =	strace $0x90000047  }
0x2b6: {  	s0 =	stileid.u32;
	[bflag:$0x2] =	sbarrier.arrive $0xFFFF  }
0x2b7: {  	p0 =	sne.s32 s0, $0x0;
	s0 =	rddreg [dreg:$0x2]  }
0x2b8: {  	s0 =	sadd.s32 @!p0 $0x100000, s0  }
0x2b9: {  	[sflag:s0] =	ssyncadd.tile.s32 @!p0 $0x1;
	_ =	shalt  }
.Lfunc_end2:
_tile_overlayer_lowered:
.L_overlay_start_2:
0x2ba: {  	(tag) =	ssettag $0x2  }
0x2bb: {  	s0 =	rddreg [dreg:$0x0];
	s2 =	stileid.u32  }
0x2bc: {  	s1 =	rddreg [dreg:$0x1];
	p0 =	sne.s32 s2, $0x0  }
0x2bd: {  	s3 =	rddreg [dreg:$0x2];
	[bflag:$0x3] =	sbarrier.arrive $0xFFFF;
	s2 =	simm.s32 @!p0 $0x1C02  }
0x2be: {  	[timem:s3], [sflag:s2] =	dma.local @!p0 [hbm:s0], s1  }
0x2bf: {  	s0 =	simm.s32 @!p0 $0x2  }
0x2c0: {  	_ =	swait.ge @!p0 [sflag:s0], s1  }
0x2c1: {  	s1 =	ssub.s32 @!p0 $0x0, s1;
	[sflag:s0] =	ssyncset.done @!p0 $0x0  }
0x2c2: {  	[sflag:s0] =	ssyncadd.s32 @!p0 s1  }
0x2c3: {  	[bflag:$0x3] =	sbarrier.arrive $0xFFFF  }
0x2c4: {  	_ =	shalt  }

</sc_bundles>
